<compile_context>
chip_gen: v7x
topology: tpu7x:2x2x1
jax: 0.10.2.dev20260603
libtpu: 0.0.44.dev20260713+nightly
codegen_flags: <defaults>
</compile_context>

<pallas_src>
import dataclasses
import functools

import jax
import jax.numpy as jnp
from jax import lax
from jax.experimental import pallas as pl
from jax.experimental.pallas import tpu as pltpu
from jax.experimental.pallas import tpu_sc as plsc

N = 10000
NP = 10240
E = 320000
D = 128

NC = 2
NS = 16
LANES = 16
E_PER_CORE = E // NC
E_PER_TILE = E_PER_CORE // NS
CK = 80
NCHUNK = E_PER_TILE // CK
ROWS_PER_TILE = NP // NS

_MESH = plsc.VectorSubcoreMesh(core_axis_name="c", subcore_axis_name="s")

_SC_CP = pltpu.CompilerParams()
if "needs_layout_passes" in pltpu.CompilerParams.__dataclass_fields__:
    _SC_CP = dataclasses.replace(_SC_CP, needs_layout_passes=False)


NW = NC * NS


def _sc_degrees(src, dst):

    @functools.partial(
        pl.kernel,
        out_type=(
            jax.ShapeDtypeStruct((NW, NP), jnp.float32),
            jax.ShapeDtypeStruct((NW, NP), jnp.float32),
        ),
        mesh=_MESH,
        scratch_types=[
            pltpu.VMEM((E_PER_TILE,), jnp.int32),
            pltpu.VMEM((E_PER_TILE,), jnp.int32),
            pltpu.VMEM((NP,), jnp.float32),
            pltpu.VMEM((NP,), jnp.float32),
            pltpu.SemaphoreType.DMA,
            pltpu.SemaphoreType.DMA,
        ],
        compiler_params=_SC_CP,
    )
    def k(src_hbm, dst_hbm, odeg_hbm, ideg_hbm, sidx, didx, hist_o, hist_i,
          sem_a, sem_b):
        core = lax.axis_index("c")
        sub = lax.axis_index("s")
        wid = core * NS + sub
        base = wid * E_PER_TILE

        pltpu.async_copy(src_hbm.at[pl.ds(base, E_PER_TILE)], sidx, sem_a)
        pltpu.async_copy(dst_hbm.at[pl.ds(base, E_PER_TILE)], didx, sem_b)

        @pl.loop(0, NP // LANES)
        def _(r):
            z = jnp.zeros((LANES,), jnp.float32)
            hist_o[pl.ds(r * LANES, LANES)] = z
            hist_i[pl.ds(r * LANES, LANES)] = z

        pltpu.make_async_copy(src_hbm.at[pl.ds(base, E_PER_TILE)], sidx,
                              sem_a).wait()
        pltpu.make_async_copy(dst_hbm.at[pl.ds(base, E_PER_TILE)], didx,
                              sem_b).wait()
        ones16 = jnp.ones((LANES,), jnp.float32)

        @pl.loop(0, E_PER_TILE // LANES)
        def _(g):
            sl = pl.ds(g * LANES, LANES)
            plsc.addupdate_scatter(hist_o, [sidx[sl]], ones16)
            plsc.addupdate_scatter(hist_i, [didx[sl]], ones16)

        pltpu.sync_copy(hist_o, odeg_hbm.at[wid])
        pltpu.sync_copy(hist_i, ideg_hbm.at[wid])

    return k(src, dst)


RCHUNK = ROWS_PER_TILE // CK


def _sc_spmm(xp, src, dst3d):

    @functools.partial(
        pl.kernel,
        out_type=jax.ShapeDtypeStruct((NC, NP, D), jnp.float32),
        mesh=_MESH,
        scratch_types=[
            pltpu.VMEM((E_PER_TILE,), jnp.int32),
            pltpu.VMEM((NCHUNK, CK), jnp.int32),
            pltpu.VMEM((CK, D), jnp.float32),
            pltpu.VMEM((CK, D), jnp.float32),
            pltpu.VMEM_SHARED((NP, D), jnp.float32),
            pltpu.SemaphoreType.DMA,
            pltpu.SemaphoreType.DMA,
            pltpu.SemaphoreType.DMA,
            pltpu.SemaphoreType.DMA,
        ],
    )
    def k(xp_hbm, src_hbm, dst_hbm, out_hbm, sidx, didx, rows_a, rows_b,
          acc, sem_a, sem_b, sem_sa, sem_sb):
        core = lax.axis_index("c")
        sub = lax.axis_index("s")
        wid = core * NS + sub
        row0 = sub * ROWS_PER_TILE
        base = wid * E_PER_TILE

        pltpu.async_copy(src_hbm.at[pl.ds(base, E_PER_TILE)], sidx, sem_a)
        pltpu.async_copy(dst_hbm.at[wid], didx, sem_b)

        @pl.loop(0, CK)
        def _(r):
            for cc in range(D // LANES):
                rows_a[r, pl.ds(cc * LANES, LANES)] = jnp.zeros(
                    (LANES,), jnp.float32)

        for kk in range(RCHUNK):
            pltpu.sync_copy(rows_a, acc.at[pl.ds(row0 + kk * CK, CK)])
        pltpu.make_async_copy(src_hbm.at[pl.ds(base, E_PER_TILE)], sidx,
                              sem_a).wait()
        pltpu.make_async_copy(dst_hbm.at[wid], didx, sem_b).wait()
        plsc.subcore_barrier()

        class gdesc:

            def __init__(self, ci, buf, sem):
                h = CK // 2
                self.parts = [
                    pltpu.make_async_copy(
                        xp_hbm.at[sidx.at[pl.ds(ci * CK, h)]],
                        buf.at[pl.ds(0, h)], sem),
                    pltpu.make_async_copy(
                        xp_hbm.at[sidx.at[pl.ds(ci * CK + h, h)]],
                        buf.at[pl.ds(h, h)], sem),
                ]

            def start(self):
                for p in self.parts:
                    p.start()

            def wait(self):
                for p in self.parts:
                    p.wait()

        class sdesc:

            def __init__(self, ci, buf, sem):
                self.args = (buf, acc.at[didx.at[ci]], sem)

            def start(self):
                pltpu.async_copy(*self.args, add=True)

            def wait(self):
                pltpu.make_async_copy(*self.args).wait()

        gdesc(0, rows_a, sem_a).start()
        gdesc(1, rows_b, sem_b).start()

        @pl.loop(0, (NCHUNK - 3) // 2)
        def _(i):
            c0 = 2 * i
            gdesc(c0, rows_a, sem_a).wait()
            sdesc(c0, rows_a, sem_sa).start()
            gdesc(c0 + 1, rows_b, sem_b).wait()
            sdesc(c0 + 1, rows_b, sem_sb).start()
            sdesc(c0, rows_a, sem_sa).wait()
            gdesc(c0 + 2, rows_a, sem_a).start()
            sdesc(c0 + 1, rows_b, sem_sb).wait()
            gdesc(c0 + 3, rows_b, sem_b).start()

        gdesc(NCHUNK - 3, rows_a, sem_a).wait()
        sdesc(NCHUNK - 3, rows_a, sem_sa).start()
        gdesc(NCHUNK - 2, rows_b, sem_b).wait()
        sdesc(NCHUNK - 2, rows_b, sem_sb).start()
        sdesc(NCHUNK - 3, rows_a, sem_sa).wait()
        gdesc(NCHUNK - 1, rows_a, sem_a).start()
        gdesc(NCHUNK - 1, rows_a, sem_a).wait()
        sdesc(NCHUNK - 1, rows_a, sem_sa).start()
        sdesc(NCHUNK - 1, rows_a, sem_sa).wait()
        sdesc(NCHUNK - 2, rows_b, sem_sb).wait()

        plsc.subcore_barrier()

        for kk in range(RCHUNK):
            r0 = row0 + kk * CK
            pltpu.sync_copy(acc.at[pl.ds(r0, CK)], rows_a)
            pltpu.sync_copy(rows_a, out_hbm.at[core, pl.ds(r0, CK)])

    return k(xp, src, dst3d)


BR = 1024


def _deg_vec(d_ref):
    return jnp.sum(d_ref[...], axis=0)


def _tc_scale_body(x_ref, od_ref, o_ref):
    ns = lax.rsqrt(jnp.maximum(_deg_vec(od_ref), 1.0))
    o_ref[...] = x_ref[...] * ns[:, None]


def _tc_layer1_body(agg_ref, od_ref, id_ref, w_ref, b_ref, o_ref):
    agg = agg_ref[0] + agg_ref[1]
    nd = lax.rsqrt(jnp.maximum(_deg_vec(id_ref), 1.0))
    ns = lax.rsqrt(jnp.maximum(_deg_vec(od_ref), 1.0))
    h = jnp.dot(agg * nd[:, None], w_ref[...],
                preferred_element_type=jnp.float32) + b_ref[...]
    o_ref[...] = jnp.maximum(h, 0.0) * ns[:, None]


def _tc_readout_body(agg_ref, id_ref, w2_ref, b2_ref, wro_ref, bro_ref,
                     o_ref, acc_ref):
    i = pl.program_id(0)
    agg = agg_ref[0] + agg_ref[1]
    nd = lax.rsqrt(jnp.maximum(_deg_vec(id_ref), 1.0))
    part = jnp.sum(agg * nd[:, None], axis=0, keepdims=True)

    @pl.when(i == 0)
    def _():
        acc_ref[...] = part

    @pl.when(i > 0)
    def _():
        acc_ref[...] = acc_ref[...] + part

    @pl.when(i == pl.num_programs(0) - 1)
    def _():
        g = jnp.dot(acc_ref[...] * (1.0 / N), w2_ref[...],
                    preferred_element_type=jnp.float32) + b2_ref[...]
        z = jnp.sum(g * wro_ref[...], axis=1, keepdims=True) + bro_ref[...]
        o_ref[...] = jax.nn.sigmoid(z)


def _deg_spec():
    return pl.BlockSpec((NW, BR), lambda i: (0, i))


def _full(shape):
    return pl.BlockSpec(shape, lambda i: tuple(0 for _ in shape))


def _tc_scale(x, odeg):
    return pl.pallas_call(
        _tc_scale_body,
        grid=(NP // BR,),
        in_specs=[pl.BlockSpec((BR, D), lambda i: (i, 0)), _deg_spec()],
        out_specs=pl.BlockSpec((BR, D), lambda i: (i, 0)),
        out_shape=jax.ShapeDtypeStruct((NP, D), jnp.float32),
    )(x, odeg)


def _tc_layer1(agg, odeg, ideg, W1, b1):
    return pl.pallas_call(
        _tc_layer1_body,
        grid=(NP // BR,),
        in_specs=[
            pl.BlockSpec((NC, BR, D), lambda i: (0, i, 0)),
            _deg_spec(), _deg_spec(),
            _full((D, D)), _full((1, D)),
        ],
        out_specs=pl.BlockSpec((BR, D), lambda i: (i, 0)),
        out_shape=jax.ShapeDtypeStruct((NP, D), jnp.float32),
    )(agg, odeg, ideg, W1, b1)


def _tc_readout(agg, ideg, W2, b2, W_ro, b_ro):
    return pl.pallas_call(
        _tc_readout_body,
        grid=(NP // BR,),
        in_specs=[
            pl.BlockSpec((NC, BR, D), lambda i: (0, i, 0)),
            _deg_spec(),
            _full((D, D)), _full((1, D)), _full((1, D)), _full((1, 1)),
        ],
        out_specs=_full((1, 1)),
        out_shape=jax.ShapeDtypeStruct((1, 1), jnp.float32),
        scratch_shapes=[pltpu.VMEM((1, D), jnp.float32)],
    )(agg, ideg, W2, b2, W_ro, b_ro)


def kernel(x, edge_index, W1, b1, W2, b2, W_ro, b_ro):
    src = edge_index[0]
    dst3d = edge_index[1].reshape(NW, NCHUNK, CK)
    odeg, ideg = _sc_degrees(src, edge_index[1])
    x_pad = jnp.pad(x, ((0, NP - N), (0, 0)))
    xp = _tc_scale(x_pad, odeg)
    agg1 = _sc_spmm(xp, src, dst3d)
    h1p = _tc_layer1(agg1, odeg, ideg, W1, b1.reshape(1, D))
    agg2 = _sc_spmm(h1p, src, dst3d)
    out = _tc_readout(agg2, ideg, W2, b2.reshape(1, D),
                      W_ro.reshape(1, D), b_ro.reshape(1, 1))
    return jnp.squeeze(out)

# --- scband reference (transcript-rebuilt; emitter-appended) ---
"""Pipeline reference for scband-gcnmodel-13915694039542 (READ-ONLY COPY).

The authoritative reference and input builder live on the scoring server;
editing this copy changes nothing except your own understanding.
"""

import jax, jax.numpy as jnp
import numpy as np

N = 10000
E = 320000
D = 128
H = 128


def setup_inputs(seed: int = 0) -> dict:
    key = jax.random.key(seed)
    ks = jax.random.split(key, 9)
    x = jax.random.normal(ks[0], (N, D), dtype=jnp.float32)
    edge_index = jax.random.randint(ks[1], (2, E), 0, N, dtype=jnp.int32)
    # GraphConv 1: in_feats=128 -> hidden=128 (glorot-ish init)
    W1 = jax.random.normal(ks[2], (D, H), dtype=jnp.float32) * (1.0 / np.sqrt(D))
    b1 = jnp.zeros((H,), dtype=jnp.float32)
    # GraphConv 2: hidden -> hidden
    W2 = jax.random.normal(ks[3], (H, H), dtype=jnp.float32) * (1.0 / np.sqrt(H))
    b2 = jnp.zeros((H,), dtype=jnp.float32)
    # readout Linear(hidden, 1)
    W_ro = jax.random.normal(ks[4], (H, 1), dtype=jnp.float32) * (1.0 / np.sqrt(H))
    b_ro = jnp.zeros((1,), dtype=jnp.float32)
    return {"x": x, "edge_index": edge_index, "W1": W1, "b1": b1,
            "W2": W2, "b2": b2, "W_ro": W_ro, "b_ro": b_ro}


def _gcn_conv(x, src, dst, W, b):
    # DGL GraphConv with norm='both', allow_zero_in_degree=True:
    # h = D_in^{-1/2} A D_out^{-1/2} x W + b   (degrees clamped to min 1)
    n = x.shape[0]
    e = src.shape[0]
    ones = jnp.ones((e,), dtype=x.dtype)
    out_deg = jax.ops.segment_sum(ones, src, num_segments=n)
    in_deg = jax.ops.segment_sum(ones, dst, num_segments=n)
    norm_src = jnp.maximum(out_deg, 1.0) ** -0.5
    norm_dst = jnp.maximum(in_deg, 1.0) ** -0.5
    h = x * norm_src[:, None]
    msgs = jnp.take(h, src, axis=0)          # gather over edges
    agg = jax.ops.segment_sum(msgs, dst, num_segments=n)  # scatter-add
    agg = agg * norm_dst[:, None]
    return agg @ W + b


def reference(x, edge_index, W1, b1, W2, b2, W_ro, b_ro):
    src = edge_index[0]
    dst = edge_index[1]
    h = jax.nn.relu(_gcn_conv(x, src, dst, W1, b1))
    h = _gcn_conv(h, src, dst, W2, b2)
    # dgl.mean_nodes over a single graph -> mean over all nodes
    graph_embedding = jnp.mean(h, axis=0, keepdims=True)  # [1, H]
    probs = jax.nn.sigmoid(graph_embedding @ W_ro + b_ro)  # [1, 1]
    return jnp.squeeze(probs)

if __name__ == "__main__":
    import jax
    _d = setup_inputs()
    print(jax.jit(kernel)(*tuple(_d.values())))

</pallas_src>

<mosaic_0001>
#map = affine_map<(d0, d1) -> (0)>
#map1 = affine_map<(d0, d1) -> (0, 0)>
module attributes {stable_mosaic.version = 14 : i64} {
  func.func @k(%arg0: i32, %arg1: i32, %arg2: memref<320000xi32, #tpu.memory_space<hbm>>, %arg3: memref<320000xi32, #tpu.memory_space<hbm>>, %arg4: memref<32x10240xf32, #tpu.memory_space<hbm>>, %arg5: memref<32x10240xf32, #tpu.memory_space<hbm>>, %arg6: memref<10000xi32, #tpu.memory_space<vmem>>, %arg7: memref<10000xi32, #tpu.memory_space<vmem>>, %arg8: memref<10240xf32, #tpu.memory_space<vmem>>, %arg9: memref<10240xf32, #tpu.memory_space<vmem>>, %arg10: memref<!tpu.dma_semaphore, #tpu.memory_space<semaphore_mem>>, %arg11: memref<!tpu.dma_semaphore, #tpu.memory_space<semaphore_mem>>) attributes {dimension_semantics = [#tpu.dimension_semantics<core_parallel>, #tpu.dimension_semantics<subcore_parallel>], iteration_bounds = array<i64: 2, 16>, scalar_prefetch = 0 : i64, scratch_operands = 6 : i64, tpu.core_type = #tpu.core_type<sc_vector_subcore>, window_params = [{transform_indices = #map}, {transform_indices = #map}, {transform_indices = #map1}, {transform_indices = #map1}]} {
    %mul3A = arith.constant 16 : i32
    %mul3A_0 = arith.muli %arg0, %mul3A : i32
    %add3A = arith.addi %mul3A_0, %arg1 : i32
    %mul3A_1 = arith.constant 10000 : i32
    %mul3A_2 = arith.muli %add3A, %mul3A_1 : i32
    %dma_start3A = tpu.memref_slice %arg2[%mul3A_2] : memref<320000xi32, #tpu.memory_space<hbm>> -> memref<10000xi32, #tpu.memory_space<hbm>>
    %dma_start3A_3 = tpu.memref_slice %arg2[%mul3A_2] : memref<320000xi32, #tpu.memory_space<hbm>> -> memref<10000xi32, #tpu.memory_space<hbm>>
    tpu.enqueue_dma source(%dma_start3A_3 : memref<10000xi32, #tpu.memory_space<hbm>>) target(%arg6 : memref<10000xi32, #tpu.memory_space<vmem>>) target_semaphore(%arg10 : memref<!tpu.dma_semaphore, #tpu.memory_space<semaphore_mem>>)
    %dma_start3A_4 = tpu.memref_slice %arg3[%mul3A_2] : memref<320000xi32, #tpu.memory_space<hbm>> -> memref<10000xi32, #tpu.memory_space<hbm>>
    %dma_start3A_5 = tpu.memref_slice %arg3[%mul3A_2] : memref<320000xi32, #tpu.memory_space<hbm>> -> memref<10000xi32, #tpu.memory_space<hbm>>
    tpu.enqueue_dma source(%dma_start3A_5 : memref<10000xi32, #tpu.memory_space<hbm>>) target(%arg7 : memref<10000xi32, #tpu.memory_space<vmem>>) target_semaphore(%arg11 : memref<!tpu.dma_semaphore, #tpu.memory_space<semaphore_mem>>)
    %scan3A = arith.constant 0 : i32
    %scan3A_6 = arith.constant 640 : i32
    %scan3A_7 = arith.addi %scan3A, %scan3A_6 : i32
    %scan3A_8 = arith.constant 1 : i32
    scf.for %scan3A_19 = %scan3A to %scan3A_7 step %scan3A_8  : i32 {
      %mul3A_20 = arith.constant 1 : i32
      %mul3A_21 = arith.muli %scan3A_19, %mul3A_20 : i32
      %add3A_22 = arith.constant 0 : i32
      %add3A_23 = arith.addi %add3A_22, %mul3A_21 : i32
      %broadcast_in_dim3A_24 = arith.constant 0.000000e+00 : f32
      %broadcast_in_dim3A_25 = vector.broadcast %broadcast_in_dim3A_24 : f32 to vector<16xf32>
      %mul3A_26 = arith.constant 16 : i32
      %mul3A_27 = arith.muli %add3A_23, %mul3A_26 : i32
      %swap3A = arith.index_cast %mul3A_27 : i32 to index
      %swap3A_28 = tpu.vector_load %arg8[%swap3A] {strides = array<i32>} : memref<10240xf32, #tpu.memory_space<vmem>>, vector<16xf32>,
      tpu.vector_store %arg8[%swap3A], %broadcast_in_dim3A_25 {strides = array<i32>} : memref<10240xf32, #tpu.memory_space<vmem>>, vector<16xf32>,
      %mul3A_29 = arith.constant 16 : i32
      %mul3A_30 = arith.muli %add3A_23, %mul3A_29 : i32
      %swap3A_31 = arith.index_cast %mul3A_30 : i32 to index
      %swap3A_32 = tpu.vector_load %arg9[%swap3A_31] {strides = array<i32>} : memref<10240xf32, #tpu.memory_space<vmem>>, vector<16xf32>,
      tpu.vector_store %arg9[%swap3A_31], %broadcast_in_dim3A_25 {strides = array<i32>} : memref<10240xf32, #tpu.memory_space<vmem>>, vector<16xf32>,
    }
    %scan3A_9 = arith.constant 640 : i32
    %dma_wait3A = tpu.memref_slice %arg2[%mul3A_2] : memref<320000xi32, #tpu.memory_space<hbm>> -> memref<10000xi32, #tpu.memory_space<hbm>>
    %dma_wait3A_10 = tpu.memref_slice %arg2[%mul3A_2] : memref<320000xi32, #tpu.memory_space<hbm>> -> memref<10000xi32, #tpu.memory_space<hbm>>
    tpu.wait_dma2 semaphore(%arg10 : memref<!tpu.dma_semaphore, #tpu.memory_space<semaphore_mem>>) src(%dma_wait3A_10 : memref<10000xi32, #tpu.memory_space<hbm>>) dst(%arg6 : memref<10000xi32, #tpu.memory_space<vmem>>)
    %dma_wait3A_11 = tpu.memref_slice %arg3[%mul3A_2] : memref<320000xi32, #tpu.memory_space<hbm>> -> memref<10000xi32, #tpu.memory_space<hbm>>
    %dma_wait3A_12 = tpu.memref_slice %arg3[%mul3A_2] : memref<320000xi32, #tpu.memory_space<hbm>> -> memref<10000xi32, #tpu.memory_space<hbm>>
    tpu.wait_dma2 semaphore(%arg11 : memref<!tpu.dma_semaphore, #tpu.memory_space<semaphore_mem>>) src(%dma_wait3A_12 : memref<10000xi32, #tpu.memory_space<hbm>>) dst(%arg7 : memref<10000xi32, #tpu.memory_space<vmem>>)
    %broadcast_in_dim3A = arith.constant 1.000000e+00 : f32
    %broadcast_in_dim3A_13 = vector.broadcast %broadcast_in_dim3A : f32 to vector<16xf32>
    %scan3A_14 = arith.constant 0 : i32
    %scan3A_15 = arith.constant 625 : i32
    %scan3A_16 = arith.addi %scan3A_14, %scan3A_15 : i32
    %scan3A_17 = arith.constant 1 : i32
    scf.for %scan3A_19 = %scan3A_14 to %scan3A_16 step %scan3A_17  : i32 {
      %mul3A_20 = arith.constant 1 : i32
      %mul3A_21 = arith.muli %scan3A_19, %mul3A_20 : i32
      %add3A_22 = arith.constant 0 : i32
      %add3A_23 = arith.addi %add3A_22, %mul3A_21 : i32
      %mul3A_24 = arith.constant 16 : i32
      %mul3A_25 = arith.muli %add3A_23, %mul3A_24 : i32
      %get3A = arith.index_cast %mul3A_25 : i32 to index
      %get3A_26 = tpu.vector_load %arg6[%get3A] {strides = array<i32>} : memref<10000xi32, #tpu.memory_space<vmem>>, vector<16xi32>,
      tpu.vector_store_idx %arg8[%get3A_26], %broadcast_in_dim3A_13 {add = true} : memref<10240xf32, #tpu.memory_space<vmem>>[vector<16xi32>], vector<16xf32>,
      %get3A_27 = arith.index_cast %mul3A_25 : i32 to index
      %get3A_28 = tpu.vector_load %arg7[%get3A_27] {strides = array<i32>} : memref<10000xi32, #tpu.memory_space<vmem>>, vector<16xi32>,
      tpu.vector_store_idx %arg9[%get3A_28], %broadcast_in_dim3A_13 {add = true} : memref<10240xf32, #tpu.memory_space<vmem>>[vector<16xi32>], vector<16xf32>,
    }
    %scan3A_18 = arith.constant 625 : i32
    "tpu.region"() ({
      %run_scoped3A = tpu.sem_alloc : memref<!tpu.dma_semaphore, #tpu.memory_space<semaphore_mem>>
      %dma_start3A_19 = arith.constant 0 : i32
      %dma_start3A_20 = tpu.memref_slice %arg4[%add3A, %dma_start3A_19] : memref<32x10240xf32, #tpu.memory_space<hbm>> -> memref<1x10240xf32, #tpu.memory_space<hbm>>
      %dma_start3A_21 = tpu.memref_squeeze %dma_start3A_20 : memref<1x10240xf32, #tpu.memory_space<hbm>> -> memref<10240xf32, #tpu.memory_space<hbm>>
      %dma_start3A_22 = arith.constant 0 : i32
      %dma_start3A_23 = tpu.memref_slice %arg4[%add3A, %dma_start3A_22] : memref<32x10240xf32, #tpu.memory_space<hbm>> -> memref<1x10240xf32, #tpu.memory_space<hbm>>
      %dma_start3A_24 = tpu.memref_squeeze %dma_start3A_23 : memref<1x10240xf32, #tpu.memory_space<hbm>> -> memref<10240xf32, #tpu.memory_space<hbm>>
      tpu.enqueue_dma source(%arg8 : memref<10240xf32, #tpu.memory_space<vmem>>) target(%dma_start3A_24 : memref<10240xf32, #tpu.memory_space<hbm>>) target_semaphore(%run_scoped3A : memref<!tpu.dma_semaphore, #tpu.memory_space<semaphore_mem>>)
      %dma_wait3A_25 = arith.constant 0 : i32
      %dma_wait3A_26 = tpu.memref_slice %arg4[%add3A, %dma_wait3A_25] : memref<32x10240xf32, #tpu.memory_space<hbm>> -> memref<1x10240xf32, #tpu.memory_space<hbm>>
      %dma_wait3A_27 = tpu.memref_squeeze %dma_wait3A_26 : memref<1x10240xf32, #tpu.memory_space<hbm>> -> memref<10240xf32, #tpu.memory_space<hbm>>
      %dma_wait3A_28 = arith.constant 0 : i32
      %dma_wait3A_29 = tpu.memref_slice %arg4[%add3A, %dma_wait3A_28] : memref<32x10240xf32, #tpu.memory_space<hbm>> -> memref<1x10240xf32, #tpu.memory_space<hbm>>
      %dma_wait3A_30 = tpu.memref_squeeze %dma_wait3A_29 : memref<1x10240xf32, #tpu.memory_space<hbm>> -> memref<10240xf32, #tpu.memory_space<hbm>>
      tpu.wait_dma2 semaphore(%run_scoped3A : memref<!tpu.dma_semaphore, #tpu.memory_space<semaphore_mem>>) src(%arg8 : memref<10240xf32, #tpu.memory_space<vmem>>) dst(%dma_wait3A_30 : memref<10240xf32, #tpu.memory_space<hbm>>)
      tpu.yield
    }) : () -> ()
    "tpu.region"() ({
      %run_scoped3A = tpu.sem_alloc : memref<!tpu.dma_semaphore, #tpu.memory_space<semaphore_mem>>
      %dma_start3A_19 = arith.constant 0 : i32
      %dma_start3A_20 = tpu.memref_slice %arg5[%add3A, %dma_start3A_19] : memref<32x10240xf32, #tpu.memory_space<hbm>> -> memref<1x10240xf32, #tpu.memory_space<hbm>>
      %dma_start3A_21 = tpu.memref_squeeze %dma_start3A_20 : memref<1x10240xf32, #tpu.memory_space<hbm>> -> memref<10240xf32, #tpu.memory_space<hbm>>
      %dma_start3A_22 = arith.constant 0 : i32
      %dma_start3A_23 = tpu.memref_slice %arg5[%add3A, %dma_start3A_22] : memref<32x10240xf32, #tpu.memory_space<hbm>> -> memref<1x10240xf32, #tpu.memory_space<hbm>>
      %dma_start3A_24 = tpu.memref_squeeze %dma_start3A_23 : memref<1x10240xf32, #tpu.memory_space<hbm>> -> memref<10240xf32, #tpu.memory_space<hbm>>
      tpu.enqueue_dma source(%arg9 : memref<10240xf32, #tpu.memory_space<vmem>>) target(%dma_start3A_24 : memref<10240xf32, #tpu.memory_space<hbm>>) target_semaphore(%run_scoped3A : memref<!tpu.dma_semaphore, #tpu.memory_space<semaphore_mem>>)
      %dma_wait3A_25 = arith.constant 0 : i32
      %dma_wait3A_26 = tpu.memref_slice %arg5[%add3A, %dma_wait3A_25] : memref<32x10240xf32, #tpu.memory_space<hbm>> -> memref<1x10240xf32, #tpu.memory_space<hbm>>
      %dma_wait3A_27 = tpu.memref_squeeze %dma_wait3A_26 : memref<1x10240xf32, #tpu.memory_space<hbm>> -> memref<10240xf32, #tpu.memory_space<hbm>>
      %dma_wait3A_28 = arith.constant 0 : i32
      %dma_wait3A_29 = tpu.memref_slice %arg5[%add3A, %dma_wait3A_28] : memref<32x10240xf32, #tpu.memory_space<hbm>> -> memref<1x10240xf32, #tpu.memory_space<hbm>>
      %dma_wait3A_30 = tpu.memref_squeeze %dma_wait3A_29 : memref<1x10240xf32, #tpu.memory_space<hbm>> -> memref<10240xf32, #tpu.memory_space<hbm>>
      tpu.wait_dma2 semaphore(%run_scoped3A : memref<!tpu.dma_semaphore, #tpu.memory_space<semaphore_mem>>) src(%arg9 : memref<10240xf32, #tpu.memory_space<vmem>>) dst(%dma_wait3A_30 : memref<10240xf32, #tpu.memory_space<hbm>>)
      tpu.yield
    }) : () -> ()
    return
  }
}

#map = affine_map<(d0, d1) -> (0, 0)>
#map1 = affine_map<(d0, d1) -> (0)>
#map2 = affine_map<(d0, d1) -> (0, 0, 0)>
module attributes {stable_mosaic.version = 14 : i64} {
  func.func @k(%arg0: i32, %arg1: i32, %arg2: memref<10240x128xf32, #tpu.memory_space<hbm>>, %arg3: memref<320000xi32, #tpu.memory_space<hbm>>, %arg4: memref<32x125x80xi32, #tpu.memory_space<hbm>>, %arg5: memref<2x10240x128xf32, #tpu.memory_space<hbm>>, %arg6: memref<10000xi32, #tpu.memory_space<vmem>>, %arg7: memref<125x80xi32, #tpu.memory_space<vmem>>, %arg8: memref<80x128xf32, #tpu.memory_space<vmem>>, %arg9: memref<80x128xf32, #tpu.memory_space<vmem>>, %arg10: memref<10240x128xf32, #tpu.memory_space<vmem_shared>>, %arg11: memref<!tpu.dma_semaphore, #tpu.memory_space<semaphore_mem>>, %arg12: memref<!tpu.dma_semaphore, #tpu.memory_space<semaphore_mem>>, %arg13: memref<!tpu.dma_semaphore, #tpu.memory_space<semaphore_mem>>, %arg14: memref<!tpu.dma_semaphore, #tpu.memory_space<semaphore_mem>>) attributes {dimension_semantics = [#tpu.dimension_semantics<core_parallel>, #tpu.dimension_semantics<subcore_parallel>], iteration_bounds = array<i64: 2, 16>, scalar_prefetch = 0 : i64, scratch_operands = 9 : i64, tpu.core_type = #tpu.core_type<sc_vector_subcore>, window_params = [{transform_indices = #map}, {transform_indices = #map1}, {transform_indices = #map2}, {transform_indices = #map2}]} {
    %mul3A = arith.constant 16 : i32
    %mul3A_0 = arith.muli %arg0, %mul3A : i32
    %add3A = arith.addi %mul3A_0, %arg1 : i32
    %mul3A_1 = arith.constant 640 : i32
    %mul3A_2 = arith.muli %arg1, %mul3A_1 : i32
    %mul3A_3 = arith.constant 10000 : i32
    %mul3A_4 = arith.muli %add3A, %mul3A_3 : i32
    %dma_start3A = tpu.memref_slice %arg3[%mul3A_4] : memref<320000xi32, #tpu.memory_space<hbm>> -> memref<10000xi32, #tpu.memory_space<hbm>>
    %dma_start3A_5 = tpu.memref_slice %arg3[%mul3A_4] : memref<320000xi32, #tpu.memory_space<hbm>> -> memref<10000xi32, #tpu.memory_space<hbm>>
    tpu.enqueue_dma source(%dma_start3A_5 : memref<10000xi32, #tpu.memory_space<hbm>>) target(%arg6 : memref<10000xi32, #tpu.memory_space<vmem>>) target_semaphore(%arg11 : memref<!tpu.dma_semaphore, #tpu.memory_space<semaphore_mem>>)
    %dma_start3A_6 = arith.constant 0 : i32
    %dma_start3A_7 = arith.constant 0 : i32
    %dma_start3A_8 = tpu.memref_slice %arg4[%add3A, %dma_start3A_6, %dma_start3A_7] : memref<32x125x80xi32, #tpu.memory_space<hbm>> -> memref<1x125x80xi32, #tpu.memory_space<hbm>>
    %dma_start3A_9 = tpu.memref_squeeze %dma_start3A_8 : memref<1x125x80xi32, #tpu.memory_space<hbm>> -> memref<125x80xi32, #tpu.memory_space<hbm>>
    %dma_start3A_10 = arith.constant 0 : i32
    %dma_start3A_11 = arith.constant 0 : i32
    %dma_start3A_12 = tpu.memref_slice %arg4[%add3A, %dma_start3A_10, %dma_start3A_11] : memref<32x125x80xi32, #tpu.memory_space<hbm>> -> memref<1x125x80xi32, #tpu.memory_space<hbm>>
    %dma_start3A_13 = tpu.memref_squeeze %dma_start3A_12 : memref<1x125x80xi32, #tpu.memory_space<hbm>> -> memref<125x80xi32, #tpu.memory_space<hbm>>
    tpu.enqueue_dma source(%dma_start3A_13 : memref<125x80xi32, #tpu.memory_space<hbm>>) target(%arg7 : memref<125x80xi32, #tpu.memory_space<vmem>>) target_semaphore(%arg12 : memref<!tpu.dma_semaphore, #tpu.memory_space<semaphore_mem>>)
    %scan3A = arith.constant 0 : i32
    %scan3A_14 = arith.constant 80 : i32
    %scan3A_15 = arith.addi %scan3A, %scan3A_14 : i32
    %scan3A_16 = arith.constant 1 : i32
    scf.for %scan3A_203 = %scan3A to %scan3A_15 step %scan3A_16  : i32 {
      %mul3A_204 = arith.constant 1 : i32
      %mul3A_205 = arith.muli %scan3A_203, %mul3A_204 : i32
      %add3A_206 = arith.constant 0 : i32
      %add3A_207 = arith.addi %add3A_206, %mul3A_205 : i32
      %broadcast_in_dim3A = arith.constant 0.000000e+00 : f32
      %broadcast_in_dim3A_208 = vector.broadcast %broadcast_in_dim3A : f32 to vector<16xf32>
      %swap3A = arith.index_cast %add3A_207 : i32 to index
      %swap3A_209 = arith.constant 0 : index
      %swap3A_210 = tpu.vector_load %arg8[%swap3A, %swap3A_209] {strides = array<i32>} : memref<80x128xf32, #tpu.memory_space<vmem>>, vector<1x16xf32>,
      %swap3A_211 = vector.shape_cast %swap3A_210 : vector<1x16xf32> to vector<16xf32>
      %swap3A_212 = vector.shape_cast %broadcast_in_dim3A_208 : vector<16xf32> to vector<1x16xf32>
      tpu.vector_store %arg8[%swap3A, %swap3A_209], %swap3A_212 {strides = array<i32>} : memref<80x128xf32, #tpu.memory_space<vmem>>, vector<1x16xf32>,
      %broadcast_in_dim3A_213 = arith.constant 0.000000e+00 : f32
      %broadcast_in_dim3A_214 = vector.broadcast %broadcast_in_dim3A_213 : f32 to vector<16xf32>
      %swap3A_215 = arith.index_cast %add3A_207 : i32 to index
      %swap3A_216 = arith.constant 16 : index
      %swap3A_217 = tpu.vector_load %arg8[%swap3A_215, %swap3A_216] {strides = array<i32>} : memref<80x128xf32, #tpu.memory_space<vmem>>, vector<1x16xf32>,
      %swap3A_218 = vector.shape_cast %swap3A_217 : vector<1x16xf32> to vector<16xf32>
      %swap3A_219 = vector.shape_cast %broadcast_in_dim3A_214 : vector<16xf32> to vector<1x16xf32>
      tpu.vector_store %arg8[%swap3A_215, %swap3A_216], %swap3A_219 {strides = array<i32>} : memref<80x128xf32, #tpu.memory_space<vmem>>, vector<1x16xf32>,
      %broadcast_in_dim3A_220 = arith.constant 0.000000e+00 : f32
      %broadcast_in_dim3A_221 = vector.broadcast %broadcast_in_dim3A_220 : f32 to vector<16xf32>
      %swap3A_222 = arith.index_cast %add3A_207 : i32 to index
      %swap3A_223 = arith.constant 32 : index
      %swap3A_224 = tpu.vector_load %arg8[%swap3A_222, %swap3A_223] {strides = array<i32>} : memref<80x128xf32, #tpu.memory_space<vmem>>, vector<1x16xf32>,
      %swap3A_225 = vector.shape_cast %swap3A_224 : vector<1x16xf32> to vector<16xf32>
      %swap3A_226 = vector.shape_cast %broadcast_in_dim3A_221 : vector<16xf32> to vector<1x16xf32>
      tpu.vector_store %arg8[%swap3A_222, %swap3A_223], %swap3A_226 {strides = array<i32>} : memref<80x128xf32, #tpu.memory_space<vmem>>, vector<1x16xf32>,
      %broadcast_in_dim3A_227 = arith.constant 0.000000e+00 : f32
      %broadcast_in_dim3A_228 = vector.broadcast %broadcast_in_dim3A_227 : f32 to vector<16xf32>
      %swap3A_229 = arith.index_cast %add3A_207 : i32 to index
      %swap3A_230 = arith.constant 48 : index
      %swap3A_231 = tpu.vector_load %arg8[%swap3A_229, %swap3A_230] {strides = array<i32>} : memref<80x128xf32, #tpu.memory_space<vmem>>, vector<1x16xf32>,
      %swap3A_232 = vector.shape_cast %swap3A_231 : vector<1x16xf32> to vector<16xf32>
      %swap3A_233 = vector.shape_cast %broadcast_in_dim3A_228 : vector<16xf32> to vector<1x16xf32>
      tpu.vector_store %arg8[%swap3A_229, %swap3A_230], %swap3A_233 {strides = array<i32>} : memref<80x128xf32, #tpu.memory_space<vmem>>, vector<1x16xf32>,
      %broadcast_in_dim3A_234 = arith.constant 0.000000e+00 : f32
      %broadcast_in_dim3A_235 = vector.broadcast %broadcast_in_dim3A_234 : f32 to vector<16xf32>
      %swap3A_236 = arith.index_cast %add3A_207 : i32 to index
      %swap3A_237 = arith.constant 64 : index
      %swap3A_238 = tpu.vector_load %arg8[%swap3A_236, %swap3A_237] {strides = array<i32>} : memref<80x128xf32, #tpu.memory_space<vmem>>, vector<1x16xf32>,
      %swap3A_239 = vector.shape_cast %swap3A_238 : vector<1x16xf32> to vector<16xf32>
      %swap3A_240 = vector.shape_cast %broadcast_in_dim3A_235 : vector<16xf32> to vector<1x16xf32>
      tpu.vector_store %arg8[%swap3A_236, %swap3A_237], %swap3A_240 {strides = array<i32>} : memref<80x128xf32, #tpu.memory_space<vmem>>, vector<1x16xf32>,
      %broadcast_in_dim3A_241 = arith.constant 0.000000e+00 : f32
      %broadcast_in_dim3A_242 = vector.broadcast %broadcast_in_dim3A_241 : f32 to vector<16xf32>
      %swap3A_243 = arith.index_cast %add3A_207 : i32 to index
      %swap3A_244 = arith.constant 80 : index
      %swap3A_245 = tpu.vector_load %arg8[%swap3A_243, %swap3A_244] {strides = array<i32>} : memref<80x128xf32, #tpu.memory_space<vmem>>, vector<1x16xf32>,
      %swap3A_246 = vector.shape_cast %swap3A_245 : vector<1x16xf32> to vector<16xf32>
      %swap3A_247 = vector.shape_cast %broadcast_in_dim3A_242 : vector<16xf32> to vector<1x16xf32>
      tpu.vector_store %arg8[%swap3A_243, %swap3A_244], %swap3A_247 {strides = array<i32>} : memref<80x128xf32, #tpu.memory_space<vmem>>, vector<1x16xf32>,
      %broadcast_in_dim3A_248 = arith.constant 0.000000e+00 : f32
      %broadcast_in_dim3A_249 = vector.broadcast %broadcast_in_dim3A_248 : f32 to vector<16xf32>
      %swap3A_250 = arith.index_cast %add3A_207 : i32 to index
      %swap3A_251 = arith.constant 96 : index
      %swap3A_252 = tpu.vector_load %arg8[%swap3A_250, %swap3A_251] {strides = array<i32>} : memref<80x128xf32, #tpu.memory_space<vmem>>, vector<1x16xf32>,
      %swap3A_253 = vector.shape_cast %swap3A_252 : vector<1x16xf32> to vector<16xf32>
      %swap3A_254 = vector.shape_cast %broadcast_in_dim3A_249 : vector<16xf32> to vector<1x16xf32>
      tpu.vector_store %arg8[%swap3A_250, %swap3A_251], %swap3A_254 {strides = array<i32>} : memref<80x128xf32, #tpu.memory_space<vmem>>, vector<1x16xf32>,
      %broadcast_in_dim3A_255 = arith.constant 0.000000e+00 : f32
      %broadcast_in_dim3A_256 = vector.broadcast %broadcast_in_dim3A_255 : f32 to vector<16xf32>
      %swap3A_257 = arith.index_cast %add3A_207 : i32 to index
      %swap3A_258 = arith.constant 112 : index
      %swap3A_259 = tpu.vector_load %arg8[%swap3A_257, %swap3A_258] {strides = array<i32>} : memref<80x128xf32, #tpu.memory_space<vmem>>, vector<1x16xf32>,
      %swap3A_260 = vector.shape_cast %swap3A_259 : vector<1x16xf32> to vector<16xf32>
      %swap3A_261 = vector.shape_cast %broadcast_in_dim3A_256 : vector<16xf32> to vector<1x16xf32>
      tpu.vector_store %arg8[%swap3A_257, %swap3A_258], %swap3A_261 {strides = array<i32>} : memref<80x128xf32, #tpu.memory_space<vmem>>, vector<1x16xf32>,
    }
    %scan3A_17 = arith.constant 80 : i32
    %add3A_18 = arith.constant 0 : i32
    %add3A_19 = arith.addi %mul3A_2, %add3A_18 : i32
    "tpu.region"() ({
      %run_scoped3A = tpu.sem_alloc : memref<!tpu.dma_semaphore, #tpu.memory_space<semaphore_mem>>
      %dma_start3A_203 = arith.constant 0 : i32
      %dma_start3A_204 = tpu.memref_slice %arg10[%add3A_19, %dma_start3A_203] : memref<10240x128xf32, #tpu.memory_space<vmem_shared>> -> memref<80x128xf32, #tpu.memory_space<vmem_shared>>
      %dma_start3A_205 = arith.constant 0 : i32
      %dma_start3A_206 = tpu.memref_slice %arg10[%add3A_19, %dma_start3A_205] : memref<10240x128xf32, #tpu.memory_space<vmem_shared>> -> memref<80x128xf32, #tpu.memory_space<vmem_shared>>
      tpu.enqueue_dma source(%arg8 : memref<80x128xf32, #tpu.memory_space<vmem>>) target(%dma_start3A_206 : memref<80x128xf32, #tpu.memory_space<vmem_shared>>) target_semaphore(%run_scoped3A : memref<!tpu.dma_semaphore, #tpu.memory_space<semaphore_mem>>)
      %dma_wait3A_207 = arith.constant 0 : i32
      %dma_wait3A_208 = tpu.memref_slice %arg10[%add3A_19, %dma_wait3A_207] : memref<10240x128xf32, #tpu.memory_space<vmem_shared>> -> memref<80x128xf32, #tpu.memory_space<vmem_shared>>
      %dma_wait3A_209 = arith.constant 0 : i32
      %dma_wait3A_210 = tpu.memref_slice %arg10[%add3A_19, %dma_wait3A_209] : memref<10240x128xf32, #tpu.memory_space<vmem_shared>> -> memref<80x128xf32, #tpu.memory_space<vmem_shared>>
      tpu.wait_dma2 semaphore(%run_scoped3A : memref<!tpu.dma_semaphore, #tpu.memory_space<semaphore_mem>>) src(%arg8 : memref<80x128xf32, #tpu.memory_space<vmem>>) dst(%dma_wait3A_210 : memref<80x128xf32, #tpu.memory_space<vmem_shared>>)
      tpu.yield
    }) : () -> ()
    %add3A_20 = arith.constant 80 : i32
    %add3A_21 = arith.addi %mul3A_2, %add3A_20 : i32
    "tpu.region"() ({
      %run_scoped3A = tpu.sem_alloc : memref<!tpu.dma_semaphore, #tpu.memory_space<semaphore_mem>>
      %dma_start3A_203 = arith.constant 0 : i32
      %dma_start3A_204 = tpu.memref_slice %arg10[%add3A_21, %dma_start3A_203] : memref<10240x128xf32, #tpu.memory_space<vmem_shared>> -> memref<80x128xf32, #tpu.memory_space<vmem_shared>>
      %dma_start3A_205 = arith.constant 0 : i32
      %dma_start3A_206 = tpu.memref_slice %arg10[%add3A_21, %dma_start3A_205] : memref<10240x128xf32, #tpu.memory_space<vmem_shared>> -> memref<80x128xf32, #tpu.memory_space<vmem_shared>>
      tpu.enqueue_dma source(%arg8 : memref<80x128xf32, #tpu.memory_space<vmem>>) target(%dma_start3A_206 : memref<80x128xf32, #tpu.memory_space<vmem_shared>>) target_semaphore(%run_scoped3A : memref<!tpu.dma_semaphore, #tpu.memory_space<semaphore_mem>>)
      %dma_wait3A_207 = arith.constant 0 : i32
      %dma_wait3A_208 = tpu.memref_slice %arg10[%add3A_21, %dma_wait3A_207] : memref<10240x128xf32, #tpu.memory_space<vmem_shared>> -> memref<80x128xf32, #tpu.memory_space<vmem_shared>>
      %dma_wait3A_209 = arith.constant 0 : i32
      %dma_wait3A_210 = tpu.memref_slice %arg10[%add3A_21, %dma_wait3A_209] : memref<10240x128xf32, #tpu.memory_space<vmem_shared>> -> memref<80x128xf32, #tpu.memory_space<vmem_shared>>
      tpu.wait_dma2 semaphore(%run_scoped3A : memref<!tpu.dma_semaphore, #tpu.memory_space<semaphore_mem>>) src(%arg8 : memref<80x128xf32, #tpu.memory_space<vmem>>) dst(%dma_wait3A_210 : memref<80x128xf32, #tpu.memory_space<vmem_shared>>)
      tpu.yield
    }) : () -> ()
    %add3A_22 = arith.constant 160 : i32
    %add3A_23 = arith.addi %mul3A_2, %add3A_22 : i32
    "tpu.region"() ({
      %run_scoped3A = tpu.sem_alloc : memref<!tpu.dma_semaphore, #tpu.memory_space<semaphore_mem>>
      %dma_start3A_203 = arith.constant 0 : i32
      %dma_start3A_204 = tpu.memref_slice %arg10[%add3A_23, %dma_start3A_203] : memref<10240x128xf32, #tpu.memory_space<vmem_shared>> -> memref<80x128xf32, #tpu.memory_space<vmem_shared>>
      %dma_start3A_205 = arith.constant 0 : i32
      %dma_start3A_206 = tpu.memref_slice %arg10[%add3A_23, %dma_start3A_205] : memref<10240x128xf32, #tpu.memory_space<vmem_shared>> -> memref<80x128xf32, #tpu.memory_space<vmem_shared>>
      tpu.enqueue_dma source(%arg8 : memref<80x128xf32, #tpu.memory_space<vmem>>) target(%dma_start3A_206 : memref<80x128xf32, #tpu.memory_space<vmem_shared>>) target_semaphore(%run_scoped3A : memref<!tpu.dma_semaphore, #tpu.memory_space<semaphore_mem>>)
      %dma_wait3A_207 = arith.constant 0 : i32
      %dma_wait3A_208 = tpu.memref_slice %arg10[%add3A_23, %dma_wait3A_207] : memref<10240x128xf32, #tpu.memory_space<vmem_shared>> -> memref<80x128xf32, #tpu.memory_space<vmem_shared>>
      %dma_wait3A_209 = arith.constant 0 : i32
      %dma_wait3A_210 = tpu.memref_slice %arg10[%add3A_23, %dma_wait3A_209] : memref<10240x128xf32, #tpu.memory_space<vmem_shared>> -> memref<80x128xf32, #tpu.memory_space<vmem_shared>>
      tpu.wait_dma2 semaphore(%run_scoped3A : memref<!tpu.dma_semaphore, #tpu.memory_space<semaphore_mem>>) src(%arg8 : memref<80x128xf32, #tpu.memory_space<vmem>>) dst(%dma_wait3A_210 : memref<80x128xf32, #tpu.memory_space<vmem_shared>>)
      tpu.yield
    }) : () -> ()
    %add3A_24 = arith.constant 240 : i32
    %add3A_25 = arith.addi %mul3A_2, %add3A_24 : i32
    "tpu.region"() ({
      %run_scoped3A = tpu.sem_alloc : memref<!tpu.dma_semaphore, #tpu.memory_space<semaphore_mem>>
      %dma_start3A_203 = arith.constant 0 : i32
      %dma_start3A_204 = tpu.memref_slice %arg10[%add3A_25, %dma_start3A_203] : memref<10240x128xf32, #tpu.memory_space<vmem_shared>> -> memref<80x128xf32, #tpu.memory_space<vmem_shared>>
      %dma_start3A_205 = arith.constant 0 : i32
      %dma_start3A_206 = tpu.memref_slice %arg10[%add3A_25, %dma_start3A_205] : memref<10240x128xf32, #tpu.memory_space<vmem_shared>> -> memref<80x128xf32, #tpu.memory_space<vmem_shared>>
      tpu.enqueue_dma source(%arg8 : memref<80x128xf32, #tpu.memory_space<vmem>>) target(%dma_start3A_206 : memref<80x128xf32, #tpu.memory_space<vmem_shared>>) target_semaphore(%run_scoped3A : memref<!tpu.dma_semaphore, #tpu.memory_space<semaphore_mem>>)
      %dma_wait3A_207 = arith.constant 0 : i32
      %dma_wait3A_208 = tpu.memref_slice %arg10[%add3A_25, %dma_wait3A_207] : memref<10240x128xf32, #tpu.memory_space<vmem_shared>> -> memref<80x128xf32, #tpu.memory_space<vmem_shared>>
      %dma_wait3A_209 = arith.constant 0 : i32
      %dma_wait3A_210 = tpu.memref_slice %arg10[%add3A_25, %dma_wait3A_209] : memref<10240x128xf32, #tpu.memory_space<vmem_shared>> -> memref<80x128xf32, #tpu.memory_space<vmem_shared>>
      tpu.wait_dma2 semaphore(%run_scoped3A : memref<!tpu.dma_semaphore, #tpu.memory_space<semaphore_mem>>) src(%arg8 : memref<80x128xf32, #tpu.memory_space<vmem>>) dst(%dma_wait3A_210 : memref<80x128xf32, #tpu.memory_space<vmem_shared>>)
      tpu.yield
    }) : () -> ()
    %add3A_26 = arith.constant 320 : i32
    %add3A_27 = arith.addi %mul3A_2, %add3A_26 : i32
    "tpu.region"() ({
      %run_scoped3A = tpu.sem_alloc : memref<!tpu.dma_semaphore, #tpu.memory_space<semaphore_mem>>
      %dma_start3A_203 = arith.constant 0 : i32
      %dma_start3A_204 = tpu.memref_slice %arg10[%add3A_27, %dma_start3A_203] : memref<10240x128xf32, #tpu.memory_space<vmem_shared>> -> memref<80x128xf32, #tpu.memory_space<vmem_shared>>
      %dma_start3A_205 = arith.constant 0 : i32
      %dma_start3A_206 = tpu.memref_slice %arg10[%add3A_27, %dma_start3A_205] : memref<10240x128xf32, #tpu.memory_space<vmem_shared>> -> memref<80x128xf32, #tpu.memory_space<vmem_shared>>
      tpu.enqueue_dma source(%arg8 : memref<80x128xf32, #tpu.memory_space<vmem>>) target(%dma_start3A_206 : memref<80x128xf32, #tpu.memory_space<vmem_shared>>) target_semaphore(%run_scoped3A : memref<!tpu.dma_semaphore, #tpu.memory_space<semaphore_mem>>)
      %dma_wait3A_207 = arith.constant 0 : i32
      %dma_wait3A_208 = tpu.memref_slice %arg10[%add3A_27, %dma_wait3A_207] : memref<10240x128xf32, #tpu.memory_space<vmem_shared>> -> memref<80x128xf32, #tpu.memory_space<vmem_shared>>
      %dma_wait3A_209 = arith.constant 0 : i32
      %dma_wait3A_210 = tpu.memref_slice %arg10[%add3A_27, %dma_wait3A_209] : memref<10240x128xf32, #tpu.memory_space<vmem_shared>> -> memref<80x128xf32, #tpu.memory_space<vmem_shared>>
      tpu.wait_dma2 semaphore(%run_scoped3A : memref<!tpu.dma_semaphore, #tpu.memory_space<semaphore_mem>>) src(%arg8 : memref<80x128xf32, #tpu.memory_space<vmem>>) dst(%dma_wait3A_210 : memref<80x128xf32, #tpu.memory_space<vmem_shared>>)
      tpu.yield
    }) : () -> ()
    %add3A_28 = arith.constant 400 : i32
    %add3A_29 = arith.addi %mul3A_2, %add3A_28 : i32
    "tpu.region"() ({
      %run_scoped3A = tpu.sem_alloc : memref<!tpu.dma_semaphore, #tpu.memory_space<semaphore_mem>>
      %dma_start3A_203 = arith.constant 0 : i32
      %dma_start3A_204 = tpu.memref_slice %arg10[%add3A_29, %dma_start3A_203] : memref<10240x128xf32, #tpu.memory_space<vmem_shared>> -> memref<80x128xf32, #tpu.memory_space<vmem_shared>>
      %dma_start3A_205 = arith.constant 0 : i32
      %dma_start3A_206 = tpu.memref_slice %arg10[%add3A_29, %dma_start3A_205] : memref<10240x128xf32, #tpu.memory_space<vmem_shared>> -> memref<80x128xf32, #tpu.memory_space<vmem_shared>>
      tpu.enqueue_dma source(%arg8 : memref<80x128xf32, #tpu.memory_space<vmem>>) target(%dma_start3A_206 : memref<80x128xf32, #tpu.memory_space<vmem_shared>>) target_semaphore(%run_scoped3A : memref<!tpu.dma_semaphore, #tpu.memory_space<semaphore_mem>>)
      %dma_wait3A_207 = arith.constant 0 : i32
      %dma_wait3A_208 = tpu.memref_slice %arg10[%add3A_29, %dma_wait3A_207] : memref<10240x128xf32, #tpu.memory_space<vmem_shared>> -> memref<80x128xf32, #tpu.memory_space<vmem_shared>>
      %dma_wait3A_209 = arith.constant 0 : i32
      %dma_wait3A_210 = tpu.memref_slice %arg10[%add3A_29, %dma_wait3A_209] : memref<10240x128xf32, #tpu.memory_space<vmem_shared>> -> memref<80x128xf32, #tpu.memory_space<vmem_shared>>
      tpu.wait_dma2 semaphore(%run_scoped3A : memref<!tpu.dma_semaphore, #tpu.memory_space<semaphore_mem>>) src(%arg8 : memref<80x128xf32, #tpu.memory_space<vmem>>) dst(%dma_wait3A_210 : memref<80x128xf32, #tpu.memory_space<vmem_shared>>)
      tpu.yield
    }) : () -> ()
    %add3A_30 = arith.constant 480 : i32
    %add3A_31 = arith.addi %mul3A_2, %add3A_30 : i32
    "tpu.region"() ({
      %run_scoped3A = tpu.sem_alloc : memref<!tpu.dma_semaphore, #tpu.memory_space<semaphore_mem>>
      %dma_start3A_203 = arith.constant 0 : i32
      %dma_start3A_204 = tpu.memref_slice %arg10[%add3A_31, %dma_start3A_203] : memref<10240x128xf32, #tpu.memory_space<vmem_shared>> -> memref<80x128xf32, #tpu.memory_space<vmem_shared>>
      %dma_start3A_205 = arith.constant 0 : i32
      %dma_start3A_206 = tpu.memref_slice %arg10[%add3A_31, %dma_start3A_205] : memref<10240x128xf32, #tpu.memory_space<vmem_shared>> -> memref<80x128xf32, #tpu.memory_space<vmem_shared>>
      tpu.enqueue_dma source(%arg8 : memref<80x128xf32, #tpu.memory_space<vmem>>) target(%dma_start3A_206 : memref<80x128xf32, #tpu.memory_space<vmem_shared>>) target_semaphore(%run_scoped3A : memref<!tpu.dma_semaphore, #tpu.memory_space<semaphore_mem>>)
      %dma_wait3A_207 = arith.constant 0 : i32
      %dma_wait3A_208 = tpu.memref_slice %arg10[%add3A_31, %dma_wait3A_207] : memref<10240x128xf32, #tpu.memory_space<vmem_shared>> -> memref<80x128xf32, #tpu.memory_space<vmem_shared>>
      %dma_wait3A_209 = arith.constant 0 : i32
      %dma_wait3A_210 = tpu.memref_slice %arg10[%add3A_31, %dma_wait3A_209] : memref<10240x128xf32, #tpu.memory_space<vmem_shared>> -> memref<80x128xf32, #tpu.memory_space<vmem_shared>>
      tpu.wait_dma2 semaphore(%run_scoped3A : memref<!tpu.dma_semaphore, #tpu.memory_space<semaphore_mem>>) src(%arg8 : memref<80x128xf32, #tpu.memory_space<vmem>>) dst(%dma_wait3A_210 : memref<80x128xf32, #tpu.memory_space<vmem_shared>>)
      tpu.yield
    }) : () -> ()
    %add3A_32 = arith.constant 560 : i32
    %add3A_33 = arith.addi %mul3A_2, %add3A_32 : i32
    "tpu.region"() ({
      %run_scoped3A = tpu.sem_alloc : memref<!tpu.dma_semaphore, #tpu.memory_space<semaphore_mem>>
      %dma_start3A_203 = arith.constant 0 : i32
      %dma_start3A_204 = tpu.memref_slice %arg10[%add3A_33, %dma_start3A_203] : memref<10240x128xf32, #tpu.memory_space<vmem_shared>> -> memref<80x128xf32, #tpu.memory_space<vmem_shared>>
      %dma_start3A_205 = arith.constant 0 : i32
      %dma_start3A_206 = tpu.memref_slice %arg10[%add3A_33, %dma_start3A_205] : memref<10240x128xf32, #tpu.memory_space<vmem_shared>> -> memref<80x128xf32, #tpu.memory_space<vmem_shared>>
      tpu.enqueue_dma source(%arg8 : memref<80x128xf32, #tpu.memory_space<vmem>>) target(%dma_start3A_206 : memref<80x128xf32, #tpu.memory_space<vmem_shared>>) target_semaphore(%run_scoped3A : memref<!tpu.dma_semaphore, #tpu.memory_space<semaphore_mem>>)
      %dma_wait3A_207 = arith.constant 0 : i32
      %dma_wait3A_208 = tpu.memref_slice %arg10[%add3A_33, %dma_wait3A_207] : memref<10240x128xf32, #tpu.memory_space<vmem_shared>> -> memref<80x128xf32, #tpu.memory_space<vmem_shared>>
      %dma_wait3A_209 = arith.constant 0 : i32
      %dma_wait3A_210 = tpu.memref_slice %arg10[%add3A_33, %dma_wait3A_209] : memref<10240x128xf32, #tpu.memory_space<vmem_shared>> -> memref<80x128xf32, #tpu.memory_space<vmem_shared>>
      tpu.wait_dma2 semaphore(%run_scoped3A : memref<!tpu.dma_semaphore, #tpu.memory_space<semaphore_mem>>) src(%arg8 : memref<80x128xf32, #tpu.memory_space<vmem>>) dst(%dma_wait3A_210 : memref<80x128xf32, #tpu.memory_space<vmem_shared>>)
      tpu.yield
    }) : () -> ()
    %dma_wait3A = tpu.memref_slice %arg3[%mul3A_4] : memref<320000xi32, #tpu.memory_space<hbm>> -> memref<10000xi32, #tpu.memory_space<hbm>>
    %dma_wait3A_34 = tpu.memref_slice %arg3[%mul3A_4] : memref<320000xi32, #tpu.memory_space<hbm>> -> memref<10000xi32, #tpu.memory_space<hbm>>
    tpu.wait_dma2 semaphore(%arg11 : memref<!tpu.dma_semaphore, #tpu.memory_space<semaphore_mem>>) src(%dma_wait3A_34 : memref<10000xi32, #tpu.memory_space<hbm>>) dst(%arg6 : memref<10000xi32, #tpu.memory_space<vmem>>)
    %dma_wait3A_35 = arith.constant 0 : i32
    %dma_wait3A_36 = arith.constant 0 : i32
    %dma_wait3A_37 = tpu.memref_slice %arg4[%add3A, %dma_wait3A_35, %dma_wait3A_36] : memref<32x125x80xi32, #tpu.memory_space<hbm>> -> memref<1x125x80xi32, #tpu.memory_space<hbm>>
    %dma_wait3A_38 = tpu.memref_squeeze %dma_wait3A_37 : memref<1x125x80xi32, #tpu.memory_space<hbm>> -> memref<125x80xi32, #tpu.memory_space<hbm>>
    %dma_wait3A_39 = arith.constant 0 : i32
    %dma_wait3A_40 = arith.constant 0 : i32
    %dma_wait3A_41 = tpu.memref_slice %arg4[%add3A, %dma_wait3A_39, %dma_wait3A_40] : memref<32x125x80xi32, #tpu.memory_space<hbm>> -> memref<1x125x80xi32, #tpu.memory_space<hbm>>
    %dma_wait3A_42 = tpu.memref_squeeze %dma_wait3A_41 : memref<1x125x80xi32, #tpu.memory_space<hbm>> -> memref<125x80xi32, #tpu.memory_space<hbm>>
    tpu.wait_dma2 semaphore(%arg12 : memref<!tpu.dma_semaphore, #tpu.memory_space<semaphore_mem>>) src(%dma_wait3A_42 : memref<125x80xi32, #tpu.memory_space<hbm>>) dst(%arg7 : memref<125x80xi32, #tpu.memory_space<vmem>>)
    %barrier3A = arith.constant 0 : index
    tpu.barrier barrier_id(%barrier3A)
    %dma_start3A_43 = arith.constant 0 : i32
    %dma_start3A_44 = arith.constant 0 : i32
    %dma_start3A_45 = tpu.memref_slice %arg8[%dma_start3A_43, %dma_start3A_44] : memref<80x128xf32, #tpu.memory_space<vmem>> -> memref<40x128xf32, #tpu.memory_space<vmem>>
    %dma_start3A_46 = arith.constant 0 : i32
    %dma_start3A_47 = tpu.memref_slice %arg6[%dma_start3A_46] : memref<10000xi32, #tpu.memory_space<vmem>> -> memref<40xi32, #tpu.memory_space<vmem>>
    %dma_start3A_48 = arith.constant 0 : i32
    %dma_start3A_49 = arith.constant 0 : i32
    %dma_start3A_50 = tpu.memref_slice %arg2[%dma_start3A_48, %dma_start3A_49] : memref<10240x128xf32, #tpu.memory_space<hbm>> -> memref<10240x128xf32, #tpu.memory_space<hbm>>
    tpu.enqueue_indirect_dma source(%dma_start3A_50 : memref<10240x128xf32, #tpu.memory_space<hbm>>) target(%dma_start3A_45 : memref<40x128xf32, #tpu.memory_space<vmem>>) offsets(%dma_start3A_47 : memref<40xi32, #tpu.memory_space<vmem>>) semaphore(%arg11 : memref<!tpu.dma_semaphore, #tpu.memory_space<semaphore_mem>>)
    %dma_start3A_51 = arith.constant 40 : i32
    %dma_start3A_52 = arith.constant 0 : i32
    %dma_start3A_53 = tpu.memref_slice %arg8[%dma_start3A_51, %dma_start3A_52] : memref<80x128xf32, #tpu.memory_space<vmem>> -> memref<40x128xf32, #tpu.memory_space<vmem>>
    %dma_start3A_54 = arith.constant 40 : i32
    %dma_start3A_55 = tpu.memref_slice %arg6[%dma_start3A_54] : memref<10000xi32, #tpu.memory_space<vmem>> -> memref<40xi32, #tpu.memory_space<vmem>>
    %dma_start3A_56 = arith.constant 0 : i32
    %dma_start3A_57 = arith.constant 0 : i32
    %dma_start3A_58 = tpu.memref_slice %arg2[%dma_start3A_56, %dma_start3A_57] : memref<10240x128xf32, #tpu.memory_space<hbm>> -> memref<10240x128xf32, #tpu.memory_space<hbm>>
    tpu.enqueue_indirect_dma source(%dma_start3A_58 : memref<10240x128xf32, #tpu.memory_space<hbm>>) target(%dma_start3A_53 : memref<40x128xf32, #tpu.memory_space<vmem>>) offsets(%dma_start3A_55 : memref<40xi32, #tpu.memory_space<vmem>>) semaphore(%arg11 : memref<!tpu.dma_semaphore, #tpu.memory_space<semaphore_mem>>)
    %dma_start3A_59 = arith.constant 0 : i32
    %dma_start3A_60 = arith.constant 0 : i32
    %dma_start3A_61 = tpu.memref_slice %arg9[%dma_start3A_59, %dma_start3A_60] : memref<80x128xf32, #tpu.memory_space<vmem>> -> memref<40x128xf32, #tpu.memory_space<vmem>>
    %dma_start3A_62 = arith.constant 80 : i32
    %dma_start3A_63 = tpu.memref_slice %arg6[%dma_start3A_62] : memref<10000xi32, #tpu.memory_space<vmem>> -> memref<40xi32, #tpu.memory_space<vmem>>
    %dma_start3A_64 = arith.constant 0 : i32
    %dma_start3A_65 = arith.constant 0 : i32
    %dma_start3A_66 = tpu.memref_slice %arg2[%dma_start3A_64, %dma_start3A_65] : memref<10240x128xf32, #tpu.memory_space<hbm>> -> memref<10240x128xf32, #tpu.memory_space<hbm>>
    tpu.enqueue_indirect_dma source(%dma_start3A_66 : memref<10240x128xf32, #tpu.memory_space<hbm>>) target(%dma_start3A_61 : memref<40x128xf32, #tpu.memory_space<vmem>>) offsets(%dma_start3A_63 : memref<40xi32, #tpu.memory_space<vmem>>) semaphore(%arg12 : memref<!tpu.dma_semaphore, #tpu.memory_space<semaphore_mem>>)
    %dma_start3A_67 = arith.constant 40 : i32
    %dma_start3A_68 = arith.constant 0 : i32
    %dma_start3A_69 = tpu.memref_slice %arg9[%dma_start3A_67, %dma_start3A_68] : memref<80x128xf32, #tpu.memory_space<vmem>> -> memref<40x128xf32, #tpu.memory_space<vmem>>
    %dma_start3A_70 = arith.constant 120 : i32
    %dma_start3A_71 = tpu.memref_slice %arg6[%dma_start3A_70] : memref<10000xi32, #tpu.memory_space<vmem>> -> memref<40xi32, #tpu.memory_space<vmem>>
    %dma_start3A_72 = arith.constant 0 : i32
    %dma_start3A_73 = arith.constant 0 : i32
    %dma_start3A_74 = tpu.memref_slice %arg2[%dma_start3A_72, %dma_start3A_73] : memref<10240x128xf32, #tpu.memory_space<hbm>> -> memref<10240x128xf32, #tpu.memory_space<hbm>>
    tpu.enqueue_indirect_dma source(%dma_start3A_74 : memref<10240x128xf32, #tpu.memory_space<hbm>>) target(%dma_start3A_69 : memref<40x128xf32, #tpu.memory_space<vmem>>) offsets(%dma_start3A_71 : memref<40xi32, #tpu.memory_space<vmem>>) semaphore(%arg12 : memref<!tpu.dma_semaphore, #tpu.memory_space<semaphore_mem>>)
    %scan3A_75 = arith.constant 0 : i32
    %scan3A_76 = arith.constant 61 : i32
    %scan3A_77 = arith.addi %scan3A_75, %scan3A_76 : i32
    %scan3A_78 = arith.constant 1 : i32
    scf.for %scan3A_203 = %scan3A_75 to %scan3A_77 step %scan3A_78  : i32 {
      %mul3A_204 = arith.constant 1 : i32
      %mul3A_205 = arith.muli %scan3A_203, %mul3A_204 : i32
      %add3A_206 = arith.constant 0 : i32
      %add3A_207 = arith.addi %add3A_206, %mul3A_205 : i32
      %mul3A_208 = arith.constant 2 : i32
      %mul3A_209 = arith.muli %mul3A_208, %add3A_207 : i32
      %mul3A_210 = arith.constant 80 : i32
      %mul3A_211 = arith.muli %mul3A_209, %mul3A_210 : i32
      %mul3A_212 = arith.constant 80 : i32
      %mul3A_213 = arith.muli %mul3A_209, %mul3A_212 : i32
      %add3A_214 = arith.constant 40 : i32
      %add3A_215 = arith.addi %mul3A_213, %add3A_214 : i32
      %dma_wait3A_216 = arith.constant 0 : i32
      %dma_wait3A_217 = arith.constant 0 : i32
      %dma_wait3A_218 = tpu.memref_slice %arg8[%dma_wait3A_216, %dma_wait3A_217] : memref<80x128xf32, #tpu.memory_space<vmem>> -> memref<40x128xf32, #tpu.memory_space<vmem>>
      %dma_wait3A_219 = tpu.memref_slice %arg6[%mul3A_211] : memref<10000xi32, #tpu.memory_space<vmem>> -> memref<40xi32, #tpu.memory_space<vmem>>
      %dma_wait3A_220 = arith.constant 0 : i32
      %dma_wait3A_221 = arith.constant 0 : i32
      %dma_wait3A_222 = tpu.memref_slice %arg2[%dma_wait3A_220, %dma_wait3A_221] : memref<10240x128xf32, #tpu.memory_space<hbm>> -> memref<10240x128xf32, #tpu.memory_space<hbm>>
      tpu.wait_indirect_dma semaphore(%arg11 : memref<!tpu.dma_semaphore, #tpu.memory_space<semaphore_mem>>) src(%dma_wait3A_222 : memref<10240x128xf32, #tpu.memory_space<hbm>>) dst(%dma_wait3A_218 : memref<40x128xf32, #tpu.memory_space<vmem>>)
      %dma_wait3A_223 = arith.constant 40 : i32
      %dma_wait3A_224 = arith.constant 0 : i32
      %dma_wait3A_225 = tpu.memref_slice %arg8[%dma_wait3A_223, %dma_wait3A_224] : memref<80x128xf32, #tpu.memory_space<vmem>> -> memref<40x128xf32, #tpu.memory_space<vmem>>
      %dma_wait3A_226 = tpu.memref_slice %arg6[%add3A_215] : memref<10000xi32, #tpu.memory_space<vmem>> -> memref<40xi32, #tpu.memory_space<vmem>>
      %dma_wait3A_227 = arith.constant 0 : i32
      %dma_wait3A_228 = arith.constant 0 : i32
      %dma_wait3A_229 = tpu.memref_slice %arg2[%dma_wait3A_227, %dma_wait3A_228] : memref<10240x128xf32, #tpu.memory_space<hbm>> -> memref<10240x128xf32, #tpu.memory_space<hbm>>
      tpu.wait_indirect_dma semaphore(%arg11 : memref<!tpu.dma_semaphore, #tpu.memory_space<semaphore_mem>>) src(%dma_wait3A_229 : memref<10240x128xf32, #tpu.memory_space<hbm>>) dst(%dma_wait3A_225 : memref<40x128xf32, #tpu.memory_space<vmem>>)
      %dma_start3A_230 = arith.constant 0 : i32
      %dma_start3A_231 = tpu.memref_slice %arg7[%mul3A_209, %dma_start3A_230] : memref<125x80xi32, #tpu.memory_space<vmem>> -> memref<1x80xi32, #tpu.memory_space<vmem>>
      %dma_start3A_232 = tpu.memref_squeeze %dma_start3A_231 : memref<1x80xi32, #tpu.memory_space<vmem>> -> memref<80xi32, #tpu.memory_space<vmem>>
      %dma_start3A_233 = arith.constant 0 : i32
      %dma_start3A_234 = arith.constant 0 : i32
      %dma_start3A_235 = tpu.memref_slice %arg10[%dma_start3A_233, %dma_start3A_234] : memref<10240x128xf32, #tpu.memory_space<vmem_shared>> -> memref<10240x128xf32, #tpu.memory_space<vmem_shared>>
      tpu.enqueue_indirect_dma source(%arg8 : memref<80x128xf32, #tpu.memory_space<vmem>>) target(%dma_start3A_235 : memref<10240x128xf32, #tpu.memory_space<vmem_shared>>) offsets(%dma_start3A_232 : memref<80xi32, #tpu.memory_space<vmem>>) semaphore(%arg13 : memref<!tpu.dma_semaphore, #tpu.memory_space<semaphore_mem>>) {add = true}
      %add3A_236 = arith.constant 1 : i32
      %add3A_237 = arith.addi %mul3A_209, %add3A_236 : i32
      %mul3A_238 = arith.constant 80 : i32
      %mul3A_239 = arith.muli %add3A_237, %mul3A_238 : i32
      %mul3A_240 = arith.constant 80 : i32
      %mul3A_241 = arith.muli %add3A_237, %mul3A_240 : i32
      %add3A_242 = arith.constant 40 : i32
      %add3A_243 = arith.addi %mul3A_241, %add3A_242 : i32
      %dma_wait3A_244 = arith.constant 0 : i32
      %dma_wait3A_245 = arith.constant 0 : i32
      %dma_wait3A_246 = tpu.memref_slice %arg9[%dma_wait3A_244, %dma_wait3A_245] : memref<80x128xf32, #tpu.memory_space<vmem>> -> memref<40x128xf32, #tpu.memory_space<vmem>>
      %dma_wait3A_247 = tpu.memref_slice %arg6[%mul3A_239] : memref<10000xi32, #tpu.memory_space<vmem>> -> memref<40xi32, #tpu.memory_space<vmem>>
      %dma_wait3A_248 = arith.constant 0 : i32
      %dma_wait3A_249 = arith.constant 0 : i32
      %dma_wait3A_250 = tpu.memref_slice %arg2[%dma_wait3A_248, %dma_wait3A_249] : memref<10240x128xf32, #tpu.memory_space<hbm>> -> memref<10240x128xf32, #tpu.memory_space<hbm>>
      tpu.wait_indirect_dma semaphore(%arg12 : memref<!tpu.dma_semaphore, #tpu.memory_space<semaphore_mem>>) src(%dma_wait3A_250 : memref<10240x128xf32, #tpu.memory_space<hbm>>) dst(%dma_wait3A_246 : memref<40x128xf32, #tpu.memory_space<vmem>>)
      %dma_wait3A_251 = arith.constant 40 : i32
      %dma_wait3A_252 = arith.constant 0 : i32
      %dma_wait3A_253 = tpu.memref_slice %arg9[%dma_wait3A_251, %dma_wait3A_252] : memref<80x128xf32, #tpu.memory_space<vmem>> -> memref<40x128xf32, #tpu.memory_space<vmem>>
      %dma_wait3A_254 = tpu.memref_slice %arg6[%add3A_243] : memref<10000xi32, #tpu.memory_space<vmem>> -> memref<40xi32, #tpu.memory_space<vmem>>
      %dma_wait3A_255 = arith.constant 0 : i32
      %dma_wait3A_256 = arith.constant 0 : i32
      %dma_wait3A_257 = tpu.memref_slice %arg2[%dma_wait3A_255, %dma_wait3A_256] : memref<10240x128xf32, #tpu.memory_space<hbm>> -> memref<10240x128xf32, #tpu.memory_space<hbm>>
      tpu.wait_indirect_dma semaphore(%arg12 : memref<!tpu.dma_semaphore, #tpu.memory_space<semaphore_mem>>) src(%dma_wait3A_257 : memref<10240x128xf32, #tpu.memory_space<hbm>>) dst(%dma_wait3A_253 : memref<40x128xf32, #tpu.memory_space<vmem>>)
      %add3A_258 = arith.constant 1 : i32
      %add3A_259 = arith.addi %mul3A_209, %add3A_258 : i32
      %dma_start3A_260 = arith.constant 0 : i32
      %dma_start3A_261 = tpu.memref_slice %arg7[%add3A_259, %dma_start3A_260] : memref<125x80xi32, #tpu.memory_space<vmem>> -> memref<1x80xi32, #tpu.memory_space<vmem>>
      %dma_start3A_262 = tpu.memref_squeeze %dma_start3A_261 : memref<1x80xi32, #tpu.memory_space<vmem>> -> memref<80xi32, #tpu.memory_space<vmem>>
      %dma_start3A_263 = arith.constant 0 : i32
      %dma_start3A_264 = arith.constant 0 : i32
      %dma_start3A_265 = tpu.memref_slice %arg10[%dma_start3A_263, %dma_start3A_264] : memref<10240x128xf32, #tpu.memory_space<vmem_shared>> -> memref<10240x128xf32, #tpu.memory_space<vmem_shared>>
      tpu.enqueue_indirect_dma source(%arg9 : memref<80x128xf32, #tpu.memory_space<vmem>>) target(%dma_start3A_265 : memref<10240x128xf32, #tpu.memory_space<vmem_shared>>) offsets(%dma_start3A_262 : memref<80xi32, #tpu.memory_space<vmem>>) semaphore(%arg14 : memref<!tpu.dma_semaphore, #tpu.memory_space<semaphore_mem>>) {add = true}
      %dma_wait3A_266 = arith.constant 0 : i32
      %dma_wait3A_267 = tpu.memref_slice %arg7[%mul3A_209, %dma_wait3A_266] : memref<125x80xi32, #tpu.memory_space<vmem>> -> memref<1x80xi32, #tpu.memory_space<vmem>>
      %dma_wait3A_268 = tpu.memref_squeeze %dma_wait3A_267 : memref<1x80xi32, #tpu.memory_space<vmem>> -> memref<80xi32, #tpu.memory_space<vmem>>
      %dma_wait3A_269 = arith.constant 0 : i32
      %dma_wait3A_270 = arith.constant 0 : i32
      %dma_wait3A_271 = tpu.memref_slice %arg10[%dma_wait3A_269, %dma_wait3A_270] : memref<10240x128xf32, #tpu.memory_space<vmem_shared>> -> memref<10240x128xf32, #tpu.memory_space<vmem_shared>>
      tpu.wait_indirect_dma semaphore(%arg13 : memref<!tpu.dma_semaphore, #tpu.memory_space<semaphore_mem>>) src(%arg8 : memref<80x128xf32, #tpu.memory_space<vmem>>) dst(%dma_wait3A_271 : memref<10240x128xf32, #tpu.memory_space<vmem_shared>>)
      %add3A_272 = arith.constant 2 : i32
      %add3A_273 = arith.addi %mul3A_209, %add3A_272 : i32
      %mul3A_274 = arith.constant 80 : i32
      %mul3A_275 = arith.muli %add3A_273, %mul3A_274 : i32
      %mul3A_276 = arith.constant 80 : i32
      %mul3A_277 = arith.muli %add3A_273, %mul3A_276 : i32
      %add3A_278 = arith.constant 40 : i32
      %add3A_279 = arith.addi %mul3A_277, %add3A_278 : i32
      %dma_start3A_280 = arith.constant 0 : i32
      %dma_start3A_281 = arith.constant 0 : i32
      %dma_start3A_282 = tpu.memref_slice %arg8[%dma_start3A_280, %dma_start3A_281] : memref<80x128xf32, #tpu.memory_space<vmem>> -> memref<40x128xf32, #tpu.memory_space<vmem>>
      %dma_start3A_283 = tpu.memref_slice %arg6[%mul3A_275] : memref<10000xi32, #tpu.memory_space<vmem>> -> memref<40xi32, #tpu.memory_space<vmem>>
      %dma_start3A_284 = arith.constant 0 : i32
      %dma_start3A_285 = arith.constant 0 : i32
      %dma_start3A_286 = tpu.memref_slice %arg2[%dma_start3A_284, %dma_start3A_285] : memref<10240x128xf32, #tpu.memory_space<hbm>> -> memref<10240x128xf32, #tpu.memory_space<hbm>>
      tpu.enqueue_indirect_dma source(%dma_start3A_286 : memref<10240x128xf32, #tpu.memory_space<hbm>>) target(%dma_start3A_282 : memref<40x128xf32, #tpu.memory_space<vmem>>) offsets(%dma_start3A_283 : memref<40xi32, #tpu.memory_space<vmem>>) semaphore(%arg11 : memref<!tpu.dma_semaphore, #tpu.memory_space<semaphore_mem>>)
      %dma_start3A_287 = arith.constant 40 : i32
      %dma_start3A_288 = arith.constant 0 : i32
      %dma_start3A_289 = tpu.memref_slice %arg8[%dma_start3A_287, %dma_start3A_288] : memref<80x128xf32, #tpu.memory_space<vmem>> -> memref<40x128xf32, #tpu.memory_space<vmem>>
      %dma_start3A_290 = tpu.memref_slice %arg6[%add3A_279] : memref<10000xi32, #tpu.memory_space<vmem>> -> memref<40xi32, #tpu.memory_space<vmem>>
      %dma_start3A_291 = arith.constant 0 : i32
      %dma_start3A_292 = arith.constant 0 : i32
      %dma_start3A_293 = tpu.memref_slice %arg2[%dma_start3A_291, %dma_start3A_292] : memref<10240x128xf32, #tpu.memory_space<hbm>> -> memref<10240x128xf32, #tpu.memory_space<hbm>>
      tpu.enqueue_indirect_dma source(%dma_start3A_293 : memref<10240x128xf32, #tpu.memory_space<hbm>>) target(%dma_start3A_289 : memref<40x128xf32, #tpu.memory_space<vmem>>) offsets(%dma_start3A_290 : memref<40xi32, #tpu.memory_space<vmem>>) semaphore(%arg11 : memref<!tpu.dma_semaphore, #tpu.memory_space<semaphore_mem>>)
      %add3A_294 = arith.constant 1 : i32
      %add3A_295 = arith.addi %mul3A_209, %add3A_294 : i32
      %dma_wait3A_296 = arith.constant 0 : i32
      %dma_wait3A_297 = tpu.memref_slice %arg7[%add3A_295, %dma_wait3A_296] : memref<125x80xi32, #tpu.memory_space<vmem>> -> memref<1x80xi32, #tpu.memory_space<vmem>>
      %dma_wait3A_298 = tpu.memref_squeeze %dma_wait3A_297 : memref<1x80xi32, #tpu.memory_space<vmem>> -> memref<80xi32, #tpu.memory_space<vmem>>
      %dma_wait3A_299 = arith.constant 0 : i32
      %dma_wait3A_300 = arith.constant 0 : i32
      %dma_wait3A_301 = tpu.memref_slice %arg10[%dma_wait3A_299, %dma_wait3A_300] : memref<10240x128xf32, #tpu.memory_space<vmem_shared>> -> memref<10240x128xf32, #tpu.memory_space<vmem_shared>>
      tpu.wait_indirect_dma semaphore(%arg14 : memref<!tpu.dma_semaphore, #tpu.memory_space<semaphore_mem>>) src(%arg9 : memref<80x128xf32, #tpu.memory_space<vmem>>) dst(%dma_wait3A_301 : memref<10240x128xf32, #tpu.memory_space<vmem_shared>>)
      %add3A_302 = arith.constant 3 : i32
      %add3A_303 = arith.addi %mul3A_209, %add3A_302 : i32
      %mul3A_304 = arith.constant 80 : i32
      %mul3A_305 = arith.muli %add3A_303, %mul3A_304 : i32
      %mul3A_306 = arith.constant 80 : i32
      %mul3A_307 = arith.muli %add3A_303, %mul3A_306 : i32
      %add3A_308 = arith.constant 40 : i32
      %add3A_309 = arith.addi %mul3A_307, %add3A_308 : i32
      %dma_start3A_310 = arith.constant 0 : i32
      %dma_start3A_311 = arith.constant 0 : i32
      %dma_start3A_312 = tpu.memref_slice %arg9[%dma_start3A_310, %dma_start3A_311] : memref<80x128xf32, #tpu.memory_space<vmem>> -> memref<40x128xf32, #tpu.memory_space<vmem>>
      %dma_start3A_313 = tpu.memref_slice %arg6[%mul3A_305] : memref<10000xi32, #tpu.memory_space<vmem>> -> memref<40xi32, #tpu.memory_space<vmem>>
      %dma_start3A_314 = arith.constant 0 : i32
      %dma_start3A_315 = arith.constant 0 : i32
      %dma_start3A_316 = tpu.memref_slice %arg2[%dma_start3A_314, %dma_start3A_315] : memref<10240x128xf32, #tpu.memory_space<hbm>> -> memref<10240x128xf32, #tpu.memory_space<hbm>>
      tpu.enqueue_indirect_dma source(%dma_start3A_316 : memref<10240x128xf32, #tpu.memory_space<hbm>>) target(%dma_start3A_312 : memref<40x128xf32, #tpu.memory_space<vmem>>) offsets(%dma_start3A_313 : memref<40xi32, #tpu.memory_space<vmem>>) semaphore(%arg12 : memref<!tpu.dma_semaphore, #tpu.memory_space<semaphore_mem>>)
      %dma_start3A_317 = arith.constant 40 : i32
      %dma_start3A_318 = arith.constant 0 : i32
      %dma_start3A_319 = tpu.memref_slice %arg9[%dma_start3A_317, %dma_start3A_318] : memref<80x128xf32, #tpu.memory_space<vmem>> -> memref<40x128xf32, #tpu.memory_space<vmem>>
      %dma_start3A_320 = tpu.memref_slice %arg6[%add3A_309] : memref<10000xi32, #tpu.memory_space<vmem>> -> memref<40xi32, #tpu.memory_space<vmem>>
      %dma_start3A_321 = arith.constant 0 : i32
      %dma_start3A_322 = arith.constant 0 : i32
      %dma_start3A_323 = tpu.memref_slice %arg2[%dma_start3A_321, %dma_start3A_322] : memref<10240x128xf32, #tpu.memory_space<hbm>> -> memref<10240x128xf32, #tpu.memory_space<hbm>>
      tpu.enqueue_indirect_dma source(%dma_start3A_323 : memref<10240x128xf32, #tpu.memory_space<hbm>>) target(%dma_start3A_319 : memref<40x128xf32, #tpu.memory_space<vmem>>) offsets(%dma_start3A_320 : memref<40xi32, #tpu.memory_space<vmem>>) semaphore(%arg12 : memref<!tpu.dma_semaphore, #tpu.memory_space<semaphore_mem>>)
    }
    %scan3A_79 = arith.constant 61 : i32
    %dma_wait3A_80 = arith.constant 0 : i32
    %dma_wait3A_81 = arith.constant 0 : i32
    %dma_wait3A_82 = tpu.memref_slice %arg8[%dma_wait3A_80, %dma_wait3A_81] : memref<80x128xf32, #tpu.memory_space<vmem>> -> memref<40x128xf32, #tpu.memory_space<vmem>>
    %dma_wait3A_83 = arith.constant 9760 : i32
    %dma_wait3A_84 = tpu.memref_slice %arg6[%dma_wait3A_83] : memref<10000xi32, #tpu.memory_space<vmem>> -> memref<40xi32, #tpu.memory_space<vmem>>
    %dma_wait3A_85 = arith.constant 0 : i32
    %dma_wait3A_86 = arith.constant 0 : i32
    %dma_wait3A_87 = tpu.memref_slice %arg2[%dma_wait3A_85, %dma_wait3A_86] : memref<10240x128xf32, #tpu.memory_space<hbm>> -> memref<10240x128xf32, #tpu.memory_space<hbm>>
    tpu.wait_indirect_dma semaphore(%arg11 : memref<!tpu.dma_semaphore, #tpu.memory_space<semaphore_mem>>) src(%dma_wait3A_87 : memref<10240x128xf32, #tpu.memory_space<hbm>>) dst(%dma_wait3A_82 : memref<40x128xf32, #tpu.memory_space<vmem>>)
    %dma_wait3A_88 = arith.constant 40 : i32
    %dma_wait3A_89 = arith.constant 0 : i32
    %dma_wait3A_90 = tpu.memref_slice %arg8[%dma_wait3A_88, %dma_wait3A_89] : memref<80x128xf32, #tpu.memory_space<vmem>> -> memref<40x128xf32, #tpu.memory_space<vmem>>
    %dma_wait3A_91 = arith.constant 9800 : i32
    %dma_wait3A_92 = tpu.memref_slice %arg6[%dma_wait3A_91] : memref<10000xi32, #tpu.memory_space<vmem>> -> memref<40xi32, #tpu.memory_space<vmem>>
    %dma_wait3A_93 = arith.constant 0 : i32
    %dma_wait3A_94 = arith.constant 0 : i32
    %dma_wait3A_95 = tpu.memref_slice %arg2[%dma_wait3A_93, %dma_wait3A_94] : memref<10240x128xf32, #tpu.memory_space<hbm>> -> memref<10240x128xf32, #tpu.memory_space<hbm>>
    tpu.wait_indirect_dma semaphore(%arg11 : memref<!tpu.dma_semaphore, #tpu.memory_space<semaphore_mem>>) src(%dma_wait3A_95 : memref<10240x128xf32, #tpu.memory_space<hbm>>) dst(%dma_wait3A_90 : memref<40x128xf32, #tpu.memory_space<vmem>>)
    %dma_start3A_96 = arith.constant 122 : i32
    %dma_start3A_97 = arith.constant 0 : i32
    %dma_start3A_98 = tpu.memref_slice %arg7[%dma_start3A_96, %dma_start3A_97] : memref<125x80xi32, #tpu.memory_space<vmem>> -> memref<1x80xi32, #tpu.memory_space<vmem>>
    %dma_start3A_99 = tpu.memref_squeeze %dma_start3A_98 : memref<1x80xi32, #tpu.memory_space<vmem>> -> memref<80xi32, #tpu.memory_space<vmem>>
    %dma_start3A_100 = arith.constant 0 : i32
    %dma_start3A_101 = arith.constant 0 : i32
    %dma_start3A_102 = tpu.memref_slice %arg10[%dma_start3A_100, %dma_start3A_101] : memref<10240x128xf32, #tpu.memory_space<vmem_shared>> -> memref<10240x128xf32, #tpu.memory_space<vmem_shared>>
    tpu.enqueue_indirect_dma source(%arg8 : memref<80x128xf32, #tpu.memory_space<vmem>>) target(%dma_start3A_102 : memref<10240x128xf32, #tpu.memory_space<vmem_shared>>) offsets(%dma_start3A_99 : memref<80xi32, #tpu.memory_space<vmem>>) semaphore(%arg13 : memref<!tpu.dma_semaphore, #tpu.memory_space<semaphore_mem>>) {add = true}
    %dma_wait3A_103 = arith.constant 0 : i32
    %dma_wait3A_104 = arith.constant 0 : i32
    %dma_wait3A_105 = tpu.memref_slice %arg9[%dma_wait3A_103, %dma_wait3A_104] : memref<80x128xf32, #tpu.memory_space<vmem>> -> memref<40x128xf32, #tpu.memory_space<vmem>>
    %dma_wait3A_106 = arith.constant 9840 : i32
    %dma_wait3A_107 = tpu.memref_slice %arg6[%dma_wait3A_106] : memref<10000xi32, #tpu.memory_space<vmem>> -> memref<40xi32, #tpu.memory_space<vmem>>
    %dma_wait3A_108 = arith.constant 0 : i32
    %dma_wait3A_109 = arith.constant 0 : i32
    %dma_wait3A_110 = tpu.memref_slice %arg2[%dma_wait3A_108, %dma_wait3A_109] : memref<10240x128xf32, #tpu.memory_space<hbm>> -> memref<10240x128xf32, #tpu.memory_space<hbm>>
    tpu.wait_indirect_dma semaphore(%arg12 : memref<!tpu.dma_semaphore, #tpu.memory_space<semaphore_mem>>) src(%dma_wait3A_110 : memref<10240x128xf32, #tpu.memory_space<hbm>>) dst(%dma_wait3A_105 : memref<40x128xf32, #tpu.memory_space<vmem>>)
    %dma_wait3A_111 = arith.constant 40 : i32
    %dma_wait3A_112 = arith.constant 0 : i32
    %dma_wait3A_113 = tpu.memref_slice %arg9[%dma_wait3A_111, %dma_wait3A_112] : memref<80x128xf32, #tpu.memory_space<vmem>> -> memref<40x128xf32, #tpu.memory_space<vmem>>
    %dma_wait3A_114 = arith.constant 9880 : i32
    %dma_wait3A_115 = tpu.memref_slice %arg6[%dma_wait3A_114] : memref<10000xi32, #tpu.memory_space<vmem>> -> memref<40xi32, #tpu.memory_space<vmem>>
    %dma_wait3A_116 = arith.constant 0 : i32
    %dma_wait3A_117 = arith.constant 0 : i32
    %dma_wait3A_118 = tpu.memref_slice %arg2[%dma_wait3A_116, %dma_wait3A_117] : memref<10240x128xf32, #tpu.memory_space<hbm>> -> memref<10240x128xf32, #tpu.memory_space<hbm>>
    tpu.wait_indirect_dma semaphore(%arg12 : memref<!tpu.dma_semaphore, #tpu.memory_space<semaphore_mem>>) src(%dma_wait3A_118 : memref<10240x128xf32, #tpu.memory_space<hbm>>) dst(%dma_wait3A_113 : memref<40x128xf32, #tpu.memory_space<vmem>>)
    %dma_start3A_119 = arith.constant 123 : i32
    %dma_start3A_120 = arith.constant 0 : i32
    %dma_start3A_121 = tpu.memref_slice %arg7[%dma_start3A_119, %dma_start3A_120] : memref<125x80xi32, #tpu.memory_space<vmem>> -> memref<1x80xi32, #tpu.memory_space<vmem>>
    %dma_start3A_122 = tpu.memref_squeeze %dma_start3A_121 : memref<1x80xi32, #tpu.memory_space<vmem>> -> memref<80xi32, #tpu.memory_space<vmem>>
    %dma_start3A_123 = arith.constant 0 : i32
    %dma_start3A_124 = arith.constant 0 : i32
    %dma_start3A_125 = tpu.memref_slice %arg10[%dma_start3A_123, %dma_start3A_124] : memref<10240x128xf32, #tpu.memory_space<vmem_shared>> -> memref<10240x128xf32, #tpu.memory_space<vmem_shared>>
    tpu.enqueue_indirect_dma source(%arg9 : memref<80x128xf32, #tpu.memory_space<vmem>>) target(%dma_start3A_125 : memref<10240x128xf32, #tpu.memory_space<vmem_shared>>) offsets(%dma_start3A_122 : memref<80xi32, #tpu.memory_space<vmem>>) semaphore(%arg14 : memref<!tpu.dma_semaphore, #tpu.memory_space<semaphore_mem>>) {add = true}
    %dma_wait3A_126 = arith.constant 122 : i32
    %dma_wait3A_127 = arith.constant 0 : i32
    %dma_wait3A_128 = tpu.memref_slice %arg7[%dma_wait3A_126, %dma_wait3A_127] : memref<125x80xi32, #tpu.memory_space<vmem>> -> memref<1x80xi32, #tpu.memory_space<vmem>>
    %dma_wait3A_129 = tpu.memref_squeeze %dma_wait3A_128 : memref<1x80xi32, #tpu.memory_space<vmem>> -> memref<80xi32, #tpu.memory_space<vmem>>
    %dma_wait3A_130 = arith.constant 0 : i32
    %dma_wait3A_131 = arith.constant 0 : i32
    %dma_wait3A_132 = tpu.memref_slice %arg10[%dma_wait3A_130, %dma_wait3A_131] : memref<10240x128xf32, #tpu.memory_space<vmem_shared>> -> memref<10240x128xf32, #tpu.memory_space<vmem_shared>>
    tpu.wait_indirect_dma semaphore(%arg13 : memref<!tpu.dma_semaphore, #tpu.memory_space<semaphore_mem>>) src(%arg8 : memref<80x128xf32, #tpu.memory_space<vmem>>) dst(%dma_wait3A_132 : memref<10240x128xf32, #tpu.memory_space<vmem_shared>>)
    %dma_start3A_133 = arith.constant 0 : i32
    %dma_start3A_134 = arith.constant 0 : i32
    %dma_start3A_135 = tpu.memref_slice %arg8[%dma_start3A_133, %dma_start3A_134] : memref<80x128xf32, #tpu.memory_space<vmem>> -> memref<40x128xf32, #tpu.memory_space<vmem>>
    %dma_start3A_136 = arith.constant 9920 : i32
    %dma_start3A_137 = tpu.memref_slice %arg6[%dma_start3A_136] : memref<10000xi32, #tpu.memory_space<vmem>> -> memref<40xi32, #tpu.memory_space<vmem>>
    %dma_start3A_138 = arith.constant 0 : i32
    %dma_start3A_139 = arith.constant 0 : i32
    %dma_start3A_140 = tpu.memref_slice %arg2[%dma_start3A_138, %dma_start3A_139] : memref<10240x128xf32, #tpu.memory_space<hbm>> -> memref<10240x128xf32, #tpu.memory_space<hbm>>
    tpu.enqueue_indirect_dma source(%dma_start3A_140 : memref<10240x128xf32, #tpu.memory_space<hbm>>) target(%dma_start3A_135 : memref<40x128xf32, #tpu.memory_space<vmem>>) offsets(%dma_start3A_137 : memref<40xi32, #tpu.memory_space<vmem>>) semaphore(%arg11 : memref<!tpu.dma_semaphore, #tpu.memory_space<semaphore_mem>>)
    %dma_start3A_141 = arith.constant 40 : i32
    %dma_start3A_142 = arith.constant 0 : i32
    %dma_start3A_143 = tpu.memref_slice %arg8[%dma_start3A_141, %dma_start3A_142] : memref<80x128xf32, #tpu.memory_space<vmem>> -> memref<40x128xf32, #tpu.memory_space<vmem>>
    %dma_start3A_144 = arith.constant 9960 : i32
    %dma_start3A_145 = tpu.memref_slice %arg6[%dma_start3A_144] : memref<10000xi32, #tpu.memory_space<vmem>> -> memref<40xi32, #tpu.memory_space<vmem>>
    %dma_start3A_146 = arith.constant 0 : i32
    %dma_start3A_147 = arith.constant 0 : i32
    %dma_start3A_148 = tpu.memref_slice %arg2[%dma_start3A_146, %dma_start3A_147] : memref<10240x128xf32, #tpu.memory_space<hbm>> -> memref<10240x128xf32, #tpu.memory_space<hbm>>
    tpu.enqueue_indirect_dma source(%dma_start3A_148 : memref<10240x128xf32, #tpu.memory_space<hbm>>) target(%dma_start3A_143 : memref<40x128xf32, #tpu.memory_space<vmem>>) offsets(%dma_start3A_145 : memref<40xi32, #tpu.memory_space<vmem>>) semaphore(%arg11 : memref<!tpu.dma_semaphore, #tpu.memory_space<semaphore_mem>>)
    %dma_wait3A_149 = arith.constant 0 : i32
    %dma_wait3A_150 = arith.constant 0 : i32
    %dma_wait3A_151 = tpu.memref_slice %arg8[%dma_wait3A_149, %dma_wait3A_150] : memref<80x128xf32, #tpu.memory_space<vmem>> -> memref<40x128xf32, #tpu.memory_space<vmem>>
    %dma_wait3A_152 = arith.constant 9920 : i32
    %dma_wait3A_153 = tpu.memref_slice %arg6[%dma_wait3A_152] : memref<10000xi32, #tpu.memory_space<vmem>> -> memref<40xi32, #tpu.memory_space<vmem>>
    %dma_wait3A_154 = arith.constant 0 : i32
    %dma_wait3A_155 = arith.constant 0 : i32
    %dma_wait3A_156 = tpu.memref_slice %arg2[%dma_wait3A_154, %dma_wait3A_155] : memref<10240x128xf32, #tpu.memory_space<hbm>> -> memref<10240x128xf32, #tpu.memory_space<hbm>>
    tpu.wait_indirect_dma semaphore(%arg11 : memref<!tpu.dma_semaphore, #tpu.memory_space<semaphore_mem>>) src(%dma_wait3A_156 : memref<10240x128xf32, #tpu.memory_space<hbm>>) dst(%dma_wait3A_151 : memref<40x128xf32, #tpu.memory_space<vmem>>)
    %dma_wait3A_157 = arith.constant 40 : i32
    %dma_wait3A_158 = arith.constant 0 : i32
    %dma_wait3A_159 = tpu.memref_slice %arg8[%dma_wait3A_157, %dma_wait3A_158] : memref<80x128xf32, #tpu.memory_space<vmem>> -> memref<40x128xf32, #tpu.memory_space<vmem>>
    %dma_wait3A_160 = arith.constant 9960 : i32
    %dma_wait3A_161 = tpu.memref_slice %arg6[%dma_wait3A_160] : memref<10000xi32, #tpu.memory_space<vmem>> -> memref<40xi32, #tpu.memory_space<vmem>>
    %dma_wait3A_162 = arith.constant 0 : i32
    %dma_wait3A_163 = arith.constant 0 : i32
    %dma_wait3A_164 = tpu.memref_slice %arg2[%dma_wait3A_162, %dma_wait3A_163] : memref<10240x128xf32, #tpu.memory_space<hbm>> -> memref<10240x128xf32, #tpu.memory_space<hbm>>
    tpu.wait_indirect_dma semaphore(%arg11 : memref<!tpu.dma_semaphore, #tpu.memory_space<semaphore_mem>>) src(%dma_wait3A_164 : memref<10240x128xf32, #tpu.memory_space<hbm>>) dst(%dma_wait3A_159 : memref<40x128xf32, #tpu.memory_space<vmem>>)
    %dma_start3A_165 = arith.constant 124 : i32
    %dma_start3A_166 = arith.constant 0 : i32
    %dma_start3A_167 = tpu.memref_slice %arg7[%dma_start3A_165, %dma_start3A_166] : memref<125x80xi32, #tpu.memory_space<vmem>> -> memref<1x80xi32, #tpu.memory_space<vmem>>
    %dma_start3A_168 = tpu.memref_squeeze %dma_start3A_167 : memref<1x80xi32, #tpu.memory_space<vmem>> -> memref<80xi32, #tpu.memory_space<vmem>>
    %dma_start3A_169 = arith.constant 0 : i32
    %dma_start3A_170 = arith.constant 0 : i32
    %dma_start3A_171 = tpu.memref_slice %arg10[%dma_start3A_169, %dma_start3A_170] : memref<10240x128xf32, #tpu.memory_space<vmem_shared>> -> memref<10240x128xf32, #tpu.memory_space<vmem_shared>>
    tpu.enqueue_indirect_dma source(%arg8 : memref<80x128xf32, #tpu.memory_space<vmem>>) target(%dma_start3A_171 : memref<10240x128xf32, #tpu.memory_space<vmem_shared>>) offsets(%dma_start3A_168 : memref<80xi32, #tpu.memory_space<vmem>>) semaphore(%arg13 : memref<!tpu.dma_semaphore, #tpu.memory_space<semaphore_mem>>) {add = true}
    %dma_wait3A_172 = arith.constant 124 : i32
    %dma_wait3A_173 = arith.constant 0 : i32
    %dma_wait3A_174 = tpu.memref_slice %arg7[%dma_wait3A_172, %dma_wait3A_173] : memref<125x80xi32, #tpu.memory_space<vmem>> -> memref<1x80xi32, #tpu.memory_space<vmem>>
    %dma_wait3A_175 = tpu.memref_squeeze %dma_wait3A_174 : memref<1x80xi32, #tpu.memory_space<vmem>> -> memref<80xi32, #tpu.memory_space<vmem>>
    %dma_wait3A_176 = arith.constant 0 : i32
    %dma_wait3A_177 = arith.constant 0 : i32
    %dma_wait3A_178 = tpu.memref_slice %arg10[%dma_wait3A_176, %dma_wait3A_177] : memref<10240x128xf32, #tpu.memory_space<vmem_shared>> -> memref<10240x128xf32, #tpu.memory_space<vmem_shared>>
    tpu.wait_indirect_dma semaphore(%arg13 : memref<!tpu.dma_semaphore, #tpu.memory_space<semaphore_mem>>) src(%arg8 : memref<80x128xf32, #tpu.memory_space<vmem>>) dst(%dma_wait3A_178 : memref<10240x128xf32, #tpu.memory_space<vmem_shared>>)
    %dma_wait3A_179 = arith.constant 123 : i32
    %dma_wait3A_180 = arith.constant 0 : i32
    %dma_wait3A_181 = tpu.memref_slice %arg7[%dma_wait3A_179, %dma_wait3A_180] : memref<125x80xi32, #tpu.memory_space<vmem>> -> memref<1x80xi32, #tpu.memory_space<vmem>>
    %dma_wait3A_182 = tpu.memref_squeeze %dma_wait3A_181 : memref<1x80xi32, #tpu.memory_space<vmem>> -> memref<80xi32, #tpu.memory_space<vmem>>
    %dma_wait3A_183 = arith.constant 0 : i32
    %dma_wait3A_184 = arith.constant 0 : i32
    %dma_wait3A_185 = tpu.memref_slice %arg10[%dma_wait3A_183, %dma_wait3A_184] : memref<10240x128xf32, #tpu.memory_space<vmem_shared>> -> memref<10240x128xf32, #tpu.memory_space<vmem_shared>>
    tpu.wait_indirect_dma semaphore(%arg14 : memref<!tpu.dma_semaphore, #tpu.memory_space<semaphore_mem>>) src(%arg9 : memref<80x128xf32, #tpu.memory_space<vmem>>) dst(%dma_wait3A_185 : memref<10240x128xf32, #tpu.memory_space<vmem_shared>>)
    %barrier3A_186 = arith.constant 0 : index
    tpu.barrier barrier_id(%barrier3A_186)
    %add3A_187 = arith.constant 0 : i32
    %add3A_188 = arith.addi %mul3A_2, %add3A_187 : i32
    "tpu.region"() ({
      %run_scoped3A = tpu.sem_alloc : memref<!tpu.dma_semaphore, #tpu.memory_space<semaphore_mem>>
      %dma_start3A_203 = arith.constant 0 : i32
      %dma_start3A_204 = tpu.memref_slice %arg10[%add3A_188, %dma_start3A_203] : memref<10240x128xf32, #tpu.memory_space<vmem_shared>> -> memref<80x128xf32, #tpu.memory_space<vmem_shared>>
      %dma_start3A_205 = arith.constant 0 : i32
      %dma_start3A_206 = tpu.memref_slice %arg10[%add3A_188, %dma_start3A_205] : memref<10240x128xf32, #tpu.memory_space<vmem_shared>> -> memref<80x128xf32, #tpu.memory_space<vmem_shared>>
      tpu.enqueue_dma source(%dma_start3A_206 : memref<80x128xf32, #tpu.memory_space<vmem_shared>>) target(%arg8 : memref<80x128xf32, #tpu.memory_space<vmem>>) target_semaphore(%run_scoped3A : memref<!tpu.dma_semaphore, #tpu.memory_space<semaphore_mem>>)
      %dma_wait3A_207 = arith.constant 0 : i32
      %dma_wait3A_208 = tpu.memref_slice %arg10[%add3A_188, %dma_wait3A_207] : memref<10240x128xf32, #tpu.memory_space<vmem_shared>> -> memref<80x128xf32, #tpu.memory_space<vmem_shared>>
      %dma_wait3A_209 = arith.constant 0 : i32
      %dma_wait3A_210 = tpu.memref_slice %arg10[%add3A_188, %dma_wait3A_209] : memref<10240x128xf32, #tpu.memory_space<vmem_shared>> -> memref<80x128xf32, #tpu.memory_space<vmem_shared>>
      tpu.wait_dma2 semaphore(%run_scoped3A : memref<!tpu.dma_semaphore, #tpu.memory_space<semaphore_mem>>) src(%dma_wait3A_210 : memref<80x128xf32, #tpu.memory_space<vmem_shared>>) dst(%arg8 : memref<80x128xf32, #tpu.memory_space<vmem>>)
      tpu.yield
    }) : () -> ()
    "tpu.region"() ({
      %run_scoped3A = tpu.sem_alloc : memref<!tpu.dma_semaphore, #tpu.memory_space<semaphore_mem>>
      %dma_start3A_203 = arith.constant 0 : i32
      %dma_start3A_204 = tpu.memref_slice %arg5[%arg0, %add3A_188, %dma_start3A_203] : memref<2x10240x128xf32, #tpu.memory_space<hbm>> -> memref<1x80x128xf32, #tpu.memory_space<hbm>>
      %dma_start3A_205 = tpu.memref_squeeze %dma_start3A_204 : memref<1x80x128xf32, #tpu.memory_space<hbm>> -> memref<80x128xf32, #tpu.memory_space<hbm>>
      %dma_start3A_206 = arith.constant 0 : i32
      %dma_start3A_207 = tpu.memref_slice %arg5[%arg0, %add3A_188, %dma_start3A_206] : memref<2x10240x128xf32, #tpu.memory_space<hbm>> -> memref<1x80x128xf32, #tpu.memory_space<hbm>>
      %dma_start3A_208 = tpu.memref_squeeze %dma_start3A_207 : memref<1x80x128xf32, #tpu.memory_space<hbm>> -> memref<80x128xf32, #tpu.memory_space<hbm>>
      tpu.enqueue_dma source(%arg8 : memref<80x128xf32, #tpu.memory_space<vmem>>) target(%dma_start3A_208 : memref<80x128xf32, #tpu.memory_space<hbm>>) target_semaphore(%run_scoped3A : memref<!tpu.dma_semaphore, #tpu.memory_space<semaphore_mem>>)
      %dma_wait3A_209 = arith.constant 0 : i32
      %dma_wait3A_210 = tpu.memref_slice %arg5[%arg0, %add3A_188, %dma_wait3A_209] : memref<2x10240x128xf32, #tpu.memory_space<hbm>> -> memref<1x80x128xf32, #tpu.memory_space<hbm>>
      %dma_wait3A_211 = tpu.memref_squeeze %dma_wait3A_210 : memref<1x80x128xf32, #tpu.memory_space<hbm>> -> memref<80x128xf32, #tpu.memory_space<hbm>>
      %dma_wait3A_212 = arith.constant 0 : i32
      %dma_wait3A_213 = tpu.memref_slice %arg5[%arg0, %add3A_188, %dma_wait3A_212] : memref<2x10240x128xf32, #tpu.memory_space<hbm>> -> memref<1x80x128xf32, #tpu.memory_space<hbm>>
      %dma_wait3A_214 = tpu.memref_squeeze %dma_wait3A_213 : memref<1x80x128xf32, #tpu.memory_space<hbm>> -> memref<80x128xf32, #tpu.memory_space<hbm>>
      tpu.wait_dma2 semaphore(%run_scoped3A : memref<!tpu.dma_semaphore, #tpu.memory_space<semaphore_mem>>) src(%arg8 : memref<80x128xf32, #tpu.memory_space<vmem>>) dst(%dma_wait3A_214 : memref<80x128xf32, #tpu.memory_space<hbm>>)
      tpu.yield
    }) : () -> ()
    %add3A_189 = arith.constant 80 : i32
    %add3A_190 = arith.addi %mul3A_2, %add3A_189 : i32
    "tpu.region"() ({
      %run_scoped3A = tpu.sem_alloc : memref<!tpu.dma_semaphore, #tpu.memory_space<semaphore_mem>>
      %dma_start3A_203 = arith.constant 0 : i32
      %dma_start3A_204 = tpu.memref_slice %arg10[%add3A_190, %dma_start3A_203] : memref<10240x128xf32, #tpu.memory_space<vmem_shared>> -> memref<80x128xf32, #tpu.memory_space<vmem_shared>>
      %dma_start3A_205 = arith.constant 0 : i32
      %dma_start3A_206 = tpu.memref_slice %arg10[%add3A_190, %dma_start3A_205] : memref<10240x128xf32, #tpu.memory_space<vmem_shared>> -> memref<80x128xf32, #tpu.memory_space<vmem_shared>>
      tpu.enqueue_dma source(%dma_start3A_206 : memref<80x128xf32, #tpu.memory_space<vmem_shared>>) target(%arg8 : memref<80x128xf32, #tpu.memory_space<vmem>>) target_semaphore(%run_scoped3A : memref<!tpu.dma_semaphore, #tpu.memory_space<semaphore_mem>>)
      %dma_wait3A_207 = arith.constant 0 : i32
      %dma_wait3A_208 = tpu.memref_slice %arg10[%add3A_190, %dma_wait3A_207] : memref<10240x128xf32, #tpu.memory_space<vmem_shared>> -> memref<80x128xf32, #tpu.memory_space<vmem_shared>>
      %dma_wait3A_209 = arith.constant 0 : i32
      %dma_wait3A_210 = tpu.memref_slice %arg10[%add3A_190, %dma_wait3A_209] : memref<10240x128xf32, #tpu.memory_space<vmem_shared>> -> memref<80x128xf32, #tpu.memory_space<vmem_shared>>
      tpu.wait_dma2 semaphore(%run_scoped3A : memref<!tpu.dma_semaphore, #tpu.memory_space<semaphore_mem>>) src(%dma_wait3A_210 : memref<80x128xf32, #tpu.memory_space<vmem_shared>>) dst(%arg8 : memref<80x128xf32, #tpu.memory_space<vmem>>)
      tpu.yield
    }) : () -> ()
    "tpu.region"() ({
      %run_scoped3A = tpu.sem_alloc : memref<!tpu.dma_semaphore, #tpu.memory_space<semaphore_mem>>
      %dma_start3A_203 = arith.constant 0 : i32
      %dma_start3A_204 = tpu.memref_slice %arg5[%arg0, %add3A_190, %dma_start3A_203] : memref<2x10240x128xf32, #tpu.memory_space<hbm>> -> memref<1x80x128xf32, #tpu.memory_space<hbm>>
      %dma_start3A_205 = tpu.memref_squeeze %dma_start3A_204 : memref<1x80x128xf32, #tpu.memory_space<hbm>> -> memref<80x128xf32, #tpu.memory_space<hbm>>
      %dma_start3A_206 = arith.constant 0 : i32
      %dma_start3A_207 = tpu.memref_slice %arg5[%arg0, %add3A_190, %dma_start3A_206] : memref<2x10240x128xf32, #tpu.memory_space<hbm>> -> memref<1x80x128xf32, #tpu.memory_space<hbm>>
      %dma_start3A_208 = tpu.memref_squeeze %dma_start3A_207 : memref<1x80x128xf32, #tpu.memory_space<hbm>> -> memref<80x128xf32, #tpu.memory_space<hbm>>
      tpu.enqueue_dma source(%arg8 : memref<80x128xf32, #tpu.memory_space<vmem>>) target(%dma_start3A_208 : memref<80x128xf32, #tpu.memory_space<hbm>>) target_semaphore(%run_scoped3A : memref<!tpu.dma_semaphore, #tpu.memory_space<semaphore_mem>>)
      %dma_wait3A_209 = arith.constant 0 : i32
      %dma_wait3A_210 = tpu.memref_slice %arg5[%arg0, %add3A_190, %dma_wait3A_209] : memref<2x10240x128xf32, #tpu.memory_space<hbm>> -> memref<1x80x128xf32, #tpu.memory_space<hbm>>
      %dma_wait3A_211 = tpu.memref_squeeze %dma_wait3A_210 : memref<1x80x128xf32, #tpu.memory_space<hbm>> -> memref<80x128xf32, #tpu.memory_space<hbm>>
      %dma_wait3A_212 = arith.constant 0 : i32
      %dma_wait3A_213 = tpu.memref_slice %arg5[%arg0, %add3A_190, %dma_wait3A_212] : memref<2x10240x128xf32, #tpu.memory_space<hbm>> -> memref<1x80x128xf32, #tpu.memory_space<hbm>>
      %dma_wait3A_214 = tpu.memref_squeeze %dma_wait3A_213 : memref<1x80x128xf32, #tpu.memory_space<hbm>> -> memref<80x128xf32, #tpu.memory_space<hbm>>
      tpu.wait_dma2 semaphore(%run_scoped3A : memref<!tpu.dma_semaphore, #tpu.memory_space<semaphore_mem>>) src(%arg8 : memref<80x128xf32, #tpu.memory_space<vmem>>) dst(%dma_wait3A_214 : memref<80x128xf32, #tpu.memory_space<hbm>>)
      tpu.yield
    }) : () -> ()
    %add3A_191 = arith.constant 160 : i32
    %add3A_192 = arith.addi %mul3A_2, %add3A_191 : i32
    "tpu.region"() ({
      %run_scoped3A = tpu.sem_alloc : memref<!tpu.dma_semaphore, #tpu.memory_space<semaphore_mem>>
      %dma_start3A_203 = arith.constant 0 : i32
      %dma_start3A_204 = tpu.memref_slice %arg10[%add3A_192, %dma_start3A_203] : memref<10240x128xf32, #tpu.memory_space<vmem_shared>> -> memref<80x128xf32, #tpu.memory_space<vmem_shared>>
      %dma_start3A_205 = arith.constant 0 : i32
      %dma_start3A_206 = tpu.memref_slice %arg10[%add3A_192, %dma_start3A_205] : memref<10240x128xf32, #tpu.memory_space<vmem_shared>> -> memref<80x128xf32, #tpu.memory_space<vmem_shared>>
      tpu.enqueue_dma source(%dma_start3A_206 : memref<80x128xf32, #tpu.memory_space<vmem_shared>>) target(%arg8 : memref<80x128xf32, #tpu.memory_space<vmem>>) target_semaphore(%run_scoped3A : memref<!tpu.dma_semaphore, #tpu.memory_space<semaphore_mem>>)
      %dma_wait3A_207 = arith.constant 0 : i32
      %dma_wait3A_208 = tpu.memref_slice %arg10[%add3A_192, %dma_wait3A_207] : memref<10240x128xf32, #tpu.memory_space<vmem_shared>> -> memref<80x128xf32, #tpu.memory_space<vmem_shared>>
      %dma_wait3A_209 = arith.constant 0 : i32
      %dma_wait3A_210 = tpu.memref_slice %arg10[%add3A_192, %dma_wait3A_209] : memref<10240x128xf32, #tpu.memory_space<vmem_shared>> -> memref<80x128xf32, #tpu.memory_space<vmem_shared>>
      tpu.wait_dma2 semaphore(%run_scoped3A : memref<!tpu.dma_semaphore, #tpu.memory_space<semaphore_mem>>) src(%dma_wait3A_210 : memref<80x128xf32, #tpu.memory_space<vmem_shared>>) dst(%arg8 : memref<80x128xf32, #tpu.memory_space<vmem>>)
      tpu.yield
    }) : () -> ()
    "tpu.region"() ({
      %run_scoped3A = tpu.sem_alloc : memref<!tpu.dma_semaphore, #tpu.memory_space<semaphore_mem>>
      %dma_start3A_203 = arith.constant 0 : i32
      %dma_start3A_204 = tpu.memref_slice %arg5[%arg0, %add3A_192, %dma_start3A_203] : memref<2x10240x128xf32, #tpu.memory_space<hbm>> -> memref<1x80x128xf32, #tpu.memory_space<hbm>>
      %dma_start3A_205 = tpu.memref_squeeze %dma_start3A_204 : memref<1x80x128xf32, #tpu.memory_space<hbm>> -> memref<80x128xf32, #tpu.memory_space<hbm>>
      %dma_start3A_206 = arith.constant 0 : i32
      %dma_start3A_207 = tpu.memref_slice %arg5[%arg0, %add3A_192, %dma_start3A_206] : memref<2x10240x128xf32, #tpu.memory_space<hbm>> -> memref<1x80x128xf32, #tpu.memory_space<hbm>>
      %dma_start3A_208 = tpu.memref_squeeze %dma_start3A_207 : memref<1x80x128xf32, #tpu.memory_space<hbm>> -> memref<80x128xf32, #tpu.memory_space<hbm>>
      tpu.enqueue_dma source(%arg8 : memref<80x128xf32, #tpu.memory_space<vmem>>) target(%dma_start3A_208 : memref<80x128xf32, #tpu.memory_space<hbm>>) target_semaphore(%run_scoped3A : memref<!tpu.dma_semaphore, #tpu.memory_space<semaphore_mem>>)
      %dma_wait3A_209 = arith.constant 0 : i32
      %dma_wait3A_210 = tpu.memref_slice %arg5[%arg0, %add3A_192, %dma_wait3A_209] : memref<2x10240x128xf32, #tpu.memory_space<hbm>> -> memref<1x80x128xf32, #tpu.memory_space<hbm>>
      %dma_wait3A_211 = tpu.memref_squeeze %dma_wait3A_210 : memref<1x80x128xf32, #tpu.memory_space<hbm>> -> memref<80x128xf32, #tpu.memory_space<hbm>>
      %dma_wait3A_212 = arith.constant 0 : i32
      %dma_wait3A_213 = tpu.memref_slice %arg5[%arg0, %add3A_192, %dma_wait3A_212] : memref<2x10240x128xf32, #tpu.memory_space<hbm>> -> memref<1x80x128xf32, #tpu.memory_space<hbm>>
      %dma_wait3A_214 = tpu.memref_squeeze %dma_wait3A_213 : memref<1x80x128xf32, #tpu.memory_space<hbm>> -> memref<80x128xf32, #tpu.memory_space<hbm>>
      tpu.wait_dma2 semaphore(%run_scoped3A : memref<!tpu.dma_semaphore, #tpu.memory_space<semaphore_mem>>) src(%arg8 : memref<80x128xf32, #tpu.memory_space<vmem>>) dst(%dma_wait3A_214 : memref<80x128xf32, #tpu.memory_space<hbm>>)
      tpu.yield
    }) : () -> ()
    %add3A_193 = arith.constant 240 : i32
    %add3A_194 = arith.addi %mul3A_2, %add3A_193 : i32
    "tpu.region"() ({
      %run_scoped3A = tpu.sem_alloc : memref<!tpu.dma_semaphore, #tpu.memory_space<semaphore_mem>>
      %dma_start3A_203 = arith.constant 0 : i32
      %dma_start3A_204 = tpu.memref_slice %arg10[%add3A_194, %dma_start3A_203] : memref<10240x128xf32, #tpu.memory_space<vmem_shared>> -> memref<80x128xf32, #tpu.memory_space<vmem_shared>>
      %dma_start3A_205 = arith.constant 0 : i32
      %dma_start3A_206 = tpu.memref_slice %arg10[%add3A_194, %dma_start3A_205] : memref<10240x128xf32, #tpu.memory_space<vmem_shared>> -> memref<80x128xf32, #tpu.memory_space<vmem_shared>>
      tpu.enqueue_dma source(%dma_start3A_206 : memref<80x128xf32, #tpu.memory_space<vmem_shared>>) target(%arg8 : memref<80x128xf32, #tpu.memory_space<vmem>>) target_semaphore(%run_scoped3A : memref<!tpu.dma_semaphore, #tpu.memory_space<semaphore_mem>>)
      %dma_wait3A_207 = arith.constant 0 : i32
      %dma_wait3A_208 = tpu.memref_slice %arg10[%add3A_194, %dma_wait3A_207] : memref<10240x128xf32, #tpu.memory_space<vmem_shared>> -> memref<80x128xf32, #tpu.memory_space<vmem_shared>>
      %dma_wait3A_209 = arith.constant 0 : i32
      %dma_wait3A_210 = tpu.memref_slice %arg10[%add3A_194, %dma_wait3A_209] : memref<10240x128xf32, #tpu.memory_space<vmem_shared>> -> memref<80x128xf32, #tpu.memory_space<vmem_shared>>
      tpu.wait_dma2 semaphore(%run_scoped3A : memref<!tpu.dma_semaphore, #tpu.memory_space<semaphore_mem>>) src(%dma_wait3A_210 : memref<80x128xf32, #tpu.memory_space<vmem_shared>>) dst(%arg8 : memref<80x128xf32, #tpu.memory_space<vmem>>)
      tpu.yield
    }) : () -> ()
    "tpu.region"() ({
      %run_scoped3A = tpu.sem_alloc : memref<!tpu.dma_semaphore, #tpu.memory_space<semaphore_mem>>
      %dma_start3A_203 = arith.constant 0 : i32
      %dma_start3A_204 = tpu.memref_slice %arg5[%arg0, %add3A_194, %dma_start3A_203] : memref<2x10240x128xf32, #tpu.memory_space<hbm>> -> memref<1x80x128xf32, #tpu.memory_space<hbm>>
      %dma_start3A_205 = tpu.memref_squeeze %dma_start3A_204 : memref<1x80x128xf32, #tpu.memory_space<hbm>> -> memref<80x128xf32, #tpu.memory_space<hbm>>
      %dma_start3A_206 = arith.constant 0 : i32
      %dma_start3A_207 = tpu.memref_slice %arg5[%arg0, %add3A_194, %dma_start3A_206] : memref<2x10240x128xf32, #tpu.memory_space<hbm>> -> memref<1x80x128xf32, #tpu.memory_space<hbm>>
      %dma_start3A_208 = tpu.memref_squeeze %dma_start3A_207 : memref<1x80x128xf32, #tpu.memory_space<hbm>> -> memref<80x128xf32, #tpu.memory_space<hbm>>
      tpu.enqueue_dma source(%arg8 : memref<80x128xf32, #tpu.memory_space<vmem>>) target(%dma_start3A_208 : memref<80x128xf32, #tpu.memory_space<hbm>>) target_semaphore(%run_scoped3A : memref<!tpu.dma_semaphore, #tpu.memory_space<semaphore_mem>>)
      %dma_wait3A_209 = arith.constant 0 : i32
      %dma_wait3A_210 = tpu.memref_slice %arg5[%arg0, %add3A_194, %dma_wait3A_209] : memref<2x10240x128xf32, #tpu.memory_space<hbm>> -> memref<1x80x128xf32, #tpu.memory_space<hbm>>
      %dma_wait3A_211 = tpu.memref_squeeze %dma_wait3A_210 : memref<1x80x128xf32, #tpu.memory_space<hbm>> -> memref<80x128xf32, #tpu.memory_space<hbm>>
      %dma_wait3A_212 = arith.constant 0 : i32
      %dma_wait3A_213 = tpu.memref_slice %arg5[%arg0, %add3A_194, %dma_wait3A_212] : memref<2x10240x128xf32, #tpu.memory_space<hbm>> -> memref<1x80x128xf32, #tpu.memory_space<hbm>>
      %dma_wait3A_214 = tpu.memref_squeeze %dma_wait3A_213 : memref<1x80x128xf32, #tpu.memory_space<hbm>> -> memref<80x128xf32, #tpu.memory_space<hbm>>
      tpu.wait_dma2 semaphore(%run_scoped3A : memref<!tpu.dma_semaphore, #tpu.memory_space<semaphore_mem>>) src(%arg8 : memref<80x128xf32, #tpu.memory_space<vmem>>) dst(%dma_wait3A_214 : memref<80x128xf32, #tpu.memory_space<hbm>>)
      tpu.yield
    }) : () -> ()
    %add3A_195 = arith.constant 320 : i32
    %add3A_196 = arith.addi %mul3A_2, %add3A_195 : i32
    "tpu.region"() ({
      %run_scoped3A = tpu.sem_alloc : memref<!tpu.dma_semaphore, #tpu.memory_space<semaphore_mem>>
      %dma_start3A_203 = arith.constant 0 : i32
      %dma_start3A_204 = tpu.memref_slice %arg10[%add3A_196, %dma_start3A_203] : memref<10240x128xf32, #tpu.memory_space<vmem_shared>> -> memref<80x128xf32, #tpu.memory_space<vmem_shared>>
      %dma_start3A_205 = arith.constant 0 : i32
      %dma_start3A_206 = tpu.memref_slice %arg10[%add3A_196, %dma_start3A_205] : memref<10240x128xf32, #tpu.memory_space<vmem_shared>> -> memref<80x128xf32, #tpu.memory_space<vmem_shared>>
      tpu.enqueue_dma source(%dma_start3A_206 : memref<80x128xf32, #tpu.memory_space<vmem_shared>>) target(%arg8 : memref<80x128xf32, #tpu.memory_space<vmem>>) target_semaphore(%run_scoped3A : memref<!tpu.dma_semaphore, #tpu.memory_space<semaphore_mem>>)
      %dma_wait3A_207 = arith.constant 0 : i32
      %dma_wait3A_208 = tpu.memref_slice %arg10[%add3A_196, %dma_wait3A_207] : memref<10240x128xf32, #tpu.memory_space<vmem_shared>> -> memref<80x128xf32, #tpu.memory_space<vmem_shared>>
      %dma_wait3A_209 = arith.constant 0 : i32
      %dma_wait3A_210 = tpu.memref_slice %arg10[%add3A_196, %dma_wait3A_209] : memref<10240x128xf32, #tpu.memory_space<vmem_shared>> -> memref<80x128xf32, #tpu.memory_space<vmem_shared>>
      tpu.wait_dma2 semaphore(%run_scoped3A : memref<!tpu.dma_semaphore, #tpu.memory_space<semaphore_mem>>) src(%dma_wait3A_210 : memref<80x128xf32, #tpu.memory_space<vmem_shared>>) dst(%arg8 : memref<80x128xf32, #tpu.memory_space<vmem>>)
      tpu.yield
    }) : () -> ()
    "tpu.region"() ({
      %run_scoped3A = tpu.sem_alloc : memref<!tpu.dma_semaphore, #tpu.memory_space<semaphore_mem>>
      %dma_start3A_203 = arith.constant 0 : i32
      %dma_start3A_204 = tpu.memref_slice %arg5[%arg0, %add3A_196, %dma_start3A_203] : memref<2x10240x128xf32, #tpu.memory_space<hbm>> -> memref<1x80x128xf32, #tpu.memory_space<hbm>>
      %dma_start3A_205 = tpu.memref_squeeze %dma_start3A_204 : memref<1x80x128xf32, #tpu.memory_space<hbm>> -> memref<80x128xf32, #tpu.memory_space<hbm>>
      %dma_start3A_206 = arith.constant 0 : i32
      %dma_start3A_207 = tpu.memref_slice %arg5[%arg0, %add3A_196, %dma_start3A_206] : memref<2x10240x128xf32, #tpu.memory_space<hbm>> -> memref<1x80x128xf32, #tpu.memory_space<hbm>>
      %dma_start3A_208 = tpu.memref_squeeze %dma_start3A_207 : memref<1x80x128xf32, #tpu.memory_space<hbm>> -> memref<80x128xf32, #tpu.memory_space<hbm>>
      tpu.enqueue_dma source(%arg8 : memref<80x128xf32, #tpu.memory_space<vmem>>) target(%dma_start3A_208 : memref<80x128xf32, #tpu.memory_space<hbm>>) target_semaphore(%run_scoped3A : memref<!tpu.dma_semaphore, #tpu.memory_space<semaphore_mem>>)
      %dma_wait3A_209 = arith.constant 0 : i32
      %dma_wait3A_210 = tpu.memref_slice %arg5[%arg0, %add3A_196, %dma_wait3A_209] : memref<2x10240x128xf32, #tpu.memory_space<hbm>> -> memref<1x80x128xf32, #tpu.memory_space<hbm>>
      %dma_wait3A_211 = tpu.memref_squeeze %dma_wait3A_210 : memref<1x80x128xf32, #tpu.memory_space<hbm>> -> memref<80x128xf32, #tpu.memory_space<hbm>>
      %dma_wait3A_212 = arith.constant 0 : i32
      %dma_wait3A_213 = tpu.memref_slice %arg5[%arg0, %add3A_196, %dma_wait3A_212] : memref<2x10240x128xf32, #tpu.memory_space<hbm>> -> memref<1x80x128xf32, #tpu.memory_space<hbm>>
      %dma_wait3A_214 = tpu.memref_squeeze %dma_wait3A_213 : memref<1x80x128xf32, #tpu.memory_space<hbm>> -> memref<80x128xf32, #tpu.memory_space<hbm>>
      tpu.wait_dma2 semaphore(%run_scoped3A : memref<!tpu.dma_semaphore, #tpu.memory_space<semaphore_mem>>) src(%arg8 : memref<80x128xf32, #tpu.memory_space<vmem>>) dst(%dma_wait3A_214 : memref<80x128xf32, #tpu.memory_space<hbm>>)
      tpu.yield
    }) : () -> ()
    %add3A_197 = arith.constant 400 : i32
    %add3A_198 = arith.addi %mul3A_2, %add3A_197 : i32
    "tpu.region"() ({
      %run_scoped3A = tpu.sem_alloc : memref<!tpu.dma_semaphore, #tpu.memory_space<semaphore_mem>>
      %dma_start3A_203 = arith.constant 0 : i32
      %dma_start3A_204 = tpu.memref_slice %arg10[%add3A_198, %dma_start3A_203] : memref<10240x128xf32, #tpu.memory_space<vmem_shared>> -> memref<80x128xf32, #tpu.memory_space<vmem_shared>>
      %dma_start3A_205 = arith.constant 0 : i32
      %dma_start3A_206 = tpu.memref_slice %arg10[%add3A_198, %dma_start3A_205] : memref<10240x128xf32, #tpu.memory_space<vmem_shared>> -> memref<80x128xf32, #tpu.memory_space<vmem_shared>>
      tpu.enqueue_dma source(%dma_start3A_206 : memref<80x128xf32, #tpu.memory_space<vmem_shared>>) target(%arg8 : memref<80x128xf32, #tpu.memory_space<vmem>>) target_semaphore(%run_scoped3A : memref<!tpu.dma_semaphore, #tpu.memory_space<semaphore_mem>>)
      %dma_wait3A_207 = arith.constant 0 : i32
      %dma_wait3A_208 = tpu.memref_slice %arg10[%add3A_198, %dma_wait3A_207] : memref<10240x128xf32, #tpu.memory_space<vmem_shared>> -> memref<80x128xf32, #tpu.memory_space<vmem_shared>>
      %dma_wait3A_209 = arith.constant 0 : i32
      %dma_wait3A_210 = tpu.memref_slice %arg10[%add3A_198, %dma_wait3A_209] : memref<10240x128xf32, #tpu.memory_space<vmem_shared>> -> memref<80x128xf32, #tpu.memory_space<vmem_shared>>
      tpu.wait_dma2 semaphore(%run_scoped3A : memref<!tpu.dma_semaphore, #tpu.memory_space<semaphore_mem>>) src(%dma_wait3A_210 : memref<80x128xf32, #tpu.memory_space<vmem_shared>>) dst(%arg8 : memref<80x128xf32, #tpu.memory_space<vmem>>)
      tpu.yield
    }) : () -> ()
    "tpu.region"() ({
      %run_scoped3A = tpu.sem_alloc : memref<!tpu.dma_semaphore, #tpu.memory_space<semaphore_mem>>
      %dma_start3A_203 = arith.constant 0 : i32
      %dma_start3A_204 = tpu.memref_slice %arg5[%arg0, %add3A_198, %dma_start3A_203] : memref<2x10240x128xf32, #tpu.memory_space<hbm>> -> memref<1x80x128xf32, #tpu.memory_space<hbm>>
      %dma_start3A_205 = tpu.memref_squeeze %dma_start3A_204 : memref<1x80x128xf32, #tpu.memory_space<hbm>> -> memref<80x128xf32, #tpu.memory_space<hbm>>
      %dma_start3A_206 = arith.constant 0 : i32
      %dma_start3A_207 = tpu.memref_slice %arg5[%arg0, %add3A_198, %dma_start3A_206] : memref<2x10240x128xf32, #tpu.memory_space<hbm>> -> memref<1x80x128xf32, #tpu.memory_space<hbm>>
      %dma_start3A_208 = tpu.memref_squeeze %dma_start3A_207 : memref<1x80x128xf32, #tpu.memory_space<hbm>> -> memref<80x128xf32, #tpu.memory_space<hbm>>
      tpu.enqueue_dma source(%arg8 : memref<80x128xf32, #tpu.memory_space<vmem>>) target(%dma_start3A_208 : memref<80x128xf32, #tpu.memory_space<hbm>>) target_semaphore(%run_scoped3A : memref<!tpu.dma_semaphore, #tpu.memory_space<semaphore_mem>>)
      %dma_wait3A_209 = arith.constant 0 : i32
      %dma_wait3A_210 = tpu.memref_slice %arg5[%arg0, %add3A_198, %dma_wait3A_209] : memref<2x10240x128xf32, #tpu.memory_space<hbm>> -> memref<1x80x128xf32, #tpu.memory_space<hbm>>
      %dma_wait3A_211 = tpu.memref_squeeze %dma_wait3A_210 : memref<1x80x128xf32, #tpu.memory_space<hbm>> -> memref<80x128xf32, #tpu.memory_space<hbm>>
      %dma_wait3A_212 = arith.constant 0 : i32
      %dma_wait3A_213 = tpu.memref_slice %arg5[%arg0, %add3A_198, %dma_wait3A_212] : memref<2x10240x128xf32, #tpu.memory_space<hbm>> -> memref<1x80x128xf32, #tpu.memory_space<hbm>>
      %dma_wait3A_214 = tpu.memref_squeeze %dma_wait3A_213 : memref<1x80x128xf32, #tpu.memory_space<hbm>> -> memref<80x128xf32, #tpu.memory_space<hbm>>
      tpu.wait_dma2 semaphore(%run_scoped3A : memref<!tpu.dma_semaphore, #tpu.memory_space<semaphore_mem>>) src(%arg8 : memref<80x128xf32, #tpu.memory_space<vmem>>) dst(%dma_wait3A_214 : memref<80x128xf32, #tpu.memory_space<hbm>>)
      tpu.yield
    }) : () -> ()
    %add3A_199 = arith.constant 480 : i32
    %add3A_200 = arith.addi %mul3A_2, %add3A_199 : i32
    "tpu.region"() ({
      %run_scoped3A = tpu.sem_alloc : memref<!tpu.dma_semaphore, #tpu.memory_space<semaphore_mem>>
      %dma_start3A_203 = arith.constant 0 : i32
      %dma_start3A_204 = tpu.memref_slice %arg10[%add3A_200, %dma_start3A_203] : memref<10240x128xf32, #tpu.memory_space<vmem_shared>> -> memref<80x128xf32, #tpu.memory_space<vmem_shared>>
      %dma_start3A_205 = arith.constant 0 : i32
      %dma_start3A_206 = tpu.memref_slice %arg10[%add3A_200, %dma_start3A_205] : memref<10240x128xf32, #tpu.memory_space<vmem_shared>> -> memref<80x128xf32, #tpu.memory_space<vmem_shared>>
      tpu.enqueue_dma source(%dma_start3A_206 : memref<80x128xf32, #tpu.memory_space<vmem_shared>>) target(%arg8 : memref<80x128xf32, #tpu.memory_space<vmem>>) target_semaphore(%run_scoped3A : memref<!tpu.dma_semaphore, #tpu.memory_space<semaphore_mem>>)
      %dma_wait3A_207 = arith.constant 0 : i32
      %dma_wait3A_208 = tpu.memref_slice %arg10[%add3A_200, %dma_wait3A_207] : memref<10240x128xf32, #tpu.memory_space<vmem_shared>> -> memref<80x128xf32, #tpu.memory_space<vmem_shared>>
      %dma_wait3A_209 = arith.constant 0 : i32
      %dma_wait3A_210 = tpu.memref_slice %arg10[%add3A_200, %dma_wait3A_209] : memref<10240x128xf32, #tpu.memory_space<vmem_shared>> -> memref<80x128xf32, #tpu.memory_space<vmem_shared>>
      tpu.wait_dma2 semaphore(%run_scoped3A : memref<!tpu.dma_semaphore, #tpu.memory_space<semaphore_mem>>) src(%dma_wait3A_210 : memref<80x128xf32, #tpu.memory_space<vmem_shared>>) dst(%arg8 : memref<80x128xf32, #tpu.memory_space<vmem>>)
      tpu.yield
    }) : () -> ()
    "tpu.region"() ({
      %run_scoped3A = tpu.sem_alloc : memref<!tpu.dma_semaphore, #tpu.memory_space<semaphore_mem>>
      %dma_start3A_203 = arith.constant 0 : i32
      %dma_start3A_204 = tpu.memref_slice %arg5[%arg0, %add3A_200, %dma_start3A_203] : memref<2x10240x128xf32, #tpu.memory_space<hbm>> -> memref<1x80x128xf32, #tpu.memory_space<hbm>>
      %dma_start3A_205 = tpu.memref_squeeze %dma_start3A_204 : memref<1x80x128xf32, #tpu.memory_space<hbm>> -> memref<80x128xf32, #tpu.memory_space<hbm>>
      %dma_start3A_206 = arith.constant 0 : i32
      %dma_start3A_207 = tpu.memref_slice %arg5[%arg0, %add3A_200, %dma_start3A_206] : memref<2x10240x128xf32, #tpu.memory_space<hbm>> -> memref<1x80x128xf32, #tpu.memory_space<hbm>>
      %dma_start3A_208 = tpu.memref_squeeze %dma_start3A_207 : memref<1x80x128xf32, #tpu.memory_space<hbm>> -> memref<80x128xf32, #tpu.memory_space<hbm>>
      tpu.enqueue_dma source(%arg8 : memref<80x128xf32, #tpu.memory_space<vmem>>) target(%dma_start3A_208 : memref<80x128xf32, #tpu.memory_space<hbm>>) target_semaphore(%run_scoped3A : memref<!tpu.dma_semaphore, #tpu.memory_space<semaphore_mem>>)
      %dma_wait3A_209 = arith.constant 0 : i32
      %dma_wait3A_210 = tpu.memref_slice %arg5[%arg0, %add3A_200, %dma_wait3A_209] : memref<2x10240x128xf32, #tpu.memory_space<hbm>> -> memref<1x80x128xf32, #tpu.memory_space<hbm>>
      %dma_wait3A_211 = tpu.memref_squeeze %dma_wait3A_210 : memref<1x80x128xf32, #tpu.memory_space<hbm>> -> memref<80x128xf32, #tpu.memory_space<hbm>>
      %dma_wait3A_212 = arith.constant 0 : i32
      %dma_wait3A_213 = tpu.memref_slice %arg5[%arg0, %add3A_200, %dma_wait3A_212] : memref<2x10240x128xf32, #tpu.memory_space<hbm>> -> memref<1x80x128xf32, #tpu.memory_space<hbm>>
      %dma_wait3A_214 = tpu.memref_squeeze %dma_wait3A_213 : memref<1x80x128xf32, #tpu.memory_space<hbm>> -> memref<80x128xf32, #tpu.memory_space<hbm>>
      tpu.wait_dma2 semaphore(%run_scoped3A : memref<!tpu.dma_semaphore, #tpu.memory_space<semaphore_mem>>) src(%arg8 : memref<80x128xf32, #tpu.memory_space<vmem>>) dst(%dma_wait3A_214 : memref<80x128xf32, #tpu.memory_space<hbm>>)
      tpu.yield
    }) : () -> ()
    %add3A_201 = arith.constant 560 : i32
    %add3A_202 = arith.addi %mul3A_2, %add3A_201 : i32
    "tpu.region"() ({
      %run_scoped3A = tpu.sem_alloc : memref<!tpu.dma_semaphore, #tpu.memory_space<semaphore_mem>>
      %dma_start3A_203 = arith.constant 0 : i32
      %dma_start3A_204 = tpu.memref_slice %arg10[%add3A_202, %dma_start3A_203] : memref<10240x128xf32, #tpu.memory_space<vmem_shared>> -> memref<80x128xf32, #tpu.memory_space<vmem_shared>>
      %dma_start3A_205 = arith.constant 0 : i32
      %dma_start3A_206 = tpu.memref_slice %arg10[%add3A_202, %dma_start3A_205] : memref<10240x128xf32, #tpu.memory_space<vmem_shared>> -> memref<80x128xf32, #tpu.memory_space<vmem_shared>>
      tpu.enqueue_dma source(%dma_start3A_206 : memref<80x128xf32, #tpu.memory_space<vmem_shared>>) target(%arg8 : memref<80x128xf32, #tpu.memory_space<vmem>>) target_semaphore(%run_scoped3A : memref<!tpu.dma_semaphore, #tpu.memory_space<semaphore_mem>>)
      %dma_wait3A_207 = arith.constant 0 : i32
      %dma_wait3A_208 = tpu.memref_slice %arg10[%add3A_202, %dma_wait3A_207] : memref<10240x128xf32, #tpu.memory_space<vmem_shared>> -> memref<80x128xf32, #tpu.memory_space<vmem_shared>>
      %dma_wait3A_209 = arith.constant 0 : i32
      %dma_wait3A_210 = tpu.memref_slice %arg10[%add3A_202, %dma_wait3A_209] : memref<10240x128xf32, #tpu.memory_space<vmem_shared>> -> memref<80x128xf32, #tpu.memory_space<vmem_shared>>
      tpu.wait_dma2 semaphore(%run_scoped3A : memref<!tpu.dma_semaphore, #tpu.memory_space<semaphore_mem>>) src(%dma_wait3A_210 : memref<80x128xf32, #tpu.memory_space<vmem_shared>>) dst(%arg8 : memref<80x128xf32, #tpu.memory_space<vmem>>)
      tpu.yield
    }) : () -> ()
    "tpu.region"() ({
      %run_scoped3A = tpu.sem_alloc : memref<!tpu.dma_semaphore, #tpu.memory_space<semaphore_mem>>
      %dma_start3A_203 = arith.constant 0 : i32
      %dma_start3A_204 = tpu.memref_slice %arg5[%arg0, %add3A_202, %dma_start3A_203] : memref<2x10240x128xf32, #tpu.memory_space<hbm>> -> memref<1x80x128xf32, #tpu.memory_space<hbm>>
      %dma_start3A_205 = tpu.memref_squeeze %dma_start3A_204 : memref<1x80x128xf32, #tpu.memory_space<hbm>> -> memref<80x128xf32, #tpu.memory_space<hbm>>
      %dma_start3A_206 = arith.constant 0 : i32
      %dma_start3A_207 = tpu.memref_slice %arg5[%arg0, %add3A_202, %dma_start3A_206] : memref<2x10240x128xf32, #tpu.memory_space<hbm>> -> memref<1x80x128xf32, #tpu.memory_space<hbm>>
      %dma_start3A_208 = tpu.memref_squeeze %dma_start3A_207 : memref<1x80x128xf32, #tpu.memory_space<hbm>> -> memref<80x128xf32, #tpu.memory_space<hbm>>
      tpu.enqueue_dma source(%arg8 : memref<80x128xf32, #tpu.memory_space<vmem>>) target(%dma_start3A_208 : memref<80x128xf32, #tpu.memory_space<hbm>>) target_semaphore(%run_scoped3A : memref<!tpu.dma_semaphore, #tpu.memory_space<semaphore_mem>>)
      %dma_wait3A_209 = arith.constant 0 : i32
      %dma_wait3A_210 = tpu.memref_slice %arg5[%arg0, %add3A_202, %dma_wait3A_209] : memref<2x10240x128xf32, #tpu.memory_space<hbm>> -> memref<1x80x128xf32, #tpu.memory_space<hbm>>
      %dma_wait3A_211 = tpu.memref_squeeze %dma_wait3A_210 : memref<1x80x128xf32, #tpu.memory_space<hbm>> -> memref<80x128xf32, #tpu.memory_space<hbm>>
      %dma_wait3A_212 = arith.constant 0 : i32
      %dma_wait3A_213 = tpu.memref_slice %arg5[%arg0, %add3A_202, %dma_wait3A_212] : memref<2x10240x128xf32, #tpu.memory_space<hbm>> -> memref<1x80x128xf32, #tpu.memory_space<hbm>>
      %dma_wait3A_214 = tpu.memref_squeeze %dma_wait3A_213 : memref<1x80x128xf32, #tpu.memory_space<hbm>> -> memref<80x128xf32, #tpu.memory_space<hbm>>
      tpu.wait_dma2 semaphore(%run_scoped3A : memref<!tpu.dma_semaphore, #tpu.memory_space<semaphore_mem>>) src(%arg8 : memref<80x128xf32, #tpu.memory_space<vmem>>) dst(%dma_wait3A_214 : memref<80x128xf32, #tpu.memory_space<hbm>>)
      tpu.yield
    }) : () -> ()
    return
  }
}

#map = affine_map<(d0, d1) -> (0, 0)>
#map1 = affine_map<(d0, d1) -> (0)>
#map2 = affine_map<(d0, d1) -> (0, 0, 0)>
module attributes {stable_mosaic.version = 14 : i64} {
  func.func @k(%arg0: i32, %arg1: i32, %arg2: memref<10240x128xf32, #tpu.memory_space<hbm>>, %arg3: memref<320000xi32, #tpu.memory_space<hbm>>, %arg4: memref<32x125x80xi32, #tpu.memory_space<hbm>>, %arg5: memref<2x10240x128xf32, #tpu.memory_space<hbm>>, %arg6: memref<10000xi32, #tpu.memory_space<vmem>>, %arg7: memref<125x80xi32, #tpu.memory_space<vmem>>, %arg8: memref<80x128xf32, #tpu.memory_space<vmem>>, %arg9: memref<80x128xf32, #tpu.memory_space<vmem>>, %arg10: memref<10240x128xf32, #tpu.memory_space<vmem_shared>>, %arg11: memref<!tpu.dma_semaphore, #tpu.memory_space<semaphore_mem>>, %arg12: memref<!tpu.dma_semaphore, #tpu.memory_space<semaphore_mem>>, %arg13: memref<!tpu.dma_semaphore, #tpu.memory_space<semaphore_mem>>, %arg14: memref<!tpu.dma_semaphore, #tpu.memory_space<semaphore_mem>>) attributes {dimension_semantics = [#tpu.dimension_semantics<core_parallel>, #tpu.dimension_semantics<subcore_parallel>], iteration_bounds = array<i64: 2, 16>, scalar_prefetch = 0 : i64, scratch_operands = 9 : i64, tpu.core_type = #tpu.core_type<sc_vector_subcore>, window_params = [{transform_indices = #map}, {transform_indices = #map1}, {transform_indices = #map2}, {transform_indices = #map2}]} {
    %mul3A = arith.constant 16 : i32
    %mul3A_0 = arith.muli %arg0, %mul3A : i32
    %add3A = arith.addi %mul3A_0, %arg1 : i32
    %mul3A_1 = arith.constant 640 : i32
    %mul3A_2 = arith.muli %arg1, %mul3A_1 : i32
    %mul3A_3 = arith.constant 10000 : i32
    %mul3A_4 = arith.muli %add3A, %mul3A_3 : i32
    %dma_start3A = tpu.memref_slice %arg3[%mul3A_4] : memref<320000xi32, #tpu.memory_space<hbm>> -> memref<10000xi32, #tpu.memory_space<hbm>>
    %dma_start3A_5 = tpu.memref_slice %arg3[%mul3A_4] : memref<320000xi32, #tpu.memory_space<hbm>> -> memref<10000xi32, #tpu.memory_space<hbm>>
    tpu.enqueue_dma source(%dma_start3A_5 : memref<10000xi32, #tpu.memory_space<hbm>>) target(%arg6 : memref<10000xi32, #tpu.memory_space<vmem>>) target_semaphore(%arg11 : memref<!tpu.dma_semaphore, #tpu.memory_space<semaphore_mem>>)
    %dma_start3A_6 = arith.constant 0 : i32
    %dma_start3A_7 = arith.constant 0 : i32
    %dma_start3A_8 = tpu.memref_slice %arg4[%add3A, %dma_start3A_6, %dma_start3A_7] : memref<32x125x80xi32, #tpu.memory_space<hbm>> -> memref<1x125x80xi32, #tpu.memory_space<hbm>>
    %dma_start3A_9 = tpu.memref_squeeze %dma_start3A_8 : memref<1x125x80xi32, #tpu.memory_space<hbm>> -> memref<125x80xi32, #tpu.memory_space<hbm>>
    %dma_start3A_10 = arith.constant 0 : i32
    %dma_start3A_11 = arith.constant 0 : i32
    %dma_start3A_12 = tpu.memref_slice %arg4[%add3A, %dma_start3A_10, %dma_start3A_11] : memref<32x125x80xi32, #tpu.memory_space<hbm>> -> memref<1x125x80xi32, #tpu.memory_space<hbm>>
    %dma_start3A_13 = tpu.memref_squeeze %dma_start3A_12 : memref<1x125x80xi32, #tpu.memory_space<hbm>> -> memref<125x80xi32, #tpu.memory_space<hbm>>
    tpu.enqueue_dma source(%dma_start3A_13 : memref<125x80xi32, #tpu.memory_space<hbm>>) target(%arg7 : memref<125x80xi32, #tpu.memory_space<vmem>>) target_semaphore(%arg12 : memref<!tpu.dma_semaphore, #tpu.memory_space<semaphore_mem>>)
    %scan3A = arith.constant 0 : i32
    %scan3A_14 = arith.constant 80 : i32
    %scan3A_15 = arith.addi %scan3A, %scan3A_14 : i32
    %scan3A_16 = arith.constant 1 : i32
    scf.for %scan3A_203 = %scan3A to %scan3A_15 step %scan3A_16  : i32 {
      %mul3A_204 = arith.constant 1 : i32
      %mul3A_205 = arith.muli %scan3A_203, %mul3A_204 : i32
      %add3A_206 = arith.constant 0 : i32
      %add3A_207 = arith.addi %add3A_206, %mul3A_205 : i32
      %broadcast_in_dim3A = arith.constant 0.000000e+00 : f32
      %broadcast_in_dim3A_208 = vector.broadcast %broadcast_in_dim3A : f32 to vector<16xf32>
      %swap3A = arith.index_cast %add3A_207 : i32 to index
      %swap3A_209 = arith.constant 0 : index
      %swap3A_210 = tpu.vector_load %arg8[%swap3A, %swap3A_209] {strides = array<i32>} : memref<80x128xf32, #tpu.memory_space<vmem>>, vector<1x16xf32>,
      %swap3A_211 = vector.shape_cast %swap3A_210 : vector<1x16xf32> to vector<16xf32>
      %swap3A_212 = vector.shape_cast %broadcast_in_dim3A_208 : vector<16xf32> to vector<1x16xf32>
      tpu.vector_store %arg8[%swap3A, %swap3A_209], %swap3A_212 {strides = array<i32>} : memref<80x128xf32, #tpu.memory_space<vmem>>, vector<1x16xf32>,
      %broadcast_in_dim3A_213 = arith.constant 0.000000e+00 : f32
      %broadcast_in_dim3A_214 = vector.broadcast %broadcast_in_dim3A_213 : f32 to vector<16xf32>
      %swap3A_215 = arith.index_cast %add3A_207 : i32 to index
      %swap3A_216 = arith.constant 16 : index
      %swap3A_217 = tpu.vector_load %arg8[%swap3A_215, %swap3A_216] {strides = array<i32>} : memref<80x128xf32, #tpu.memory_space<vmem>>, vector<1x16xf32>,
      %swap3A_218 = vector.shape_cast %swap3A_217 : vector<1x16xf32> to vector<16xf32>
      %swap3A_219 = vector.shape_cast %broadcast_in_dim3A_214 : vector<16xf32> to vector<1x16xf32>
      tpu.vector_store %arg8[%swap3A_215, %swap3A_216], %swap3A_219 {strides = array<i32>} : memref<80x128xf32, #tpu.memory_space<vmem>>, vector<1x16xf32>,
      %broadcast_in_dim3A_220 = arith.constant 0.000000e+00 : f32
      %broadcast_in_dim3A_221 = vector.broadcast %broadcast_in_dim3A_220 : f32 to vector<16xf32>
      %swap3A_222 = arith.index_cast %add3A_207 : i32 to index
      %swap3A_223 = arith.constant 32 : index
      %swap3A_224 = tpu.vector_load %arg8[%swap3A_222, %swap3A_223] {strides = array<i32>} : memref<80x128xf32, #tpu.memory_space<vmem>>, vector<1x16xf32>,
      %swap3A_225 = vector.shape_cast %swap3A_224 : vector<1x16xf32> to vector<16xf32>
      %swap3A_226 = vector.shape_cast %broadcast_in_dim3A_221 : vector<16xf32> to vector<1x16xf32>
      tpu.vector_store %arg8[%swap3A_222, %swap3A_223], %swap3A_226 {strides = array<i32>} : memref<80x128xf32, #tpu.memory_space<vmem>>, vector<1x16xf32>,
      %broadcast_in_dim3A_227 = arith.constant 0.000000e+00 : f32
      %broadcast_in_dim3A_228 = vector.broadcast %broadcast_in_dim3A_227 : f32 to vector<16xf32>
      %swap3A_229 = arith.index_cast %add3A_207 : i32 to index
      %swap3A_230 = arith.constant 48 : index
      %swap3A_231 = tpu.vector_load %arg8[%swap3A_229, %swap3A_230] {strides = array<i32>} : memref<80x128xf32, #tpu.memory_space<vmem>>, vector<1x16xf32>,
      %swap3A_232 = vector.shape_cast %swap3A_231 : vector<1x16xf32> to vector<16xf32>
      %swap3A_233 = vector.shape_cast %broadcast_in_dim3A_228 : vector<16xf32> to vector<1x16xf32>
      tpu.vector_store %arg8[%swap3A_229, %swap3A_230], %swap3A_233 {strides = array<i32>} : memref<80x128xf32, #tpu.memory_space<vmem>>, vector<1x16xf32>,
      %broadcast_in_dim3A_234 = arith.constant 0.000000e+00 : f32
      %broadcast_in_dim3A_235 = vector.broadcast %broadcast_in_dim3A_234 : f32 to vector<16xf32>
      %swap3A_236 = arith.index_cast %add3A_207 : i32 to index
      %swap3A_237 = arith.constant 64 : index
      %swap3A_238 = tpu.vector_load %arg8[%swap3A_236, %swap3A_237] {strides = array<i32>} : memref<80x128xf32, #tpu.memory_space<vmem>>, vector<1x16xf32>,
      %swap3A_239 = vector.shape_cast %swap3A_238 : vector<1x16xf32> to vector<16xf32>
      %swap3A_240 = vector.shape_cast %broadcast_in_dim3A_235 : vector<16xf32> to vector<1x16xf32>
      tpu.vector_store %arg8[%swap3A_236, %swap3A_237], %swap3A_240 {strides = array<i32>} : memref<80x128xf32, #tpu.memory_space<vmem>>, vector<1x16xf32>,
      %broadcast_in_dim3A_241 = arith.constant 0.000000e+00 : f32
      %broadcast_in_dim3A_242 = vector.broadcast %broadcast_in_dim3A_241 : f32 to vector<16xf32>
      %swap3A_243 = arith.index_cast %add3A_207 : i32 to index
      %swap3A_244 = arith.constant 80 : index
      %swap3A_245 = tpu.vector_load %arg8[%swap3A_243, %swap3A_244] {strides = array<i32>} : memref<80x128xf32, #tpu.memory_space<vmem>>, vector<1x16xf32>,
      %swap3A_246 = vector.shape_cast %swap3A_245 : vector<1x16xf32> to vector<16xf32>
      %swap3A_247 = vector.shape_cast %broadcast_in_dim3A_242 : vector<16xf32> to vector<1x16xf32>
      tpu.vector_store %arg8[%swap3A_243, %swap3A_244], %swap3A_247 {strides = array<i32>} : memref<80x128xf32, #tpu.memory_space<vmem>>, vector<1x16xf32>,
      %broadcast_in_dim3A_248 = arith.constant 0.000000e+00 : f32
      %broadcast_in_dim3A_249 = vector.broadcast %broadcast_in_dim3A_248 : f32 to vector<16xf32>
      %swap3A_250 = arith.index_cast %add3A_207 : i32 to index
      %swap3A_251 = arith.constant 96 : index
      %swap3A_252 = tpu.vector_load %arg8[%swap3A_250, %swap3A_251] {strides = array<i32>} : memref<80x128xf32, #tpu.memory_space<vmem>>, vector<1x16xf32>,
      %swap3A_253 = vector.shape_cast %swap3A_252 : vector<1x16xf32> to vector<16xf32>
      %swap3A_254 = vector.shape_cast %broadcast_in_dim3A_249 : vector<16xf32> to vector<1x16xf32>
      tpu.vector_store %arg8[%swap3A_250, %swap3A_251], %swap3A_254 {strides = array<i32>} : memref<80x128xf32, #tpu.memory_space<vmem>>, vector<1x16xf32>,
      %broadcast_in_dim3A_255 = arith.constant 0.000000e+00 : f32
      %broadcast_in_dim3A_256 = vector.broadcast %broadcast_in_dim3A_255 : f32 to vector<16xf32>
      %swap3A_257 = arith.index_cast %add3A_207 : i32 to index
      %swap3A_258 = arith.constant 112 : index
      %swap3A_259 = tpu.vector_load %arg8[%swap3A_257, %swap3A_258] {strides = array<i32>} : memref<80x128xf32, #tpu.memory_space<vmem>>, vector<1x16xf32>,
      %swap3A_260 = vector.shape_cast %swap3A_259 : vector<1x16xf32> to vector<16xf32>
      %swap3A_261 = vector.shape_cast %broadcast_in_dim3A_256 : vector<16xf32> to vector<1x16xf32>
      tpu.vector_store %arg8[%swap3A_257, %swap3A_258], %swap3A_261 {strides = array<i32>} : memref<80x128xf32, #tpu.memory_space<vmem>>, vector<1x16xf32>,
    }
    %scan3A_17 = arith.constant 80 : i32
    %add3A_18 = arith.constant 0 : i32
    %add3A_19 = arith.addi %mul3A_2, %add3A_18 : i32
    "tpu.region"() ({
      %run_scoped3A = tpu.sem_alloc : memref<!tpu.dma_semaphore, #tpu.memory_space<semaphore_mem>>
      %dma_start3A_203 = arith.constant 0 : i32
      %dma_start3A_204 = tpu.memref_slice %arg10[%add3A_19, %dma_start3A_203] : memref<10240x128xf32, #tpu.memory_space<vmem_shared>> -> memref<80x128xf32, #tpu.memory_space<vmem_shared>>
      %dma_start3A_205 = arith.constant 0 : i32
      %dma_start3A_206 = tpu.memref_slice %arg10[%add3A_19, %dma_start3A_205] : memref<10240x128xf32, #tpu.memory_space<vmem_shared>> -> memref<80x128xf32, #tpu.memory_space<vmem_shared>>
      tpu.enqueue_dma source(%arg8 : memref<80x128xf32, #tpu.memory_space<vmem>>) target(%dma_start3A_206 : memref<80x128xf32, #tpu.memory_space<vmem_shared>>) target_semaphore(%run_scoped3A : memref<!tpu.dma_semaphore, #tpu.memory_space<semaphore_mem>>)
      %dma_wait3A_207 = arith.constant 0 : i32
      %dma_wait3A_208 = tpu.memref_slice %arg10[%add3A_19, %dma_wait3A_207] : memref<10240x128xf32, #tpu.memory_space<vmem_shared>> -> memref<80x128xf32, #tpu.memory_space<vmem_shared>>
      %dma_wait3A_209 = arith.constant 0 : i32
      %dma_wait3A_210 = tpu.memref_slice %arg10[%add3A_19, %dma_wait3A_209] : memref<10240x128xf32, #tpu.memory_space<vmem_shared>> -> memref<80x128xf32, #tpu.memory_space<vmem_shared>>
      tpu.wait_dma2 semaphore(%run_scoped3A : memref<!tpu.dma_semaphore, #tpu.memory_space<semaphore_mem>>) src(%arg8 : memref<80x128xf32, #tpu.memory_space<vmem>>) dst(%dma_wait3A_210 : memref<80x128xf32, #tpu.memory_space<vmem_shared>>)
      tpu.yield
    }) : () -> ()
    %add3A_20 = arith.constant 80 : i32
    %add3A_21 = arith.addi %mul3A_2, %add3A_20 : i32
    "tpu.region"() ({
      %run_scoped3A = tpu.sem_alloc : memref<!tpu.dma_semaphore, #tpu.memory_space<semaphore_mem>>
      %dma_start3A_203 = arith.constant 0 : i32
      %dma_start3A_204 = tpu.memref_slice %arg10[%add3A_21, %dma_start3A_203] : memref<10240x128xf32, #tpu.memory_space<vmem_shared>> -> memref<80x128xf32, #tpu.memory_space<vmem_shared>>
      %dma_start3A_205 = arith.constant 0 : i32
      %dma_start3A_206 = tpu.memref_slice %arg10[%add3A_21, %dma_start3A_205] : memref<10240x128xf32, #tpu.memory_space<vmem_shared>> -> memref<80x128xf32, #tpu.memory_space<vmem_shared>>
      tpu.enqueue_dma source(%arg8 : memref<80x128xf32, #tpu.memory_space<vmem>>) target(%dma_start3A_206 : memref<80x128xf32, #tpu.memory_space<vmem_shared>>) target_semaphore(%run_scoped3A : memref<!tpu.dma_semaphore, #tpu.memory_space<semaphore_mem>>)
      %dma_wait3A_207 = arith.constant 0 : i32
      %dma_wait3A_208 = tpu.memref_slice %arg10[%add3A_21, %dma_wait3A_207] : memref<10240x128xf32, #tpu.memory_space<vmem_shared>> -> memref<80x128xf32, #tpu.memory_space<vmem_shared>>
      %dma_wait3A_209 = arith.constant 0 : i32
      %dma_wait3A_210 = tpu.memref_slice %arg10[%add3A_21, %dma_wait3A_209] : memref<10240x128xf32, #tpu.memory_space<vmem_shared>> -> memref<80x128xf32, #tpu.memory_space<vmem_shared>>
      tpu.wait_dma2 semaphore(%run_scoped3A : memref<!tpu.dma_semaphore, #tpu.memory_space<semaphore_mem>>) src(%arg8 : memref<80x128xf32, #tpu.memory_space<vmem>>) dst(%dma_wait3A_210 : memref<80x128xf32, #tpu.memory_space<vmem_shared>>)
      tpu.yield
    }) : () -> ()
    %add3A_22 = arith.constant 160 : i32
    %add3A_23 = arith.addi %mul3A_2, %add3A_22 : i32
    "tpu.region"() ({
      %run_scoped3A = tpu.sem_alloc : memref<!tpu.dma_semaphore, #tpu.memory_space<semaphore_mem>>
      %dma_start3A_203 = arith.constant 0 : i32
      %dma_start3A_204 = tpu.memref_slice %arg10[%add3A_23, %dma_start3A_203] : memref<10240x128xf32, #tpu.memory_space<vmem_shared>> -> memref<80x128xf32, #tpu.memory_space<vmem_shared>>
      %dma_start3A_205 = arith.constant 0 : i32
      %dma_start3A_206 = tpu.memref_slice %arg10[%add3A_23, %dma_start3A_205] : memref<10240x128xf32, #tpu.memory_space<vmem_shared>> -> memref<80x128xf32, #tpu.memory_space<vmem_shared>>
      tpu.enqueue_dma source(%arg8 : memref<80x128xf32, #tpu.memory_space<vmem>>) target(%dma_start3A_206 : memref<80x128xf32, #tpu.memory_space<vmem_shared>>) target_semaphore(%run_scoped3A : memref<!tpu.dma_semaphore, #tpu.memory_space<semaphore_mem>>)
      %dma_wait3A_207 = arith.constant 0 : i32
      %dma_wait3A_208 = tpu.memref_slice %arg10[%add3A_23, %dma_wait3A_207] : memref<10240x128xf32, #tpu.memory_space<vmem_shared>> -> memref<80x128xf32, #tpu.memory_space<vmem_shared>>
      %dma_wait3A_209 = arith.constant 0 : i32
      %dma_wait3A_210 = tpu.memref_slice %arg10[%add3A_23, %dma_wait3A_209] : memref<10240x128xf32, #tpu.memory_space<vmem_shared>> -> memref<80x128xf32, #tpu.memory_space<vmem_shared>>
      tpu.wait_dma2 semaphore(%run_scoped3A : memref<!tpu.dma_semaphore, #tpu.memory_space<semaphore_mem>>) src(%arg8 : memref<80x128xf32, #tpu.memory_space<vmem>>) dst(%dma_wait3A_210 : memref<80x128xf32, #tpu.memory_space<vmem_shared>>)
      tpu.yield
    }) : () -> ()
    %add3A_24 = arith.constant 240 : i32
    %add3A_25 = arith.addi %mul3A_2, %add3A_24 : i32
    "tpu.region"() ({
      %run_scoped3A = tpu.sem_alloc : memref<!tpu.dma_semaphore, #tpu.memory_space<semaphore_mem>>
      %dma_start3A_203 = arith.constant 0 : i32
      %dma_start3A_204 = tpu.memref_slice %arg10[%add3A_25, %dma_start3A_203] : memref<10240x128xf32, #tpu.memory_space<vmem_shared>> -> memref<80x128xf32, #tpu.memory_space<vmem_shared>>
      %dma_start3A_205 = arith.constant 0 : i32
      %dma_start3A_206 = tpu.memref_slice %arg10[%add3A_25, %dma_start3A_205] : memref<10240x128xf32, #tpu.memory_space<vmem_shared>> -> memref<80x128xf32, #tpu.memory_space<vmem_shared>>
      tpu.enqueue_dma source(%arg8 : memref<80x128xf32, #tpu.memory_space<vmem>>) target(%dma_start3A_206 : memref<80x128xf32, #tpu.memory_space<vmem_shared>>) target_semaphore(%run_scoped3A : memref<!tpu.dma_semaphore, #tpu.memory_space<semaphore_mem>>)
      %dma_wait3A_207 = arith.constant 0 : i32
      %dma_wait3A_208 = tpu.memref_slice %arg10[%add3A_25, %dma_wait3A_207] : memref<10240x128xf32, #tpu.memory_space<vmem_shared>> -> memref<80x128xf32, #tpu.memory_space<vmem_shared>>
      %dma_wait3A_209 = arith.constant 0 : i32
      %dma_wait3A_210 = tpu.memref_slice %arg10[%add3A_25, %dma_wait3A_209] : memref<10240x128xf32, #tpu.memory_space<vmem_shared>> -> memref<80x128xf32, #tpu.memory_space<vmem_shared>>
      tpu.wait_dma2 semaphore(%run_scoped3A : memref<!tpu.dma_semaphore, #tpu.memory_space<semaphore_mem>>) src(%arg8 : memref<80x128xf32, #tpu.memory_space<vmem>>) dst(%dma_wait3A_210 : memref<80x128xf32, #tpu.memory_space<vmem_shared>>)
      tpu.yield
    }) : () -> ()
    %add3A_26 = arith.constant 320 : i32
    %add3A_27 = arith.addi %mul3A_2, %add3A_26 : i32
    "tpu.region"() ({
      %run_scoped3A = tpu.sem_alloc : memref<!tpu.dma_semaphore, #tpu.memory_space<semaphore_mem>>
      %dma_start3A_203 = arith.constant 0 : i32
      %dma_start3A_204 = tpu.memref_slice %arg10[%add3A_27, %dma_start3A_203] : memref<10240x128xf32, #tpu.memory_space<vmem_shared>> -> memref<80x128xf32, #tpu.memory_space<vmem_shared>>
      %dma_start3A_205 = arith.constant 0 : i32
      %dma_start3A_206 = tpu.memref_slice %arg10[%add3A_27, %dma_start3A_205] : memref<10240x128xf32, #tpu.memory_space<vmem_shared>> -> memref<80x128xf32, #tpu.memory_space<vmem_shared>>
      tpu.enqueue_dma source(%arg8 : memref<80x128xf32, #tpu.memory_space<vmem>>) target(%dma_start3A_206 : memref<80x128xf32, #tpu.memory_space<vmem_shared>>) target_semaphore(%run_scoped3A : memref<!tpu.dma_semaphore, #tpu.memory_space<semaphore_mem>>)
      %dma_wait3A_207 = arith.constant 0 : i32
      %dma_wait3A_208 = tpu.memref_slice %arg10[%add3A_27, %dma_wait3A_207] : memref<10240x128xf32, #tpu.memory_space<vmem_shared>> -> memref<80x128xf32, #tpu.memory_space<vmem_shared>>
      %dma_wait3A_209 = arith.constant 0 : i32
      %dma_wait3A_210 = tpu.memref_slice %arg10[%add3A_27, %dma_wait3A_209] : memref<10240x128xf32, #tpu.memory_space<vmem_shared>> -> memref<80x128xf32, #tpu.memory_space<vmem_shared>>
      tpu.wait_dma2 semaphore(%run_scoped3A : memref<!tpu.dma_semaphore, #tpu.memory_space<semaphore_mem>>) src(%arg8 : memref<80x128xf32, #tpu.memory_space<vmem>>) dst(%dma_wait3A_210 : memref<80x128xf32, #tpu.memory_space<vmem_shared>>)
      tpu.yield
    }) : () -> ()
    %add3A_28 = arith.constant 400 : i32
    %add3A_29 = arith.addi %mul3A_2, %add3A_28 : i32
    "tpu.region"() ({
      %run_scoped3A = tpu.sem_alloc : memref<!tpu.dma_semaphore, #tpu.memory_space<semaphore_mem>>
      %dma_start3A_203 = arith.constant 0 : i32
      %dma_start3A_204 = tpu.memref_slice %arg10[%add3A_29, %dma_start3A_203] : memref<10240x128xf32, #tpu.memory_space<vmem_shared>> -> memref<80x128xf32, #tpu.memory_space<vmem_shared>>
      %dma_start3A_205 = arith.constant 0 : i32
      %dma_start3A_206 = tpu.memref_slice %arg10[%add3A_29, %dma_start3A_205] : memref<10240x128xf32, #tpu.memory_space<vmem_shared>> -> memref<80x128xf32, #tpu.memory_space<vmem_shared>>
      tpu.enqueue_dma source(%arg8 : memref<80x128xf32, #tpu.memory_space<vmem>>) target(%dma_start3A_206 : memref<80x128xf32, #tpu.memory_space<vmem_shared>>) target_semaphore(%run_scoped3A : memref<!tpu.dma_semaphore, #tpu.memory_space<semaphore_mem>>)
      %dma_wait3A_207 = arith.constant 0 : i32
      %dma_wait3A_208 = tpu.memref_slice %arg10[%add3A_29, %dma_wait3A_207] : memref<10240x128xf32, #tpu.memory_space<vmem_shared>> -> memref<80x128xf32, #tpu.memory_space<vmem_shared>>
      %dma_wait3A_209 = arith.constant 0 : i32
      %dma_wait3A_210 = tpu.memref_slice %arg10[%add3A_29, %dma_wait3A_209] : memref<10240x128xf32, #tpu.memory_space<vmem_shared>> -> memref<80x128xf32, #tpu.memory_space<vmem_shared>>
      tpu.wait_dma2 semaphore(%run_scoped3A : memref<!tpu.dma_semaphore, #tpu.memory_space<semaphore_mem>>) src(%arg8 : memref<80x128xf32, #tpu.memory_space<vmem>>) dst(%dma_wait3A_210 : memref<80x128xf32, #tpu.memory_space<vmem_shared>>)
      tpu.yield
    }) : () -> ()
    %add3A_30 = arith.constant 480 : i32
    %add3A_31 = arith.addi %mul3A_2, %add3A_30 : i32
    "tpu.region"() ({
      %run_scoped3A = tpu.sem_alloc : memref<!tpu.dma_semaphore, #tpu.memory_space<semaphore_mem>>
      %dma_start3A_203 = arith.constant 0 : i32
      %dma_start3A_204 = tpu.memref_slice %arg10[%add3A_31, %dma_start3A_203] : memref<10240x128xf32, #tpu.memory_space<vmem_shared>> -> memref<80x128xf32, #tpu.memory_space<vmem_shared>>
      %dma_start3A_205 = arith.constant 0 : i32
      %dma_start3A_206 = tpu.memref_slice %arg10[%add3A_31, %dma_start3A_205] : memref<10240x128xf32, #tpu.memory_space<vmem_shared>> -> memref<80x128xf32, #tpu.memory_space<vmem_shared>>
      tpu.enqueue_dma source(%arg8 : memref<80x128xf32, #tpu.memory_space<vmem>>) target(%dma_start3A_206 : memref<80x128xf32, #tpu.memory_space<vmem_shared>>) target_semaphore(%run_scoped3A : memref<!tpu.dma_semaphore, #tpu.memory_space<semaphore_mem>>)
      %dma_wait3A_207 = arith.constant 0 : i32
      %dma_wait3A_208 = tpu.memref_slice %arg10[%add3A_31, %dma_wait3A_207] : memref<10240x128xf32, #tpu.memory_space<vmem_shared>> -> memref<80x128xf32, #tpu.memory_space<vmem_shared>>
      %dma_wait3A_209 = arith.constant 0 : i32
      %dma_wait3A_210 = tpu.memref_slice %arg10[%add3A_31, %dma_wait3A_209] : memref<10240x128xf32, #tpu.memory_space<vmem_shared>> -> memref<80x128xf32, #tpu.memory_space<vmem_shared>>
      tpu.wait_dma2 semaphore(%run_scoped3A : memref<!tpu.dma_semaphore, #tpu.memory_space<semaphore_mem>>) src(%arg8 : memref<80x128xf32, #tpu.memory_space<vmem>>) dst(%dma_wait3A_210 : memref<80x128xf32, #tpu.memory_space<vmem_shared>>)
      tpu.yield
    }) : () -> ()
    %add3A_32 = arith.constant 560 : i32
    %add3A_33 = arith.addi %mul3A_2, %add3A_32 : i32
    "tpu.region"() ({
      %run_scoped3A = tpu.sem_alloc : memref<!tpu.dma_semaphore, #tpu.memory_space<semaphore_mem>>
      %dma_start3A_203 = arith.constant 0 : i32
      %dma_start3A_204 = tpu.memref_slice %arg10[%add3A_33, %dma_start3A_203] : memref<10240x128xf32, #tpu.memory_space<vmem_shared>> -> memref<80x128xf32, #tpu.memory_space<vmem_shared>>
      %dma_start3A_205 = arith.constant 0 : i32
      %dma_start3A_206 = tpu.memref_slice %arg10[%add3A_33, %dma_start3A_205] : memref<10240x128xf32, #tpu.memory_space<vmem_shared>> -> memref<80x128xf32, #tpu.memory_space<vmem_shared>>
      tpu.enqueue_dma source(%arg8 : memref<80x128xf32, #tpu.memory_space<vmem>>) target(%dma_start3A_206 : memref<80x128xf32, #tpu.memory_space<vmem_shared>>) target_semaphore(%run_scoped3A : memref<!tpu.dma_semaphore, #tpu.memory_space<semaphore_mem>>)
      %dma_wait3A_207 = arith.constant 0 : i32
      %dma_wait3A_208 = tpu.memref_slice %arg10[%add3A_33, %dma_wait3A_207] : memref<10240x128xf32, #tpu.memory_space<vmem_shared>> -> memref<80x128xf32, #tpu.memory_space<vmem_shared>>
      %dma_wait3A_209 = arith.constant 0 : i32
      %dma_wait3A_210 = tpu.memref_slice %arg10[%add3A_33, %dma_wait3A_209] : memref<10240x128xf32, #tpu.memory_space<vmem_shared>> -> memref<80x128xf32, #tpu.memory_space<vmem_shared>>
      tpu.wait_dma2 semaphore(%run_scoped3A : memref<!tpu.dma_semaphore, #tpu.memory_space<semaphore_mem>>) src(%arg8 : memref<80x128xf32, #tpu.memory_space<vmem>>) dst(%dma_wait3A_210 : memref<80x128xf32, #tpu.memory_space<vmem_shared>>)
      tpu.yield
    }) : () -> ()
    %dma_wait3A = tpu.memref_slice %arg3[%mul3A_4] : memref<320000xi32, #tpu.memory_space<hbm>> -> memref<10000xi32, #tpu.memory_space<hbm>>
    %dma_wait3A_34 = tpu.memref_slice %arg3[%mul3A_4] : memref<320000xi32, #tpu.memory_space<hbm>> -> memref<10000xi32, #tpu.memory_space<hbm>>
    tpu.wait_dma2 semaphore(%arg11 : memref<!tpu.dma_semaphore, #tpu.memory_space<semaphore_mem>>) src(%dma_wait3A_34 : memref<10000xi32, #tpu.memory_space<hbm>>) dst(%arg6 : memref<10000xi32, #tpu.memory_space<vmem>>)
    %dma_wait3A_35 = arith.constant 0 : i32
    %dma_wait3A_36 = arith.constant 0 : i32
    %dma_wait3A_37 = tpu.memref_slice %arg4[%add3A, %dma_wait3A_35, %dma_wait3A_36] : memref<32x125x80xi32, #tpu.memory_space<hbm>> -> memref<1x125x80xi32, #tpu.memory_space<hbm>>
    %dma_wait3A_38 = tpu.memref_squeeze %dma_wait3A_37 : memref<1x125x80xi32, #tpu.memory_space<hbm>> -> memref<125x80xi32, #tpu.memory_space<hbm>>
    %dma_wait3A_39 = arith.constant 0 : i32
    %dma_wait3A_40 = arith.constant 0 : i32
    %dma_wait3A_41 = tpu.memref_slice %arg4[%add3A, %dma_wait3A_39, %dma_wait3A_40] : memref<32x125x80xi32, #tpu.memory_space<hbm>> -> memref<1x125x80xi32, #tpu.memory_space<hbm>>
    %dma_wait3A_42 = tpu.memref_squeeze %dma_wait3A_41 : memref<1x125x80xi32, #tpu.memory_space<hbm>> -> memref<125x80xi32, #tpu.memory_space<hbm>>
    tpu.wait_dma2 semaphore(%arg12 : memref<!tpu.dma_semaphore, #tpu.memory_space<semaphore_mem>>) src(%dma_wait3A_42 : memref<125x80xi32, #tpu.memory_space<hbm>>) dst(%arg7 : memref<125x80xi32, #tpu.memory_space<vmem>>)
    %barrier3A = arith.constant 0 : index
    tpu.barrier barrier_id(%barrier3A)
    %dma_start3A_43 = arith.constant 0 : i32
    %dma_start3A_44 = arith.constant 0 : i32
    %dma_start3A_45 = tpu.memref_slice %arg8[%dma_start3A_43, %dma_start3A_44] : memref<80x128xf32, #tpu.memory_space<vmem>> -> memref<40x128xf32, #tpu.memory_space<vmem>>
    %dma_start3A_46 = arith.constant 0 : i32
    %dma_start3A_47 = tpu.memref_slice %arg6[%dma_start3A_46] : memref<10000xi32, #tpu.memory_space<vmem>> -> memref<40xi32, #tpu.memory_space<vmem>>
    %dma_start3A_48 = arith.constant 0 : i32
    %dma_start3A_49 = arith.constant 0 : i32
    %dma_start3A_50 = tpu.memref_slice %arg2[%dma_start3A_48, %dma_start3A_49] : memref<10240x128xf32, #tpu.memory_space<hbm>> -> memref<10240x128xf32, #tpu.memory_space<hbm>>
    tpu.enqueue_indirect_dma source(%dma_start3A_50 : memref<10240x128xf32, #tpu.memory_space<hbm>>) target(%dma_start3A_45 : memref<40x128xf32, #tpu.memory_space<vmem>>) offsets(%dma_start3A_47 : memref<40xi32, #tpu.memory_space<vmem>>) semaphore(%arg11 : memref<!tpu.dma_semaphore, #tpu.memory_space<semaphore_mem>>)
    %dma_start3A_51 = arith.constant 40 : i32
    %dma_start3A_52 = arith.constant 0 : i32
    %dma_start3A_53 = tpu.memref_slice %arg8[%dma_start3A_51, %dma_start3A_52] : memref<80x128xf32, #tpu.memory_space<vmem>> -> memref<40x128xf32, #tpu.memory_space<vmem>>
    %dma_start3A_54 = arith.constant 40 : i32
    %dma_start3A_55 = tpu.memref_slice %arg6[%dma_start3A_54] : memref<10000xi32, #tpu.memory_space<vmem>> -> memref<40xi32, #tpu.memory_space<vmem>>
    %dma_start3A_56 = arith.constant 0 : i32
    %dma_start3A_57 = arith.constant 0 : i32
    %dma_start3A_58 = tpu.memref_slice %arg2[%dma_start3A_56, %dma_start3A_57] : memref<10240x128xf32, #tpu.memory_space<hbm>> -> memref<10240x128xf32, #tpu.memory_space<hbm>>
    tpu.enqueue_indirect_dma source(%dma_start3A_58 : memref<10240x128xf32, #tpu.memory_space<hbm>>) target(%dma_start3A_53 : memref<40x128xf32, #tpu.memory_space<vmem>>) offsets(%dma_start3A_55 : memref<40xi32, #tpu.memory_space<vmem>>) semaphore(%arg11 : memref<!tpu.dma_semaphore, #tpu.memory_space<semaphore_mem>>)
    %dma_start3A_59 = arith.constant 0 : i32
    %dma_start3A_60 = arith.constant 0 : i32
    %dma_start3A_61 = tpu.memref_slice %arg9[%dma_start3A_59, %dma_start3A_60] : memref<80x128xf32, #tpu.memory_space<vmem>> -> memref<40x128xf32, #tpu.memory_space<vmem>>
    %dma_start3A_62 = arith.constant 80 : i32
    %dma_start3A_63 = tpu.memref_slice %arg6[%dma_start3A_62] : memref<10000xi32, #tpu.memory_space<vmem>> -> memref<40xi32, #tpu.memory_space<vmem>>
    %dma_start3A_64 = arith.constant 0 : i32
    %dma_start3A_65 = arith.constant 0 : i32
    %dma_start3A_66 = tpu.memref_slice %arg2[%dma_start3A_64, %dma_start3A_65] : memref<10240x128xf32, #tpu.memory_space<hbm>> -> memref<10240x128xf32, #tpu.memory_space<hbm>>
    tpu.enqueue_indirect_dma source(%dma_start3A_66 : memref<10240x128xf32, #tpu.memory_space<hbm>>) target(%dma_start3A_61 : memref<40x128xf32, #tpu.memory_space<vmem>>) offsets(%dma_start3A_63 : memref<40xi32, #tpu.memory_space<vmem>>) semaphore(%arg12 : memref<!tpu.dma_semaphore, #tpu.memory_space<semaphore_mem>>)
    %dma_start3A_67 = arith.constant 40 : i32
    %dma_start3A_68 = arith.constant 0 : i32
    %dma_start3A_69 = tpu.memref_slice %arg9[%dma_start3A_67, %dma_start3A_68] : memref<80x128xf32, #tpu.memory_space<vmem>> -> memref<40x128xf32, #tpu.memory_space<vmem>>
    %dma_start3A_70 = arith.constant 120 : i32
    %dma_start3A_71 = tpu.memref_slice %arg6[%dma_start3A_70] : memref<10000xi32, #tpu.memory_space<vmem>> -> memref<40xi32, #tpu.memory_space<vmem>>
    %dma_start3A_72 = arith.constant 0 : i32
    %dma_start3A_73 = arith.constant 0 : i32
    %dma_start3A_74 = tpu.memref_slice %arg2[%dma_start3A_72, %dma_start3A_73] : memref<10240x128xf32, #tpu.memory_space<hbm>> -> memref<10240x128xf32, #tpu.memory_space<hbm>>
    tpu.enqueue_indirect_dma source(%dma_start3A_74 : memref<10240x128xf32, #tpu.memory_space<hbm>>) target(%dma_start3A_69 : memref<40x128xf32, #tpu.memory_space<vmem>>) offsets(%dma_start3A_71 : memref<40xi32, #tpu.memory_space<vmem>>) semaphore(%arg12 : memref<!tpu.dma_semaphore, #tpu.memory_space<semaphore_mem>>)
    %scan3A_75 = arith.constant 0 : i32
    %scan3A_76 = arith.constant 61 : i32
    %scan3A_77 = arith.addi %scan3A_75, %scan3A_76 : i32
    %scan3A_78 = arith.constant 1 : i32
    scf.for %scan3A_203 = %scan3A_75 to %scan3A_77 step %scan3A_78  : i32 {
      %mul3A_204 = arith.constant 1 : i32
      %mul3A_205 = arith.muli %scan3A_203, %mul3A_204 : i32
      %add3A_206 = arith.constant 0 : i32
      %add3A_207 = arith.addi %add3A_206, %mul3A_205 : i32
      %mul3A_208 = arith.constant 2 : i32
      %mul3A_209 = arith.muli %mul3A_208, %add3A_207 : i32
      %mul3A_210 = arith.constant 80 : i32
      %mul3A_211 = arith.muli %mul3A_209, %mul3A_210 : i32
      %mul3A_212 = arith.constant 80 : i32
      %mul3A_213 = arith.muli %mul3A_209, %mul3A_212 : i32
      %add3A_214 = arith.constant 40 : i32
      %add3A_215 = arith.addi %mul3A_213, %add3A_214 : i32
      %dma_wait3A_216 = arith.constant 0 : i32
      %dma_wait3A_217 = arith.constant 0 : i32
      %dma_wait3A_218 = tpu.memref_slice %arg8[%dma_wait3A_216, %dma_wait3A_217] : memref<80x128xf32, #tpu.memory_space<vmem>> -> memref<40x128xf32, #tpu.memory_space<vmem>>
      %dma_wait3A_219 = tpu.memref_slice %arg6[%mul3A_211] : memref<10000xi32, #tpu.memory_space<vmem>> -> memref<40xi32, #tpu.memory_space<vmem>>
      %dma_wait3A_220 = arith.constant 0 : i32
      %dma_wait3A_221 = arith.constant 0 : i32
      %dma_wait3A_222 = tpu.memref_slice %arg2[%dma_wait3A_220, %dma_wait3A_221] : memref<10240x128xf32, #tpu.memory_space<hbm>> -> memref<10240x128xf32, #tpu.memory_space<hbm>>
      tpu.wait_indirect_dma semaphore(%arg11 : memref<!tpu.dma_semaphore, #tpu.memory_space<semaphore_mem>>) src(%dma_wait3A_222 : memref<10240x128xf32, #tpu.memory_space<hbm>>) dst(%dma_wait3A_218 : memref<40x128xf32, #tpu.memory_space<vmem>>)
      %dma_wait3A_223 = arith.constant 40 : i32
      %dma_wait3A_224 = arith.constant 0 : i32
      %dma_wait3A_225 = tpu.memref_slice %arg8[%dma_wait3A_223, %dma_wait3A_224] : memref<80x128xf32, #tpu.memory_space<vmem>> -> memref<40x128xf32, #tpu.memory_space<vmem>>
      %dma_wait3A_226 = tpu.memref_slice %arg6[%add3A_215] : memref<10000xi32, #tpu.memory_space<vmem>> -> memref<40xi32, #tpu.memory_space<vmem>>
      %dma_wait3A_227 = arith.constant 0 : i32
      %dma_wait3A_228 = arith.constant 0 : i32
      %dma_wait3A_229 = tpu.memref_slice %arg2[%dma_wait3A_227, %dma_wait3A_228] : memref<10240x128xf32, #tpu.memory_space<hbm>> -> memref<10240x128xf32, #tpu.memory_space<hbm>>
      tpu.wait_indirect_dma semaphore(%arg11 : memref<!tpu.dma_semaphore, #tpu.memory_space<semaphore_mem>>) src(%dma_wait3A_229 : memref<10240x128xf32, #tpu.memory_space<hbm>>) dst(%dma_wait3A_225 : memref<40x128xf32, #tpu.memory_space<vmem>>)
      %dma_start3A_230 = arith.constant 0 : i32
      %dma_start3A_231 = tpu.memref_slice %arg7[%mul3A_209, %dma_start3A_230] : memref<125x80xi32, #tpu.memory_space<vmem>> -> memref<1x80xi32, #tpu.memory_space<vmem>>
      %dma_start3A_232 = tpu.memref_squeeze %dma_start3A_231 : memref<1x80xi32, #tpu.memory_space<vmem>> -> memref<80xi32, #tpu.memory_space<vmem>>
      %dma_start3A_233 = arith.constant 0 : i32
      %dma_start3A_234 = arith.constant 0 : i32
      %dma_start3A_235 = tpu.memref_slice %arg10[%dma_start3A_233, %dma_start3A_234] : memref<10240x128xf32, #tpu.memory_space<vmem_shared>> -> memref<10240x128xf32, #tpu.memory_space<vmem_shared>>
      tpu.enqueue_indirect_dma source(%arg8 : memref<80x128xf32, #tpu.memory_space<vmem>>) target(%dma_start3A_235 : memref<10240x128xf32, #tpu.memory_space<vmem_shared>>) offsets(%dma_start3A_232 : memref<80xi32, #tpu.memory_space<vmem>>) semaphore(%arg13 : memref<!tpu.dma_semaphore, #tpu.memory_space<semaphore_mem>>) {add = true}
      %add3A_236 = arith.constant 1 : i32
      %add3A_237 = arith.addi %mul3A_209, %add3A_236 : i32
      %mul3A_238 = arith.constant 80 : i32
      %mul3A_239 = arith.muli %add3A_237, %mul3A_238 : i32
      %mul3A_240 = arith.constant 80 : i32
      %mul3A_241 = arith.muli %add3A_237, %mul3A_240 : i32
      %add3A_242 = arith.constant 40 : i32
      %add3A_243 = arith.addi %mul3A_241, %add3A_242 : i32
      %dma_wait3A_244 = arith.constant 0 : i32
      %dma_wait3A_245 = arith.constant 0 : i32
      %dma_wait3A_246 = tpu.memref_slice %arg9[%dma_wait3A_244, %dma_wait3A_245] : memref<80x128xf32, #tpu.memory_space<vmem>> -> memref<40x128xf32, #tpu.memory_space<vmem>>
      %dma_wait3A_247 = tpu.memref_slice %arg6[%mul3A_239] : memref<10000xi32, #tpu.memory_space<vmem>> -> memref<40xi32, #tpu.memory_space<vmem>>
      %dma_wait3A_248 = arith.constant 0 : i32
      %dma_wait3A_249 = arith.constant 0 : i32
      %dma_wait3A_250 = tpu.memref_slice %arg2[%dma_wait3A_248, %dma_wait3A_249] : memref<10240x128xf32, #tpu.memory_space<hbm>> -> memref<10240x128xf32, #tpu.memory_space<hbm>>
      tpu.wait_indirect_dma semaphore(%arg12 : memref<!tpu.dma_semaphore, #tpu.memory_space<semaphore_mem>>) src(%dma_wait3A_250 : memref<10240x128xf32, #tpu.memory_space<hbm>>) dst(%dma_wait3A_246 : memref<40x128xf32, #tpu.memory_space<vmem>>)
      %dma_wait3A_251 = arith.constant 40 : i32
      %dma_wait3A_252 = arith.constant 0 : i32
      %dma_wait3A_253 = tpu.memref_slice %arg9[%dma_wait3A_251, %dma_wait3A_252] : memref<80x128xf32, #tpu.memory_space<vmem>> -> memref<40x128xf32, #tpu.memory_space<vmem>>
      %dma_wait3A_254 = tpu.memref_slice %arg6[%add3A_243] : memref<10000xi32, #tpu.memory_space<vmem>> -> memref<40xi32, #tpu.memory_space<vmem>>
      %dma_wait3A_255 = arith.constant 0 : i32
      %dma_wait3A_256 = arith.constant 0 : i32
      %dma_wait3A_257 = tpu.memref_slice %arg2[%dma_wait3A_255, %dma_wait3A_256] : memref<10240x128xf32, #tpu.memory_space<hbm>> -> memref<10240x128xf32, #tpu.memory_space<hbm>>
      tpu.wait_indirect_dma semaphore(%arg12 : memref<!tpu.dma_semaphore, #tpu.memory_space<semaphore_mem>>) src(%dma_wait3A_257 : memref<10240x128xf32, #tpu.memory_space<hbm>>) dst(%dma_wait3A_253 : memref<40x128xf32, #tpu.memory_space<vmem>>)
      %add3A_258 = arith.constant 1 : i32
      %add3A_259 = arith.addi %mul3A_209, %add3A_258 : i32
      %dma_start3A_260 = arith.constant 0 : i32
      %dma_start3A_261 = tpu.memref_slice %arg7[%add3A_259, %dma_start3A_260] : memref<125x80xi32, #tpu.memory_space<vmem>> -> memref<1x80xi32, #tpu.memory_space<vmem>>
      %dma_start3A_262 = tpu.memref_squeeze %dma_start3A_261 : memref<1x80xi32, #tpu.memory_space<vmem>> -> memref<80xi32, #tpu.memory_space<vmem>>
      %dma_start3A_263 = arith.constant 0 : i32
      %dma_start3A_264 = arith.constant 0 : i32
      %dma_start3A_265 = tpu.memref_slice %arg10[%dma_start3A_263, %dma_start3A_264] : memref<10240x128xf32, #tpu.memory_space<vmem_shared>> -> memref<10240x128xf32, #tpu.memory_space<vmem_shared>>
      tpu.enqueue_indirect_dma source(%arg9 : memref<80x128xf32, #tpu.memory_space<vmem>>) target(%dma_start3A_265 : memref<10240x128xf32, #tpu.memory_space<vmem_shared>>) offsets(%dma_start3A_262 : memref<80xi32, #tpu.memory_space<vmem>>) semaphore(%arg14 : memref<!tpu.dma_semaphore, #tpu.memory_space<semaphore_mem>>) {add = true}
      %dma_wait3A_266 = arith.constant 0 : i32
      %dma_wait3A_267 = tpu.memref_slice %arg7[%mul3A_209, %dma_wait3A_266] : memref<125x80xi32, #tpu.memory_space<vmem>> -> memref<1x80xi32, #tpu.memory_space<vmem>>
      %dma_wait3A_268 = tpu.memref_squeeze %dma_wait3A_267 : memref<1x80xi32, #tpu.memory_space<vmem>> -> memref<80xi32, #tpu.memory_space<vmem>>
      %dma_wait3A_269 = arith.constant 0 : i32
      %dma_wait3A_270 = arith.constant 0 : i32
      %dma_wait3A_271 = tpu.memref_slice %arg10[%dma_wait3A_269, %dma_wait3A_270] : memref<10240x128xf32, #tpu.memory_space<vmem_shared>> -> memref<10240x128xf32, #tpu.memory_space<vmem_shared>>
      tpu.wait_indirect_dma semaphore(%arg13 : memref<!tpu.dma_semaphore, #tpu.memory_space<semaphore_mem>>) src(%arg8 : memref<80x128xf32, #tpu.memory_space<vmem>>) dst(%dma_wait3A_271 : memref<10240x128xf32, #tpu.memory_space<vmem_shared>>)
      %add3A_272 = arith.constant 2 : i32
      %add3A_273 = arith.addi %mul3A_209, %add3A_272 : i32
      %mul3A_274 = arith.constant 80 : i32
      %mul3A_275 = arith.muli %add3A_273, %mul3A_274 : i32
      %mul3A_276 = arith.constant 80 : i32
      %mul3A_277 = arith.muli %add3A_273, %mul3A_276 : i32
      %add3A_278 = arith.constant 40 : i32
      %add3A_279 = arith.addi %mul3A_277, %add3A_278 : i32
      %dma_start3A_280 = arith.constant 0 : i32
      %dma_start3A_281 = arith.constant 0 : i32
      %dma_start3A_282 = tpu.memref_slice %arg8[%dma_start3A_280, %dma_start3A_281] : memref<80x128xf32, #tpu.memory_space<vmem>> -> memref<40x128xf32, #tpu.memory_space<vmem>>
      %dma_start3A_283 = tpu.memref_slice %arg6[%mul3A_275] : memref<10000xi32, #tpu.memory_space<vmem>> -> memref<40xi32, #tpu.memory_space<vmem>>
      %dma_start3A_284 = arith.constant 0 : i32
      %dma_start3A_285 = arith.constant 0 : i32
      %dma_start3A_286 = tpu.memref_slice %arg2[%dma_start3A_284, %dma_start3A_285] : memref<10240x128xf32, #tpu.memory_space<hbm>> -> memref<10240x128xf32, #tpu.memory_space<hbm>>
      tpu.enqueue_indirect_dma source(%dma_start3A_286 : memref<10240x128xf32, #tpu.memory_space<hbm>>) target(%dma_start3A_282 : memref<40x128xf32, #tpu.memory_space<vmem>>) offsets(%dma_start3A_283 : memref<40xi32, #tpu.memory_space<vmem>>) semaphore(%arg11 : memref<!tpu.dma_semaphore, #tpu.memory_space<semaphore_mem>>)
      %dma_start3A_287 = arith.constant 40 : i32
      %dma_start3A_288 = arith.constant 0 : i32
      %dma_start3A_289 = tpu.memref_slice %arg8[%dma_start3A_287, %dma_start3A_288] : memref<80x128xf32, #tpu.memory_space<vmem>> -> memref<40x128xf32, #tpu.memory_space<vmem>>
      %dma_start3A_290 = tpu.memref_slice %arg6[%add3A_279] : memref<10000xi32, #tpu.memory_space<vmem>> -> memref<40xi32, #tpu.memory_space<vmem>>
      %dma_start3A_291 = arith.constant 0 : i32
      %dma_start3A_292 = arith.constant 0 : i32
      %dma_start3A_293 = tpu.memref_slice %arg2[%dma_start3A_291, %dma_start3A_292] : memref<10240x128xf32, #tpu.memory_space<hbm>> -> memref<10240x128xf32, #tpu.memory_space<hbm>>
      tpu.enqueue_indirect_dma source(%dma_start3A_293 : memref<10240x128xf32, #tpu.memory_space<hbm>>) target(%dma_start3A_289 : memref<40x128xf32, #tpu.memory_space<vmem>>) offsets(%dma_start3A_290 : memref<40xi32, #tpu.memory_space<vmem>>) semaphore(%arg11 : memref<!tpu.dma_semaphore, #tpu.memory_space<semaphore_mem>>)
      %add3A_294 = arith.constant 1 : i32
      %add3A_295 = arith.addi %mul3A_209, %add3A_294 : i32
      %dma_wait3A_296 = arith.constant 0 : i32
      %dma_wait3A_297 = tpu.memref_slice %arg7[%add3A_295, %dma_wait3A_296] : memref<125x80xi32, #tpu.memory_space<vmem>> -> memref<1x80xi32, #tpu.memory_space<vmem>>
      %dma_wait3A_298 = tpu.memref_squeeze %dma_wait3A_297 : memref<1x80xi32, #tpu.memory_space<vmem>> -> memref<80xi32, #tpu.memory_space<vmem>>
      %dma_wait3A_299 = arith.constant 0 : i32
      %dma_wait3A_300 = arith.constant 0 : i32
      %dma_wait3A_301 = tpu.memref_slice %arg10[%dma_wait3A_299, %dma_wait3A_300] : memref<10240x128xf32, #tpu.memory_space<vmem_shared>> -> memref<10240x128xf32, #tpu.memory_space<vmem_shared>>
      tpu.wait_indirect_dma semaphore(%arg14 : memref<!tpu.dma_semaphore, #tpu.memory_space<semaphore_mem>>) src(%arg9 : memref<80x128xf32, #tpu.memory_space<vmem>>) dst(%dma_wait3A_301 : memref<10240x128xf32, #tpu.memory_space<vmem_shared>>)
      %add3A_302 = arith.constant 3 : i32
      %add3A_303 = arith.addi %mul3A_209, %add3A_302 : i32
      %mul3A_304 = arith.constant 80 : i32
      %mul3A_305 = arith.muli %add3A_303, %mul3A_304 : i32
      %mul3A_306 = arith.constant 80 : i32
      %mul3A_307 = arith.muli %add3A_303, %mul3A_306 : i32
      %add3A_308 = arith.constant 40 : i32
      %add3A_309 = arith.addi %mul3A_307, %add3A_308 : i32
      %dma_start3A_310 = arith.constant 0 : i32
      %dma_start3A_311 = arith.constant 0 : i32
      %dma_start3A_312 = tpu.memref_slice %arg9[%dma_start3A_310, %dma_start3A_311] : memref<80x128xf32, #tpu.memory_space<vmem>> -> memref<40x128xf32, #tpu.memory_space<vmem>>
      %dma_start3A_313 = tpu.memref_slice %arg6[%mul3A_305] : memref<10000xi32, #tpu.memory_space<vmem>> -> memref<40xi32, #tpu.memory_space<vmem>>
      %dma_start3A_314 = arith.constant 0 : i32
      %dma_start3A_315 = arith.constant 0 : i32
      %dma_start3A_316 = tpu.memref_slice %arg2[%dma_start3A_314, %dma_start3A_315] : memref<10240x128xf32, #tpu.memory_space<hbm>> -> memref<10240x128xf32, #tpu.memory_space<hbm>>
      tpu.enqueue_indirect_dma source(%dma_start3A_316 : memref<10240x128xf32, #tpu.memory_space<hbm>>) target(%dma_start3A_312 : memref<40x128xf32, #tpu.memory_space<vmem>>) offsets(%dma_start3A_313 : memref<40xi32, #tpu.memory_space<vmem>>) semaphore(%arg12 : memref<!tpu.dma_semaphore, #tpu.memory_space<semaphore_mem>>)
      %dma_start3A_317 = arith.constant 40 : i32
      %dma_start3A_318 = arith.constant 0 : i32
      %dma_start3A_319 = tpu.memref_slice %arg9[%dma_start3A_317, %dma_start3A_318] : memref<80x128xf32, #tpu.memory_space<vmem>> -> memref<40x128xf32, #tpu.memory_space<vmem>>
      %dma_start3A_320 = tpu.memref_slice %arg6[%add3A_309] : memref<10000xi32, #tpu.memory_space<vmem>> -> memref<40xi32, #tpu.memory_space<vmem>>
      %dma_start3A_321 = arith.constant 0 : i32
      %dma_start3A_322 = arith.constant 0 : i32
      %dma_start3A_323 = tpu.memref_slice %arg2[%dma_start3A_321, %dma_start3A_322] : memref<10240x128xf32, #tpu.memory_space<hbm>> -> memref<10240x128xf32, #tpu.memory_space<hbm>>
      tpu.enqueue_indirect_dma source(%dma_start3A_323 : memref<10240x128xf32, #tpu.memory_space<hbm>>) target(%dma_start3A_319 : memref<40x128xf32, #tpu.memory_space<vmem>>) offsets(%dma_start3A_320 : memref<40xi32, #tpu.memory_space<vmem>>) semaphore(%arg12 : memref<!tpu.dma_semaphore, #tpu.memory_space<semaphore_mem>>)
    }
    %scan3A_79 = arith.constant 61 : i32
    %dma_wait3A_80 = arith.constant 0 : i32
    %dma_wait3A_81 = arith.constant 0 : i32
    %dma_wait3A_82 = tpu.memref_slice %arg8[%dma_wait3A_80, %dma_wait3A_81] : memref<80x128xf32, #tpu.memory_space<vmem>> -> memref<40x128xf32, #tpu.memory_space<vmem>>
    %dma_wait3A_83 = arith.constant 9760 : i32
    %dma_wait3A_84 = tpu.memref_slice %arg6[%dma_wait3A_83] : memref<10000xi32, #tpu.memory_space<vmem>> -> memref<40xi32, #tpu.memory_space<vmem>>
    %dma_wait3A_85 = arith.constant 0 : i32
    %dma_wait3A_86 = arith.constant 0 : i32
    %dma_wait3A_87 = tpu.memref_slice %arg2[%dma_wait3A_85, %dma_wait3A_86] : memref<10240x128xf32, #tpu.memory_space<hbm>> -> memref<10240x128xf32, #tpu.memory_space<hbm>>
    tpu.wait_indirect_dma semaphore(%arg11 : memref<!tpu.dma_semaphore, #tpu.memory_space<semaphore_mem>>) src(%dma_wait3A_87 : memref<10240x128xf32, #tpu.memory_space<hbm>>) dst(%dma_wait3A_82 : memref<40x128xf32, #tpu.memory_space<vmem>>)
    %dma_wait3A_88 = arith.constant 40 : i32
    %dma_wait3A_89 = arith.constant 0 : i32
    %dma_wait3A_90 = tpu.memref_slice %arg8[%dma_wait3A_88, %dma_wait3A_89] : memref<80x128xf32, #tpu.memory_space<vmem>> -> memref<40x128xf32, #tpu.memory_space<vmem>>
    %dma_wait3A_91 = arith.constant 9800 : i32
    %dma_wait3A_92 = tpu.memref_slice %arg6[%dma_wait3A_91] : memref<10000xi32, #tpu.memory_space<vmem>> -> memref<40xi32, #tpu.memory_space<vmem>>
    %dma_wait3A_93 = arith.constant 0 : i32
    %dma_wait3A_94 = arith.constant 0 : i32
    %dma_wait3A_95 = tpu.memref_slice %arg2[%dma_wait3A_93, %dma_wait3A_94] : memref<10240x128xf32, #tpu.memory_space<hbm>> -> memref<10240x128xf32, #tpu.memory_space<hbm>>
    tpu.wait_indirect_dma semaphore(%arg11 : memref<!tpu.dma_semaphore, #tpu.memory_space<semaphore_mem>>) src(%dma_wait3A_95 : memref<10240x128xf32, #tpu.memory_space<hbm>>) dst(%dma_wait3A_90 : memref<40x128xf32, #tpu.memory_space<vmem>>)
    %dma_start3A_96 = arith.constant 122 : i32
    %dma_start3A_97 = arith.constant 0 : i32
    %dma_start3A_98 = tpu.memref_slice %arg7[%dma_start3A_96, %dma_start3A_97] : memref<125x80xi32, #tpu.memory_space<vmem>> -> memref<1x80xi32, #tpu.memory_space<vmem>>
    %dma_start3A_99 = tpu.memref_squeeze %dma_start3A_98 : memref<1x80xi32, #tpu.memory_space<vmem>> -> memref<80xi32, #tpu.memory_space<vmem>>
    %dma_start3A_100 = arith.constant 0 : i32
    %dma_start3A_101 = arith.constant 0 : i32
    %dma_start3A_102 = tpu.memref_slice %arg10[%dma_start3A_100, %dma_start3A_101] : memref<10240x128xf32, #tpu.memory_space<vmem_shared>> -> memref<10240x128xf32, #tpu.memory_space<vmem_shared>>
    tpu.enqueue_indirect_dma source(%arg8 : memref<80x128xf32, #tpu.memory_space<vmem>>) target(%dma_start3A_102 : memref<10240x128xf32, #tpu.memory_space<vmem_shared>>) offsets(%dma_start3A_99 : memref<80xi32, #tpu.memory_space<vmem>>) semaphore(%arg13 : memref<!tpu.dma_semaphore, #tpu.memory_space<semaphore_mem>>) {add = true}
    %dma_wait3A_103 = arith.constant 0 : i32
    %dma_wait3A_104 = arith.constant 0 : i32
    %dma_wait3A_105 = tpu.memref_slice %arg9[%dma_wait3A_103, %dma_wait3A_104] : memref<80x128xf32, #tpu.memory_space<vmem>> -> memref<40x128xf32, #tpu.memory_space<vmem>>
    %dma_wait3A_106 = arith.constant 9840 : i32
    %dma_wait3A_107 = tpu.memref_slice %arg6[%dma_wait3A_106] : memref<10000xi32, #tpu.memory_space<vmem>> -> memref<40xi32, #tpu.memory_space<vmem>>
    %dma_wait3A_108 = arith.constant 0 : i32
    %dma_wait3A_109 = arith.constant 0 : i32
    %dma_wait3A_110 = tpu.memref_slice %arg2[%dma_wait3A_108, %dma_wait3A_109] : memref<10240x128xf32, #tpu.memory_space<hbm>> -> memref<10240x128xf32, #tpu.memory_space<hbm>>
    tpu.wait_indirect_dma semaphore(%arg12 : memref<!tpu.dma_semaphore, #tpu.memory_space<semaphore_mem>>) src(%dma_wait3A_110 : memref<10240x128xf32, #tpu.memory_space<hbm>>) dst(%dma_wait3A_105 : memref<40x128xf32, #tpu.memory_space<vmem>>)
    %dma_wait3A_111 = arith.constant 40 : i32
    %dma_wait3A_112 = arith.constant 0 : i32
    %dma_wait3A_113 = tpu.memref_slice %arg9[%dma_wait3A_111, %dma_wait3A_112] : memref<80x128xf32, #tpu.memory_space<vmem>> -> memref<40x128xf32, #tpu.memory_space<vmem>>
    %dma_wait3A_114 = arith.constant 9880 : i32
    %dma_wait3A_115 = tpu.memref_slice %arg6[%dma_wait3A_114] : memref<10000xi32, #tpu.memory_space<vmem>> -> memref<40xi32, #tpu.memory_space<vmem>>
    %dma_wait3A_116 = arith.constant 0 : i32
    %dma_wait3A_117 = arith.constant 0 : i32
    %dma_wait3A_118 = tpu.memref_slice %arg2[%dma_wait3A_116, %dma_wait3A_117] : memref<10240x128xf32, #tpu.memory_space<hbm>> -> memref<10240x128xf32, #tpu.memory_space<hbm>>
    tpu.wait_indirect_dma semaphore(%arg12 : memref<!tpu.dma_semaphore, #tpu.memory_space<semaphore_mem>>) src(%dma_wait3A_118 : memref<10240x128xf32, #tpu.memory_space<hbm>>) dst(%dma_wait3A_113 : memref<40x128xf32, #tpu.memory_space<vmem>>)
    %dma_start3A_119 = arith.constant 123 : i32
    %dma_start3A_120 = arith.constant 0 : i32
    %dma_start3A_121 = tpu.memref_slice %arg7[%dma_start3A_119, %dma_start3A_120] : memref<125x80xi32, #tpu.memory_space<vmem>> -> memref<1x80xi32, #tpu.memory_space<vmem>>
    %dma_start3A_122 = tpu.memref_squeeze %dma_start3A_121 : memref<1x80xi32, #tpu.memory_space<vmem>> -> memref<80xi32, #tpu.memory_space<vmem>>
    %dma_start3A_123 = arith.constant 0 : i32
    %dma_start3A_124 = arith.constant 0 : i32
    %dma_start3A_125 = tpu.memref_slice %arg10[%dma_start3A_123, %dma_start3A_124] : memref<10240x128xf32, #tpu.memory_space<vmem_shared>> -> memref<10240x128xf32, #tpu.memory_space<vmem_shared>>
    tpu.enqueue_indirect_dma source(%arg9 : memref<80x128xf32, #tpu.memory_space<vmem>>) target(%dma_start3A_125 : memref<10240x128xf32, #tpu.memory_space<vmem_shared>>) offsets(%dma_start3A_122 : memref<80xi32, #tpu.memory_space<vmem>>) semaphore(%arg14 : memref<!tpu.dma_semaphore, #tpu.memory_space<semaphore_mem>>) {add = true}
    %dma_wait3A_126 = arith.constant 122 : i32
    %dma_wait3A_127 = arith.constant 0 : i32
    %dma_wait3A_128 = tpu.memref_slice %arg7[%dma_wait3A_126, %dma_wait3A_127] : memref<125x80xi32, #tpu.memory_space<vmem>> -> memref<1x80xi32, #tpu.memory_space<vmem>>
    %dma_wait3A_129 = tpu.memref_squeeze %dma_wait3A_128 : memref<1x80xi32, #tpu.memory_space<vmem>> -> memref<80xi32, #tpu.memory_space<vmem>>
    %dma_wait3A_130 = arith.constant 0 : i32
    %dma_wait3A_131 = arith.constant 0 : i32
    %dma_wait3A_132 = tpu.memref_slice %arg10[%dma_wait3A_130, %dma_wait3A_131] : memref<10240x128xf32, #tpu.memory_space<vmem_shared>> -> memref<10240x128xf32, #tpu.memory_space<vmem_shared>>
    tpu.wait_indirect_dma semaphore(%arg13 : memref<!tpu.dma_semaphore, #tpu.memory_space<semaphore_mem>>) src(%arg8 : memref<80x128xf32, #tpu.memory_space<vmem>>) dst(%dma_wait3A_132 : memref<10240x128xf32, #tpu.memory_space<vmem_shared>>)
    %dma_start3A_133 = arith.constant 0 : i32
    %dma_start3A_134 = arith.constant 0 : i32
    %dma_start3A_135 = tpu.memref_slice %arg8[%dma_start3A_133, %dma_start3A_134] : memref<80x128xf32, #tpu.memory_space<vmem>> -> memref<40x128xf32, #tpu.memory_space<vmem>>
    %dma_start3A_136 = arith.constant 9920 : i32
    %dma_start3A_137 = tpu.memref_slice %arg6[%dma_start3A_136] : memref<10000xi32, #tpu.memory_space<vmem>> -> memref<40xi32, #tpu.memory_space<vmem>>
    %dma_start3A_138 = arith.constant 0 : i32
    %dma_start3A_139 = arith.constant 0 : i32
    %dma_start3A_140 = tpu.memref_slice %arg2[%dma_start3A_138, %dma_start3A_139] : memref<10240x128xf32, #tpu.memory_space<hbm>> -> memref<10240x128xf32, #tpu.memory_space<hbm>>
    tpu.enqueue_indirect_dma source(%dma_start3A_140 : memref<10240x128xf32, #tpu.memory_space<hbm>>) target(%dma_start3A_135 : memref<40x128xf32, #tpu.memory_space<vmem>>) offsets(%dma_start3A_137 : memref<40xi32, #tpu.memory_space<vmem>>) semaphore(%arg11 : memref<!tpu.dma_semaphore, #tpu.memory_space<semaphore_mem>>)
    %dma_start3A_141 = arith.constant 40 : i32
    %dma_start3A_142 = arith.constant 0 : i32
    %dma_start3A_143 = tpu.memref_slice %arg8[%dma_start3A_141, %dma_start3A_142] : memref<80x128xf32, #tpu.memory_space<vmem>> -> memref<40x128xf32, #tpu.memory_space<vmem>>
    %dma_start3A_144 = arith.constant 9960 : i32
    %dma_start3A_145 = tpu.memref_slice %arg6[%dma_start3A_144] : memref<10000xi32, #tpu.memory_space<vmem>> -> memref<40xi32, #tpu.memory_space<vmem>>
    %dma_start3A_146 = arith.constant 0 : i32
    %dma_start3A_147 = arith.constant 0 : i32
    %dma_start3A_148 = tpu.memref_slice %arg2[%dma_start3A_146, %dma_start3A_147] : memref<10240x128xf32, #tpu.memory_space<hbm>> -> memref<10240x128xf32, #tpu.memory_space<hbm>>
    tpu.enqueue_indirect_dma source(%dma_start3A_148 : memref<10240x128xf32, #tpu.memory_space<hbm>>) target(%dma_start3A_143 : memref<40x128xf32, #tpu.memory_space<vmem>>) offsets(%dma_start3A_145 : memref<40xi32, #tpu.memory_space<vmem>>) semaphore(%arg11 : memref<!tpu.dma_semaphore, #tpu.memory_space<semaphore_mem>>)
    %dma_wait3A_149 = arith.constant 0 : i32
    %dma_wait3A_150 = arith.constant 0 : i32
    %dma_wait3A_151 = tpu.memref_slice %arg8[%dma_wait3A_149, %dma_wait3A_150] : memref<80x128xf32, #tpu.memory_space<vmem>> -> memref<40x128xf32, #tpu.memory_space<vmem>>
    %dma_wait3A_152 = arith.constant 9920 : i32
    %dma_wait3A_153 = tpu.memref_slice %arg6[%dma_wait3A_152] : memref<10000xi32, #tpu.memory_space<vmem>> -> memref<40xi32, #tpu.memory_space<vmem>>
    %dma_wait3A_154 = arith.constant 0 : i32
    %dma_wait3A_155 = arith.constant 0 : i32
    %dma_wait3A_156 = tpu.memref_slice %arg2[%dma_wait3A_154, %dma_wait3A_155] : memref<10240x128xf32, #tpu.memory_space<hbm>> -> memref<10240x128xf32, #tpu.memory_space<hbm>>
    tpu.wait_indirect_dma semaphore(%arg11 : memref<!tpu.dma_semaphore, #tpu.memory_space<semaphore_mem>>) src(%dma_wait3A_156 : memref<10240x128xf32, #tpu.memory_space<hbm>>) dst(%dma_wait3A_151 : memref<40x128xf32, #tpu.memory_space<vmem>>)
    %dma_wait3A_157 = arith.constant 40 : i32
    %dma_wait3A_158 = arith.constant 0 : i32
    %dma_wait3A_159 = tpu.memref_slice %arg8[%dma_wait3A_157, %dma_wait3A_158] : memref<80x128xf32, #tpu.memory_space<vmem>> -> memref<40x128xf32, #tpu.memory_space<vmem>>
    %dma_wait3A_160 = arith.constant 9960 : i32
    %dma_wait3A_161 = tpu.memref_slice %arg6[%dma_wait3A_160] : memref<10000xi32, #tpu.memory_space<vmem>> -> memref<40xi32, #tpu.memory_space<vmem>>
    %dma_wait3A_162 = arith.constant 0 : i32
    %dma_wait3A_163 = arith.constant 0 : i32
    %dma_wait3A_164 = tpu.memref_slice %arg2[%dma_wait3A_162, %dma_wait3A_163] : memref<10240x128xf32, #tpu.memory_space<hbm>> -> memref<10240x128xf32, #tpu.memory_space<hbm>>
    tpu.wait_indirect_dma semaphore(%arg11 : memref<!tpu.dma_semaphore, #tpu.memory_space<semaphore_mem>>) src(%dma_wait3A_164 : memref<10240x128xf32, #tpu.memory_space<hbm>>) dst(%dma_wait3A_159 : memref<40x128xf32, #tpu.memory_space<vmem>>)
    %dma_start3A_165 = arith.constant 124 : i32
    %dma_start3A_166 = arith.constant 0 : i32
    %dma_start3A_167 = tpu.memref_slice %arg7[%dma_start3A_165, %dma_start3A_166] : memref<125x80xi32, #tpu.memory_space<vmem>> -> memref<1x80xi32, #tpu.memory_space<vmem>>
    %dma_start3A_168 = tpu.memref_squeeze %dma_start3A_167 : memref<1x80xi32, #tpu.memory_space<vmem>> -> memref<80xi32, #tpu.memory_space<vmem>>
    %dma_start3A_169 = arith.constant 0 : i32
    %dma_start3A_170 = arith.constant 0 : i32
    %dma_start3A_171 = tpu.memref_slice %arg10[%dma_start3A_169, %dma_start3A_170] : memref<10240x128xf32, #tpu.memory_space<vmem_shared>> -> memref<10240x128xf32, #tpu.memory_space<vmem_shared>>
    tpu.enqueue_indirect_dma source(%arg8 : memref<80x128xf32, #tpu.memory_space<vmem>>) target(%dma_start3A_171 : memref<10240x128xf32, #tpu.memory_space<vmem_shared>>) offsets(%dma_start3A_168 : memref<80xi32, #tpu.memory_space<vmem>>) semaphore(%arg13 : memref<!tpu.dma_semaphore, #tpu.memory_space<semaphore_mem>>) {add = true}
    %dma_wait3A_172 = arith.constant 124 : i32
    %dma_wait3A_173 = arith.constant 0 : i32
    %dma_wait3A_174 = tpu.memref_slice %arg7[%dma_wait3A_172, %dma_wait3A_173] : memref<125x80xi32, #tpu.memory_space<vmem>> -> memref<1x80xi32, #tpu.memory_space<vmem>>
    %dma_wait3A_175 = tpu.memref_squeeze %dma_wait3A_174 : memref<1x80xi32, #tpu.memory_space<vmem>> -> memref<80xi32, #tpu.memory_space<vmem>>
    %dma_wait3A_176 = arith.constant 0 : i32
    %dma_wait3A_177 = arith.constant 0 : i32
    %dma_wait3A_178 = tpu.memref_slice %arg10[%dma_wait3A_176, %dma_wait3A_177] : memref<10240x128xf32, #tpu.memory_space<vmem_shared>> -> memref<10240x128xf32, #tpu.memory_space<vmem_shared>>
    tpu.wait_indirect_dma semaphore(%arg13 : memref<!tpu.dma_semaphore, #tpu.memory_space<semaphore_mem>>) src(%arg8 : memref<80x128xf32, #tpu.memory_space<vmem>>) dst(%dma_wait3A_178 : memref<10240x128xf32, #tpu.memory_space<vmem_shared>>)
    %dma_wait3A_179 = arith.constant 123 : i32
    %dma_wait3A_180 = arith.constant 0 : i32
    %dma_wait3A_181 = tpu.memref_slice %arg7[%dma_wait3A_179, %dma_wait3A_180] : memref<125x80xi32, #tpu.memory_space<vmem>> -> memref<1x80xi32, #tpu.memory_space<vmem>>
    %dma_wait3A_182 = tpu.memref_squeeze %dma_wait3A_181 : memref<1x80xi32, #tpu.memory_space<vmem>> -> memref<80xi32, #tpu.memory_space<vmem>>
    %dma_wait3A_183 = arith.constant 0 : i32
    %dma_wait3A_184 = arith.constant 0 : i32
    %dma_wait3A_185 = tpu.memref_slice %arg10[%dma_wait3A_183, %dma_wait3A_184] : memref<10240x128xf32, #tpu.memory_space<vmem_shared>> -> memref<10240x128xf32, #tpu.memory_space<vmem_shared>>
    tpu.wait_indirect_dma semaphore(%arg14 : memref<!tpu.dma_semaphore, #tpu.memory_space<semaphore_mem>>) src(%arg9 : memref<80x128xf32, #tpu.memory_space<vmem>>) dst(%dma_wait3A_185 : memref<10240x128xf32, #tpu.memory_space<vmem_shared>>)
    %barrier3A_186 = arith.constant 0 : index
    tpu.barrier barrier_id(%barrier3A_186)
    %add3A_187 = arith.constant 0 : i32
    %add3A_188 = arith.addi %mul3A_2, %add3A_187 : i32
    "tpu.region"() ({
      %run_scoped3A = tpu.sem_alloc : memref<!tpu.dma_semaphore, #tpu.memory_space<semaphore_mem>>
      %dma_start3A_203 = arith.constant 0 : i32
      %dma_start3A_204 = tpu.memref_slice %arg10[%add3A_188, %dma_start3A_203] : memref<10240x128xf32, #tpu.memory_space<vmem_shared>> -> memref<80x128xf32, #tpu.memory_space<vmem_shared>>
      %dma_start3A_205 = arith.constant 0 : i32
      %dma_start3A_206 = tpu.memref_slice %arg10[%add3A_188, %dma_start3A_205] : memref<10240x128xf32, #tpu.memory_space<vmem_shared>> -> memref<80x128xf32, #tpu.memory_space<vmem_shared>>
      tpu.enqueue_dma source(%dma_start3A_206 : memref<80x128xf32, #tpu.memory_space<vmem_shared>>) target(%arg8 : memref<80x128xf32, #tpu.memory_space<vmem>>) target_semaphore(%run_scoped3A : memref<!tpu.dma_semaphore, #tpu.memory_space<semaphore_mem>>)
      %dma_wait3A_207 = arith.constant 0 : i32
      %dma_wait3A_208 = tpu.memref_slice %arg10[%add3A_188, %dma_wait3A_207] : memref<10240x128xf32, #tpu.memory_space<vmem_shared>> -> memref<80x128xf32, #tpu.memory_space<vmem_shared>>
      %dma_wait3A_209 = arith.constant 0 : i32
      %dma_wait3A_210 = tpu.memref_slice %arg10[%add3A_188, %dma_wait3A_209] : memref<10240x128xf32, #tpu.memory_space<vmem_shared>> -> memref<80x128xf32, #tpu.memory_space<vmem_shared>>
      tpu.wait_dma2 semaphore(%run_scoped3A : memref<!tpu.dma_semaphore, #tpu.memory_space<semaphore_mem>>) src(%dma_wait3A_210 : memref<80x128xf32, #tpu.memory_space<vmem_shared>>) dst(%arg8 : memref<80x128xf32, #tpu.memory_space<vmem>>)
      tpu.yield
    }) : () -> ()
    "tpu.region"() ({
      %run_scoped3A = tpu.sem_alloc : memref<!tpu.dma_semaphore, #tpu.memory_space<semaphore_mem>>
      %dma_start3A_203 = arith.constant 0 : i32
      %dma_start3A_204 = tpu.memref_slice %arg5[%arg0, %add3A_188, %dma_start3A_203] : memref<2x10240x128xf32, #tpu.memory_space<hbm>> -> memref<1x80x128xf32, #tpu.memory_space<hbm>>
      %dma_start3A_205 = tpu.memref_squeeze %dma_start3A_204 : memref<1x80x128xf32, #tpu.memory_space<hbm>> -> memref<80x128xf32, #tpu.memory_space<hbm>>
      %dma_start3A_206 = arith.constant 0 : i32
      %dma_start3A_207 = tpu.memref_slice %arg5[%arg0, %add3A_188, %dma_start3A_206] : memref<2x10240x128xf32, #tpu.memory_space<hbm>> -> memref<1x80x128xf32, #tpu.memory_space<hbm>>
      %dma_start3A_208 = tpu.memref_squeeze %dma_start3A_207 : memref<1x80x128xf32, #tpu.memory_space<hbm>> -> memref<80x128xf32, #tpu.memory_space<hbm>>
      tpu.enqueue_dma source(%arg8 : memref<80x128xf32, #tpu.memory_space<vmem>>) target(%dma_start3A_208 : memref<80x128xf32, #tpu.memory_space<hbm>>) target_semaphore(%run_scoped3A : memref<!tpu.dma_semaphore, #tpu.memory_space<semaphore_mem>>)
      %dma_wait3A_209 = arith.constant 0 : i32
      %dma_wait3A_210 = tpu.memref_slice %arg5[%arg0, %add3A_188, %dma_wait3A_209] : memref<2x10240x128xf32, #tpu.memory_space<hbm>> -> memref<1x80x128xf32, #tpu.memory_space<hbm>>
      %dma_wait3A_211 = tpu.memref_squeeze %dma_wait3A_210 : memref<1x80x128xf32, #tpu.memory_space<hbm>> -> memref<80x128xf32, #tpu.memory_space<hbm>>
      %dma_wait3A_212 = arith.constant 0 : i32
      %dma_wait3A_213 = tpu.memref_slice %arg5[%arg0, %add3A_188, %dma_wait3A_212] : memref<2x10240x128xf32, #tpu.memory_space<hbm>> -> memref<1x80x128xf32, #tpu.memory_space<hbm>>
      %dma_wait3A_214 = tpu.memref_squeeze %dma_wait3A_213 : memref<1x80x128xf32, #tpu.memory_space<hbm>> -> memref<80x128xf32, #tpu.memory_space<hbm>>
      tpu.wait_dma2 semaphore(%run_scoped3A : memref<!tpu.dma_semaphore, #tpu.memory_space<semaphore_mem>>) src(%arg8 : memref<80x128xf32, #tpu.memory_space<vmem>>) dst(%dma_wait3A_214 : memref<80x128xf32, #tpu.memory_space<hbm>>)
      tpu.yield
    }) : () -> ()
    %add3A_189 = arith.constant 80 : i32
    %add3A_190 = arith.addi %mul3A_2, %add3A_189 : i32
    "tpu.region"() ({
      %run_scoped3A = tpu.sem_alloc : memref<!tpu.dma_semaphore, #tpu.memory_space<semaphore_mem>>
      %dma_start3A_203 = arith.constant 0 : i32
      %dma_start3A_204 = tpu.memref_slice %arg10[%add3A_190, %dma_start3A_203] : memref<10240x128xf32, #tpu.memory_space<vmem_shared>> -> memref<80x128xf32, #tpu.memory_space<vmem_shared>>
      %dma_start3A_205 = arith.constant 0 : i32
      %dma_start3A_206 = tpu.memref_slice %arg10[%add3A_190, %dma_start3A_205] : memref<10240x128xf32, #tpu.memory_space<vmem_shared>> -> memref<80x128xf32, #tpu.memory_space<vmem_shared>>
      tpu.enqueue_dma source(%dma_start3A_206 : memref<80x128xf32, #tpu.memory_space<vmem_shared>>) target(%arg8 : memref<80x128xf32, #tpu.memory_space<vmem>>) target_semaphore(%run_scoped3A : memref<!tpu.dma_semaphore, #tpu.memory_space<semaphore_mem>>)
      %dma_wait3A_207 = arith.constant 0 : i32
      %dma_wait3A_208 = tpu.memref_slice %arg10[%add3A_190, %dma_wait3A_207] : memref<10240x128xf32, #tpu.memory_space<vmem_shared>> -> memref<80x128xf32, #tpu.memory_space<vmem_shared>>
      %dma_wait3A_209 = arith.constant 0 : i32
      %dma_wait3A_210 = tpu.memref_slice %arg10[%add3A_190, %dma_wait3A_209] : memref<10240x128xf32, #tpu.memory_space<vmem_shared>> -> memref<80x128xf32, #tpu.memory_space<vmem_shared>>
      tpu.wait_dma2 semaphore(%run_scoped3A : memref<!tpu.dma_semaphore, #tpu.memory_space<semaphore_mem>>) src(%dma_wait3A_210 : memref<80x128xf32, #tpu.memory_space<vmem_shared>>) dst(%arg8 : memref<80x128xf32, #tpu.memory_space<vmem>>)
      tpu.yield
    }) : () -> ()
    "tpu.region"() ({
      %run_scoped3A = tpu.sem_alloc : memref<!tpu.dma_semaphore, #tpu.memory_space<semaphore_mem>>
      %dma_start3A_203 = arith.constant 0 : i32
      %dma_start3A_204 = tpu.memref_slice %arg5[%arg0, %add3A_190, %dma_start3A_203] : memref<2x10240x128xf32, #tpu.memory_space<hbm>> -> memref<1x80x128xf32, #tpu.memory_space<hbm>>
      %dma_start3A_205 = tpu.memref_squeeze %dma_start3A_204 : memref<1x80x128xf32, #tpu.memory_space<hbm>> -> memref<80x128xf32, #tpu.memory_space<hbm>>
      %dma_start3A_206 = arith.constant 0 : i32
      %dma_start3A_207 = tpu.memref_slice %arg5[%arg0, %add3A_190, %dma_start3A_206] : memref<2x10240x128xf32, #tpu.memory_space<hbm>> -> memref<1x80x128xf32, #tpu.memory_space<hbm>>
      %dma_start3A_208 = tpu.memref_squeeze %dma_start3A_207 : memref<1x80x128xf32, #tpu.memory_space<hbm>> -> memref<80x128xf32, #tpu.memory_space<hbm>>
      tpu.enqueue_dma source(%arg8 : memref<80x128xf32, #tpu.memory_space<vmem>>) target(%dma_start3A_208 : memref<80x128xf32, #tpu.memory_space<hbm>>) target_semaphore(%run_scoped3A : memref<!tpu.dma_semaphore, #tpu.memory_space<semaphore_mem>>)
      %dma_wait3A_209 = arith.constant 0 : i32
      %dma_wait3A_210 = tpu.memref_slice %arg5[%arg0, %add3A_190, %dma_wait3A_209] : memref<2x10240x128xf32, #tpu.memory_space<hbm>> -> memref<1x80x128xf32, #tpu.memory_space<hbm>>
      %dma_wait3A_211 = tpu.memref_squeeze %dma_wait3A_210 : memref<1x80x128xf32, #tpu.memory_space<hbm>> -> memref<80x128xf32, #tpu.memory_space<hbm>>
      %dma_wait3A_212 = arith.constant 0 : i32
      %dma_wait3A_213 = tpu.memref_slice %arg5[%arg0, %add3A_190, %dma_wait3A_212] : memref<2x10240x128xf32, #tpu.memory_space<hbm>> -> memref<1x80x128xf32, #tpu.memory_space<hbm>>
      %dma_wait3A_214 = tpu.memref_squeeze %dma_wait3A_213 : memref<1x80x128xf32, #tpu.memory_space<hbm>> -> memref<80x128xf32, #tpu.memory_space<hbm>>
      tpu.wait_dma2 semaphore(%run_scoped3A : memref<!tpu.dma_semaphore, #tpu.memory_space<semaphore_mem>>) src(%arg8 : memref<80x128xf32, #tpu.memory_space<vmem>>) dst(%dma_wait3A_214 : memref<80x128xf32, #tpu.memory_space<hbm>>)
      tpu.yield
    }) : () -> ()
    %add3A_191 = arith.constant 160 : i32
    %add3A_192 = arith.addi %mul3A_2, %add3A_191 : i32
    "tpu.region"() ({
      %run_scoped3A = tpu.sem_alloc : memref<!tpu.dma_semaphore, #tpu.memory_space<semaphore_mem>>
      %dma_start3A_203 = arith.constant 0 : i32
      %dma_start3A_204 = tpu.memref_slice %arg10[%add3A_192, %dma_start3A_203] : memref<10240x128xf32, #tpu.memory_space<vmem_shared>> -> memref<80x128xf32, #tpu.memory_space<vmem_shared>>
      %dma_start3A_205 = arith.constant 0 : i32
      %dma_start3A_206 = tpu.memref_slice %arg10[%add3A_192, %dma_start3A_205] : memref<10240x128xf32, #tpu.memory_space<vmem_shared>> -> memref<80x128xf32, #tpu.memory_space<vmem_shared>>
      tpu.enqueue_dma source(%dma_start3A_206 : memref<80x128xf32, #tpu.memory_space<vmem_shared>>) target(%arg8 : memref<80x128xf32, #tpu.memory_space<vmem>>) target_semaphore(%run_scoped3A : memref<!tpu.dma_semaphore, #tpu.memory_space<semaphore_mem>>)
      %dma_wait3A_207 = arith.constant 0 : i32
      %dma_wait3A_208 = tpu.memref_slice %arg10[%add3A_192, %dma_wait3A_207] : memref<10240x128xf32, #tpu.memory_space<vmem_shared>> -> memref<80x128xf32, #tpu.memory_space<vmem_shared>>
      %dma_wait3A_209 = arith.constant 0 : i32
      %dma_wait3A_210 = tpu.memref_slice %arg10[%add3A_192, %dma_wait3A_209] : memref<10240x128xf32, #tpu.memory_space<vmem_shared>> -> memref<80x128xf32, #tpu.memory_space<vmem_shared>>
      tpu.wait_dma2 semaphore(%run_scoped3A : memref<!tpu.dma_semaphore, #tpu.memory_space<semaphore_mem>>) src(%dma_wait3A_210 : memref<80x128xf32, #tpu.memory_space<vmem_shared>>) dst(%arg8 : memref<80x128xf32, #tpu.memory_space<vmem>>)
      tpu.yield
    }) : () -> ()
    "tpu.region"() ({
      %run_scoped3A = tpu.sem_alloc : memref<!tpu.dma_semaphore, #tpu.memory_space<semaphore_mem>>
      %dma_start3A_203 = arith.constant 0 : i32
      %dma_start3A_204 = tpu.memref_slice %arg5[%arg0, %add3A_192, %dma_start3A_203] : memref<2x10240x128xf32, #tpu.memory_space<hbm>> -> memref<1x80x128xf32, #tpu.memory_space<hbm>>
      %dma_start3A_205 = tpu.memref_squeeze %dma_start3A_204 : memref<1x80x128xf32, #tpu.memory_space<hbm>> -> memref<80x128xf32, #tpu.memory_space<hbm>>
      %dma_start3A_206 = arith.constant 0 : i32
      %dma_start3A_207 = tpu.memref_slice %arg5[%arg0, %add3A_192, %dma_start3A_206] : memref<2x10240x128xf32, #tpu.memory_space<hbm>> -> memref<1x80x128xf32, #tpu.memory_space<hbm>>
      %dma_start3A_208 = tpu.memref_squeeze %dma_start3A_207 : memref<1x80x128xf32, #tpu.memory_space<hbm>> -> memref<80x128xf32, #tpu.memory_space<hbm>>
      tpu.enqueue_dma source(%arg8 : memref<80x128xf32, #tpu.memory_space<vmem>>) target(%dma_start3A_208 : memref<80x128xf32, #tpu.memory_space<hbm>>) target_semaphore(%run_scoped3A : memref<!tpu.dma_semaphore, #tpu.memory_space<semaphore_mem>>)
      %dma_wait3A_209 = arith.constant 0 : i32
      %dma_wait3A_210 = tpu.memref_slice %arg5[%arg0, %add3A_192, %dma_wait3A_209] : memref<2x10240x128xf32, #tpu.memory_space<hbm>> -> memref<1x80x128xf32, #tpu.memory_space<hbm>>
      %dma_wait3A_211 = tpu.memref_squeeze %dma_wait3A_210 : memref<1x80x128xf32, #tpu.memory_space<hbm>> -> memref<80x128xf32, #tpu.memory_space<hbm>>
      %dma_wait3A_212 = arith.constant 0 : i32
      %dma_wait3A_213 = tpu.memref_slice %arg5[%arg0, %add3A_192, %dma_wait3A_212] : memref<2x10240x128xf32, #tpu.memory_space<hbm>> -> memref<1x80x128xf32, #tpu.memory_space<hbm>>
      %dma_wait3A_214 = tpu.memref_squeeze %dma_wait3A_213 : memref<1x80x128xf32, #tpu.memory_space<hbm>> -> memref<80x128xf32, #tpu.memory_space<hbm>>
      tpu.wait_dma2 semaphore(%run_scoped3A : memref<!tpu.dma_semaphore, #tpu.memory_space<semaphore_mem>>) src(%arg8 : memref<80x128xf32, #tpu.memory_space<vmem>>) dst(%dma_wait3A_214 : memref<80x128xf32, #tpu.memory_space<hbm>>)
      tpu.yield
    }) : () -> ()
    %add3A_193 = arith.constant 240 : i32
    %add3A_194 = arith.addi %mul3A_2, %add3A_193 : i32
    "tpu.region"() ({
      %run_scoped3A = tpu.sem_alloc : memref<!tpu.dma_semaphore, #tpu.memory_space<semaphore_mem>>
      %dma_start3A_203 = arith.constant 0 : i32
      %dma_start3A_204 = tpu.memref_slice %arg10[%add3A_194, %dma_start3A_203] : memref<10240x128xf32, #tpu.memory_space<vmem_shared>> -> memref<80x128xf32, #tpu.memory_space<vmem_shared>>
      %dma_start3A_205 = arith.constant 0 : i32
      %dma_start3A_206 = tpu.memref_slice %arg10[%add3A_194, %dma_start3A_205] : memref<10240x128xf32, #tpu.memory_space<vmem_shared>> -> memref<80x128xf32, #tpu.memory_space<vmem_shared>>
      tpu.enqueue_dma source(%dma_start3A_206 : memref<80x128xf32, #tpu.memory_space<vmem_shared>>) target(%arg8 : memref<80x128xf32, #tpu.memory_space<vmem>>) target_semaphore(%run_scoped3A : memref<!tpu.dma_semaphore, #tpu.memory_space<semaphore_mem>>)
      %dma_wait3A_207 = arith.constant 0 : i32
      %dma_wait3A_208 = tpu.memref_slice %arg10[%add3A_194, %dma_wait3A_207] : memref<10240x128xf32, #tpu.memory_space<vmem_shared>> -> memref<80x128xf32, #tpu.memory_space<vmem_shared>>
      %dma_wait3A_209 = arith.constant 0 : i32
      %dma_wait3A_210 = tpu.memref_slice %arg10[%add3A_194, %dma_wait3A_209] : memref<10240x128xf32, #tpu.memory_space<vmem_shared>> -> memref<80x128xf32, #tpu.memory_space<vmem_shared>>
      tpu.wait_dma2 semaphore(%run_scoped3A : memref<!tpu.dma_semaphore, #tpu.memory_space<semaphore_mem>>) src(%dma_wait3A_210 : memref<80x128xf32, #tpu.memory_space<vmem_shared>>) dst(%arg8 : memref<80x128xf32, #tpu.memory_space<vmem>>)
      tpu.yield
    }) : () -> ()
    "tpu.region"() ({
      %run_scoped3A = tpu.sem_alloc : memref<!tpu.dma_semaphore, #tpu.memory_space<semaphore_mem>>
      %dma_start3A_203 = arith.constant 0 : i32
      %dma_start3A_204 = tpu.memref_slice %arg5[%arg0, %add3A_194, %dma_start3A_203] : memref<2x10240x128xf32, #tpu.memory_space<hbm>> -> memref<1x80x128xf32, #tpu.memory_space<hbm>>
      %dma_start3A_205 = tpu.memref_squeeze %dma_start3A_204 : memref<1x80x128xf32, #tpu.memory_space<hbm>> -> memref<80x128xf32, #tpu.memory_space<hbm>>
      %dma_start3A_206 = arith.constant 0 : i32
      %dma_start3A_207 = tpu.memref_slice %arg5[%arg0, %add3A_194, %dma_start3A_206] : memref<2x10240x128xf32, #tpu.memory_space<hbm>> -> memref<1x80x128xf32, #tpu.memory_space<hbm>>
      %dma_start3A_208 = tpu.memref_squeeze %dma_start3A_207 : memref<1x80x128xf32, #tpu.memory_space<hbm>> -> memref<80x128xf32, #tpu.memory_space<hbm>>
      tpu.enqueue_dma source(%arg8 : memref<80x128xf32, #tpu.memory_space<vmem>>) target(%dma_start3A_208 : memref<80x128xf32, #tpu.memory_space<hbm>>) target_semaphore(%run_scoped3A : memref<!tpu.dma_semaphore, #tpu.memory_space<semaphore_mem>>)
      %dma_wait3A_209 = arith.constant 0 : i32
      %dma_wait3A_210 = tpu.memref_slice %arg5[%arg0, %add3A_194, %dma_wait3A_209] : memref<2x10240x128xf32, #tpu.memory_space<hbm>> -> memref<1x80x128xf32, #tpu.memory_space<hbm>>
      %dma_wait3A_211 = tpu.memref_squeeze %dma_wait3A_210 : memref<1x80x128xf32, #tpu.memory_space<hbm>> -> memref<80x128xf32, #tpu.memory_space<hbm>>
      %dma_wait3A_212 = arith.constant 0 : i32
      %dma_wait3A_213 = tpu.memref_slice %arg5[%arg0, %add3A_194, %dma_wait3A_212] : memref<2x10240x128xf32, #tpu.memory_space<hbm>> -> memref<1x80x128xf32, #tpu.memory_space<hbm>>
      %dma_wait3A_214 = tpu.memref_squeeze %dma_wait3A_213 : memref<1x80x128xf32, #tpu.memory_space<hbm>> -> memref<80x128xf32, #tpu.memory_space<hbm>>
      tpu.wait_dma2 semaphore(%run_scoped3A : memref<!tpu.dma_semaphore, #tpu.memory_space<semaphore_mem>>) src(%arg8 : memref<80x128xf32, #tpu.memory_space<vmem>>) dst(%dma_wait3A_214 : memref<80x128xf32, #tpu.memory_space<hbm>>)
      tpu.yield
    }) : () -> ()
    %add3A_195 = arith.constant 320 : i32
    %add3A_196 = arith.addi %mul3A_2, %add3A_195 : i32
    "tpu.region"() ({
      %run_scoped3A = tpu.sem_alloc : memref<!tpu.dma_semaphore, #tpu.memory_space<semaphore_mem>>
      %dma_start3A_203 = arith.constant 0 : i32
      %dma_start3A_204 = tpu.memref_slice %arg10[%add3A_196, %dma_start3A_203] : memref<10240x128xf32, #tpu.memory_space<vmem_shared>> -> memref<80x128xf32, #tpu.memory_space<vmem_shared>>
      %dma_start3A_205 = arith.constant 0 : i32
      %dma_start3A_206 = tpu.memref_slice %arg10[%add3A_196, %dma_start3A_205] : memref<10240x128xf32, #tpu.memory_space<vmem_shared>> -> memref<80x128xf32, #tpu.memory_space<vmem_shared>>
      tpu.enqueue_dma source(%dma_start3A_206 : memref<80x128xf32, #tpu.memory_space<vmem_shared>>) target(%arg8 : memref<80x128xf32, #tpu.memory_space<vmem>>) target_semaphore(%run_scoped3A : memref<!tpu.dma_semaphore, #tpu.memory_space<semaphore_mem>>)
      %dma_wait3A_207 = arith.constant 0 : i32
      %dma_wait3A_208 = tpu.memref_slice %arg10[%add3A_196, %dma_wait3A_207] : memref<10240x128xf32, #tpu.memory_space<vmem_shared>> -> memref<80x128xf32, #tpu.memory_space<vmem_shared>>
      %dma_wait3A_209 = arith.constant 0 : i32
      %dma_wait3A_210 = tpu.memref_slice %arg10[%add3A_196, %dma_wait3A_209] : memref<10240x128xf32, #tpu.memory_space<vmem_shared>> -> memref<80x128xf32, #tpu.memory_space<vmem_shared>>
      tpu.wait_dma2 semaphore(%run_scoped3A : memref<!tpu.dma_semaphore, #tpu.memory_space<semaphore_mem>>) src(%dma_wait3A_210 : memref<80x128xf32, #tpu.memory_space<vmem_shared>>) dst(%arg8 : memref<80x128xf32, #tpu.memory_space<vmem>>)
      tpu.yield
    }) : () -> ()
    "tpu.region"() ({
      %run_scoped3A = tpu.sem_alloc : memref<!tpu.dma_semaphore, #tpu.memory_space<semaphore_mem>>
      %dma_start3A_203 = arith.constant 0 : i32
      %dma_start3A_204 = tpu.memref_slice %arg5[%arg0, %add3A_196, %dma_start3A_203] : memref<2x10240x128xf32, #tpu.memory_space<hbm>> -> memref<1x80x128xf32, #tpu.memory_space<hbm>>
      %dma_start3A_205 = tpu.memref_squeeze %dma_start3A_204 : memref<1x80x128xf32, #tpu.memory_space<hbm>> -> memref<80x128xf32, #tpu.memory_space<hbm>>
      %dma_start3A_206 = arith.constant 0 : i32
      %dma_start3A_207 = tpu.memref_slice %arg5[%arg0, %add3A_196, %dma_start3A_206] : memref<2x10240x128xf32, #tpu.memory_space<hbm>> -> memref<1x80x128xf32, #tpu.memory_space<hbm>>
      %dma_start3A_208 = tpu.memref_squeeze %dma_start3A_207 : memref<1x80x128xf32, #tpu.memory_space<hbm>> -> memref<80x128xf32, #tpu.memory_space<hbm>>
      tpu.enqueue_dma source(%arg8 : memref<80x128xf32, #tpu.memory_space<vmem>>) target(%dma_start3A_208 : memref<80x128xf32, #tpu.memory_space<hbm>>) target_semaphore(%run_scoped3A : memref<!tpu.dma_semaphore, #tpu.memory_space<semaphore_mem>>)
      %dma_wait3A_209 = arith.constant 0 : i32
      %dma_wait3A_210 = tpu.memref_slice %arg5[%arg0, %add3A_196, %dma_wait3A_209] : memref<2x10240x128xf32, #tpu.memory_space<hbm>> -> memref<1x80x128xf32, #tpu.memory_space<hbm>>
      %dma_wait3A_211 = tpu.memref_squeeze %dma_wait3A_210 : memref<1x80x128xf32, #tpu.memory_space<hbm>> -> memref<80x128xf32, #tpu.memory_space<hbm>>
      %dma_wait3A_212 = arith.constant 0 : i32
      %dma_wait3A_213 = tpu.memref_slice %arg5[%arg0, %add3A_196, %dma_wait3A_212] : memref<2x10240x128xf32, #tpu.memory_space<hbm>> -> memref<1x80x128xf32, #tpu.memory_space<hbm>>
      %dma_wait3A_214 = tpu.memref_squeeze %dma_wait3A_213 : memref<1x80x128xf32, #tpu.memory_space<hbm>> -> memref<80x128xf32, #tpu.memory_space<hbm>>
      tpu.wait_dma2 semaphore(%run_scoped3A : memref<!tpu.dma_semaphore, #tpu.memory_space<semaphore_mem>>) src(%arg8 : memref<80x128xf32, #tpu.memory_space<vmem>>) dst(%dma_wait3A_214 : memref<80x128xf32, #tpu.memory_space<hbm>>)
      tpu.yield
    }) : () -> ()
    %add3A_197 = arith.constant 400 : i32
    %add3A_198 = arith.addi %mul3A_2, %add3A_197 : i32
    "tpu.region"() ({
      %run_scoped3A = tpu.sem_alloc : memref<!tpu.dma_semaphore, #tpu.memory_space<semaphore_mem>>
      %dma_start3A_203 = arith.constant 0 : i32
      %dma_start3A_204 = tpu.memref_slice %arg10[%add3A_198, %dma_start3A_203] : memref<10240x128xf32, #tpu.memory_space<vmem_shared>> -> memref<80x128xf32, #tpu.memory_space<vmem_shared>>
      %dma_start3A_205 = arith.constant 0 : i32
      %dma_start3A_206 = tpu.memref_slice %arg10[%add3A_198, %dma_start3A_205] : memref<10240x128xf32, #tpu.memory_space<vmem_shared>> -> memref<80x128xf32, #tpu.memory_space<vmem_shared>>
      tpu.enqueue_dma source(%dma_start3A_206 : memref<80x128xf32, #tpu.memory_space<vmem_shared>>) target(%arg8 : memref<80x128xf32, #tpu.memory_space<vmem>>) target_semaphore(%run_scoped3A : memref<!tpu.dma_semaphore, #tpu.memory_space<semaphore_mem>>)
      %dma_wait3A_207 = arith.constant 0 : i32
      %dma_wait3A_208 = tpu.memref_slice %arg10[%add3A_198, %dma_wait3A_207] : memref<10240x128xf32, #tpu.memory_space<vmem_shared>> -> memref<80x128xf32, #tpu.memory_space<vmem_shared>>
      %dma_wait3A_209 = arith.constant 0 : i32
      %dma_wait3A_210 = tpu.memref_slice %arg10[%add3A_198, %dma_wait3A_209] : memref<10240x128xf32, #tpu.memory_space<vmem_shared>> -> memref<80x128xf32, #tpu.memory_space<vmem_shared>>
      tpu.wait_dma2 semaphore(%run_scoped3A : memref<!tpu.dma_semaphore, #tpu.memory_space<semaphore_mem>>) src(%dma_wait3A_210 : memref<80x128xf32, #tpu.memory_space<vmem_shared>>) dst(%arg8 : memref<80x128xf32, #tpu.memory_space<vmem>>)
      tpu.yield
    }) : () -> ()
    "tpu.region"() ({
      %run_scoped3A = tpu.sem_alloc : memref<!tpu.dma_semaphore, #tpu.memory_space<semaphore_mem>>
      %dma_start3A_203 = arith.constant 0 : i32
      %dma_start3A_204 = tpu.memref_slice %arg5[%arg0, %add3A_198, %dma_start3A_203] : memref<2x10240x128xf32, #tpu.memory_space<hbm>> -> memref<1x80x128xf32, #tpu.memory_space<hbm>>
      %dma_start3A_205 = tpu.memref_squeeze %dma_start3A_204 : memref<1x80x128xf32, #tpu.memory_space<hbm>> -> memref<80x128xf32, #tpu.memory_space<hbm>>
      %dma_start3A_206 = arith.constant 0 : i32
      %dma_start3A_207 = tpu.memref_slice %arg5[%arg0, %add3A_198, %dma_start3A_206] : memref<2x10240x128xf32, #tpu.memory_space<hbm>> -> memref<1x80x128xf32, #tpu.memory_space<hbm>>
      %dma_start3A_208 = tpu.memref_squeeze %dma_start3A_207 : memref<1x80x128xf32, #tpu.memory_space<hbm>> -> memref<80x128xf32, #tpu.memory_space<hbm>>
      tpu.enqueue_dma source(%arg8 : memref<80x128xf32, #tpu.memory_space<vmem>>) target(%dma_start3A_208 : memref<80x128xf32, #tpu.memory_space<hbm>>) target_semaphore(%run_scoped3A : memref<!tpu.dma_semaphore, #tpu.memory_space<semaphore_mem>>)
      %dma_wait3A_209 = arith.constant 0 : i32
      %dma_wait3A_210 = tpu.memref_slice %arg5[%arg0, %add3A_198, %dma_wait3A_209] : memref<2x10240x128xf32, #tpu.memory_space<hbm>> -> memref<1x80x128xf32, #tpu.memory_space<hbm>>
      %dma_wait3A_211 = tpu.memref_squeeze %dma_wait3A_210 : memref<1x80x128xf32, #tpu.memory_space<hbm>> -> memref<80x128xf32, #tpu.memory_space<hbm>>
      %dma_wait3A_212 = arith.constant 0 : i32
      %dma_wait3A_213 = tpu.memref_slice %arg5[%arg0, %add3A_198, %dma_wait3A_212] : memref<2x10240x128xf32, #tpu.memory_space<hbm>> -> memref<1x80x128xf32, #tpu.memory_space<hbm>>
      %dma_wait3A_214 = tpu.memref_squeeze %dma_wait3A_213 : memref<1x80x128xf32, #tpu.memory_space<hbm>> -> memref<80x128xf32, #tpu.memory_space<hbm>>
      tpu.wait_dma2 semaphore(%run_scoped3A : memref<!tpu.dma_semaphore, #tpu.memory_space<semaphore_mem>>) src(%arg8 : memref<80x128xf32, #tpu.memory_space<vmem>>) dst(%dma_wait3A_214 : memref<80x128xf32, #tpu.memory_space<hbm>>)
      tpu.yield
    }) : () -> ()
    %add3A_199 = arith.constant 480 : i32
    %add3A_200 = arith.addi %mul3A_2, %add3A_199 : i32
    "tpu.region"() ({
      %run_scoped3A = tpu.sem_alloc : memref<!tpu.dma_semaphore, #tpu.memory_space<semaphore_mem>>
      %dma_start3A_203 = arith.constant 0 : i32
      %dma_start3A_204 = tpu.memref_slice %arg10[%add3A_200, %dma_start3A_203] : memref<10240x128xf32, #tpu.memory_space<vmem_shared>> -> memref<80x128xf32, #tpu.memory_space<vmem_shared>>
      %dma_start3A_205 = arith.constant 0 : i32
      %dma_start3A_206 = tpu.memref_slice %arg10[%add3A_200, %dma_start3A_205] : memref<10240x128xf32, #tpu.memory_space<vmem_shared>> -> memref<80x128xf32, #tpu.memory_space<vmem_shared>>
      tpu.enqueue_dma source(%dma_start3A_206 : memref<80x128xf32, #tpu.memory_space<vmem_shared>>) target(%arg8 : memref<80x128xf32, #tpu.memory_space<vmem>>) target_semaphore(%run_scoped3A : memref<!tpu.dma_semaphore, #tpu.memory_space<semaphore_mem>>)
      %dma_wait3A_207 = arith.constant 0 : i32
      %dma_wait3A_208 = tpu.memref_slice %arg10[%add3A_200, %dma_wait3A_207] : memref<10240x128xf32, #tpu.memory_space<vmem_shared>> -> memref<80x128xf32, #tpu.memory_space<vmem_shared>>
      %dma_wait3A_209 = arith.constant 0 : i32
      %dma_wait3A_210 = tpu.memref_slice %arg10[%add3A_200, %dma_wait3A_209] : memref<10240x128xf32, #tpu.memory_space<vmem_shared>> -> memref<80x128xf32, #tpu.memory_space<vmem_shared>>
      tpu.wait_dma2 semaphore(%run_scoped3A : memref<!tpu.dma_semaphore, #tpu.memory_space<semaphore_mem>>) src(%dma_wait3A_210 : memref<80x128xf32, #tpu.memory_space<vmem_shared>>) dst(%arg8 : memref<80x128xf32, #tpu.memory_space<vmem>>)
      tpu.yield
    }) : () -> ()
    "tpu.region"() ({
      %run_scoped3A = tpu.sem_alloc : memref<!tpu.dma_semaphore, #tpu.memory_space<semaphore_mem>>
      %dma_start3A_203 = arith.constant 0 : i32
      %dma_start3A_204 = tpu.memref_slice %arg5[%arg0, %add3A_200, %dma_start3A_203] : memref<2x10240x128xf32, #tpu.memory_space<hbm>> -> memref<1x80x128xf32, #tpu.memory_space<hbm>>
      %dma_start3A_205 = tpu.memref_squeeze %dma_start3A_204 : memref<1x80x128xf32, #tpu.memory_space<hbm>> -> memref<80x128xf32, #tpu.memory_space<hbm>>
      %dma_start3A_206 = arith.constant 0 : i32
      %dma_start3A_207 = tpu.memref_slice %arg5[%arg0, %add3A_200, %dma_start3A_206] : memref<2x10240x128xf32, #tpu.memory_space<hbm>> -> memref<1x80x128xf32, #tpu.memory_space<hbm>>
      %dma_start3A_208 = tpu.memref_squeeze %dma_start3A_207 : memref<1x80x128xf32, #tpu.memory_space<hbm>> -> memref<80x128xf32, #tpu.memory_space<hbm>>
      tpu.enqueue_dma source(%arg8 : memref<80x128xf32, #tpu.memory_space<vmem>>) target(%dma_start3A_208 : memref<80x128xf32, #tpu.memory_space<hbm>>) target_semaphore(%run_scoped3A : memref<!tpu.dma_semaphore, #tpu.memory_space<semaphore_mem>>)
      %dma_wait3A_209 = arith.constant 0 : i32
      %dma_wait3A_210 = tpu.memref_slice %arg5[%arg0, %add3A_200, %dma_wait3A_209] : memref<2x10240x128xf32, #tpu.memory_space<hbm>> -> memref<1x80x128xf32, #tpu.memory_space<hbm>>
      %dma_wait3A_211 = tpu.memref_squeeze %dma_wait3A_210 : memref<1x80x128xf32, #tpu.memory_space<hbm>> -> memref<80x128xf32, #tpu.memory_space<hbm>>
      %dma_wait3A_212 = arith.constant 0 : i32
      %dma_wait3A_213 = tpu.memref_slice %arg5[%arg0, %add3A_200, %dma_wait3A_212] : memref<2x10240x128xf32, #tpu.memory_space<hbm>> -> memref<1x80x128xf32, #tpu.memory_space<hbm>>
      %dma_wait3A_214 = tpu.memref_squeeze %dma_wait3A_213 : memref<1x80x128xf32, #tpu.memory_space<hbm>> -> memref<80x128xf32, #tpu.memory_space<hbm>>
      tpu.wait_dma2 semaphore(%run_scoped3A : memref<!tpu.dma_semaphore, #tpu.memory_space<semaphore_mem>>) src(%arg8 : memref<80x128xf32, #tpu.memory_space<vmem>>) dst(%dma_wait3A_214 : memref<80x128xf32, #tpu.memory_space<hbm>>)
      tpu.yield
    }) : () -> ()
    %add3A_201 = arith.constant 560 : i32
    %add3A_202 = arith.addi %mul3A_2, %add3A_201 : i32
    "tpu.region"() ({
      %run_scoped3A = tpu.sem_alloc : memref<!tpu.dma_semaphore, #tpu.memory_space<semaphore_mem>>
      %dma_start3A_203 = arith.constant 0 : i32
      %dma_start3A_204 = tpu.memref_slice %arg10[%add3A_202, %dma_start3A_203] : memref<10240x128xf32, #tpu.memory_space<vmem_shared>> -> memref<80x128xf32, #tpu.memory_space<vmem_shared>>
      %dma_start3A_205 = arith.constant 0 : i32
      %dma_start3A_206 = tpu.memref_slice %arg10[%add3A_202, %dma_start3A_205] : memref<10240x128xf32, #tpu.memory_space<vmem_shared>> -> memref<80x128xf32, #tpu.memory_space<vmem_shared>>
      tpu.enqueue_dma source(%dma_start3A_206 : memref<80x128xf32, #tpu.memory_space<vmem_shared>>) target(%arg8 : memref<80x128xf32, #tpu.memory_space<vmem>>) target_semaphore(%run_scoped3A : memref<!tpu.dma_semaphore, #tpu.memory_space<semaphore_mem>>)
      %dma_wait3A_207 = arith.constant 0 : i32
      %dma_wait3A_208 = tpu.memref_slice %arg10[%add3A_202, %dma_wait3A_207] : memref<10240x128xf32, #tpu.memory_space<vmem_shared>> -> memref<80x128xf32, #tpu.memory_space<vmem_shared>>
      %dma_wait3A_209 = arith.constant 0 : i32
      %dma_wait3A_210 = tpu.memref_slice %arg10[%add3A_202, %dma_wait3A_209] : memref<10240x128xf32, #tpu.memory_space<vmem_shared>> -> memref<80x128xf32, #tpu.memory_space<vmem_shared>>
      tpu.wait_dma2 semaphore(%run_scoped3A : memref<!tpu.dma_semaphore, #tpu.memory_space<semaphore_mem>>) src(%dma_wait3A_210 : memref<80x128xf32, #tpu.memory_space<vmem_shared>>) dst(%arg8 : memref<80x128xf32, #tpu.memory_space<vmem>>)
      tpu.yield
    }) : () -> ()
    "tpu.region"() ({
      %run_scoped3A = tpu.sem_alloc : memref<!tpu.dma_semaphore, #tpu.memory_space<semaphore_mem>>
      %dma_start3A_203 = arith.constant 0 : i32
      %dma_start3A_204 = tpu.memref_slice %arg5[%arg0, %add3A_202, %dma_start3A_203] : memref<2x10240x128xf32, #tpu.memory_space<hbm>> -> memref<1x80x128xf32, #tpu.memory_space<hbm>>
      %dma_start3A_205 = tpu.memref_squeeze %dma_start3A_204 : memref<1x80x128xf32, #tpu.memory_space<hbm>> -> memref<80x128xf32, #tpu.memory_space<hbm>>
      %dma_start3A_206 = arith.constant 0 : i32
      %dma_start3A_207 = tpu.memref_slice %arg5[%arg0, %add3A_202, %dma_start3A_206] : memref<2x10240x128xf32, #tpu.memory_space<hbm>> -> memref<1x80x128xf32, #tpu.memory_space<hbm>>
      %dma_start3A_208 = tpu.memref_squeeze %dma_start3A_207 : memref<1x80x128xf32, #tpu.memory_space<hbm>> -> memref<80x128xf32, #tpu.memory_space<hbm>>
      tpu.enqueue_dma source(%arg8 : memref<80x128xf32, #tpu.memory_space<vmem>>) target(%dma_start3A_208 : memref<80x128xf32, #tpu.memory_space<hbm>>) target_semaphore(%run_scoped3A : memref<!tpu.dma_semaphore, #tpu.memory_space<semaphore_mem>>)
      %dma_wait3A_209 = arith.constant 0 : i32
      %dma_wait3A_210 = tpu.memref_slice %arg5[%arg0, %add3A_202, %dma_wait3A_209] : memref<2x10240x128xf32, #tpu.memory_space<hbm>> -> memref<1x80x128xf32, #tpu.memory_space<hbm>>
      %dma_wait3A_211 = tpu.memref_squeeze %dma_wait3A_210 : memref<1x80x128xf32, #tpu.memory_space<hbm>> -> memref<80x128xf32, #tpu.memory_space<hbm>>
      %dma_wait3A_212 = arith.constant 0 : i32
      %dma_wait3A_213 = tpu.memref_slice %arg5[%arg0, %add3A_202, %dma_wait3A_212] : memref<2x10240x128xf32, #tpu.memory_space<hbm>> -> memref<1x80x128xf32, #tpu.memory_space<hbm>>
      %dma_wait3A_214 = tpu.memref_squeeze %dma_wait3A_213 : memref<1x80x128xf32, #tpu.memory_space<hbm>> -> memref<80x128xf32, #tpu.memory_space<hbm>>
      tpu.wait_dma2 semaphore(%run_scoped3A : memref<!tpu.dma_semaphore, #tpu.memory_space<semaphore_mem>>) src(%arg8 : memref<80x128xf32, #tpu.memory_space<vmem>>) dst(%dma_wait3A_214 : memref<80x128xf32, #tpu.memory_space<hbm>>)
      tpu.yield
    }) : () -> ()
    return
  }
}

module attributes {stable_mosaic.version = 14 : i64} {
  func.func @_tc_scale_body(%arg0: i32, %arg1: memref<1024x128xf32, #tpu.memory_space<vmem>>, %arg2: memref<32x1024xf32, #tpu.memory_space<vmem>>, %arg3: memref<1024x128xf32, #tpu.memory_space<vmem>>) attributes {dimension_semantics = [#tpu.dimension_semantics<arbitrary>], iteration_bounds = array<i64: 10>, scalar_prefetch = 0 : i64, scratch_operands = 0 : i64, tpu.core_type = #tpu.core_type<tc>, window_params = [{transform_indices = @transform_0, window_bounds = array<i64: 1024, 128>}, {transform_indices = @transform_1, window_bounds = array<i64: 32, 1024>}, {transform_indices = @transform_2, window_bounds = array<i64: 1024, 128>}]} {
    %get3A = arith.constant 0 : index
    %get3A_0 = arith.constant 0 : index
    %get3A_1 = vector.load %arg2[%get3A, %get3A_0] : memref<32x1024xf32, #tpu.memory_space<vmem>>, vector<32x1024xf32>
    %reduce_sum3A = arith.constant dense<0.000000e+00> : vector<1024xf32>
    %reduce_sum3A_2 = vector.multi_reduction <add>, %get3A_1, %reduce_sum3A [0] : vector<32x1024xf32> to vector<1024xf32>
    %max3A = arith.constant 1.000000e+00 : f32
    %max3A_3 = vector.broadcast %max3A : f32 to vector<1024xf32>
    %max3A_4 = arith.maximumf %reduce_sum3A_2, %max3A_3 : vector<1024xf32>
    %rsqrt3A = math.rsqrt %max3A_4 : vector<1024xf32>
    %get3A_5 = arith.constant 0 : index
    %get3A_6 = arith.constant 0 : index
    %get3A_7 = vector.load %arg1[%get3A_5, %get3A_6] : memref<1024x128xf32, #tpu.memory_space<vmem>>, vector<1024x128xf32>
    %broadcast_in_dim3A = vector.shape_cast %rsqrt3A : vector<1024xf32> to vector<1024x1xf32>
    %mul3A = vector.broadcast %broadcast_in_dim3A : vector<1024x1xf32> to vector<1024x128xf32>
    %mul3A_8 = arith.mulf %get3A_7, %mul3A : vector<1024x128xf32>
    %swap3A = arith.constant 0 : index
    %swap3A_9 = arith.constant 0 : index
    %swap3A_10 = vector.load %arg3[%swap3A, %swap3A_9] : memref<1024x128xf32, #tpu.memory_space<vmem>>, vector<1024x128xf32>
    tpu.vector_store %arg3[%swap3A, %swap3A_9], %mul3A_8 {strides = array<i32>} : memref<1024x128xf32, #tpu.memory_space<vmem>>, vector<1024x128xf32>,
    return
  }
  func.func @transform_0(%arg0: i32) -> (i32, i32) {
    %c0_i32 = arith.constant 0 : i32
    %c0_i32_0 = arith.constant 0 : i32
    return %arg0, %c0_i32 : i32, i32
  }
  func.func @transform_1(%arg0: i32) -> (i32, i32) {
    %c0_i32 = arith.constant 0 : i32
    %c0_i32_0 = arith.constant 0 : i32
    return %c0_i32, %arg0 : i32, i32
  }
  func.func @transform_2(%arg0: i32) -> (i32, i32) {
    %c0_i32 = arith.constant 0 : i32
    %c0_i32_0 = arith.constant 0 : i32
    return %arg0, %c0_i32 : i32, i32
  }
}

module attributes {stable_mosaic.version = 14 : i64} {
  func.func @_tc_layer1_body(%arg0: i32, %arg1: memref<2x1024x128xf32, #tpu.memory_space<vmem>>, %arg2: memref<32x1024xf32, #tpu.memory_space<vmem>>, %arg3: memref<32x1024xf32, #tpu.memory_space<vmem>>, %arg4: memref<128x128xf32, #tpu.memory_space<vmem>>, %arg5: memref<1x128xf32, #tpu.memory_space<vmem>>, %arg6: memref<1024x128xf32, #tpu.memory_space<vmem>>) attributes {dimension_semantics = [#tpu.dimension_semantics<arbitrary>], iteration_bounds = array<i64: 10>, scalar_prefetch = 0 : i64, scratch_operands = 0 : i64, tpu.core_type = #tpu.core_type<tc>, window_params = [{transform_indices = @transform_0, window_bounds = array<i64: 2, 1024, 128>}, {transform_indices = @transform_1, window_bounds = array<i64: 32, 1024>}, {transform_indices = @transform_2, window_bounds = array<i64: 32, 1024>}, {pipeline_mode = #tpu.pipeline_mode<synchronous>, transform_indices = @transform_3, window_bounds = array<i64: 128, 128>}, {pipeline_mode = #tpu.pipeline_mode<synchronous>, transform_indices = @transform_4, window_bounds = array<i64: 1, 128>}, {transform_indices = @transform_5, window_bounds = array<i64: 1024, 128>}]} {
    %get3A = arith.constant 0 : index
    %get3A_0 = arith.constant 0 : index
    %get3A_1 = arith.constant 0 : index
    %get3A_2 = vector.load %arg1[%get3A, %get3A_0, %get3A_1] : memref<2x1024x128xf32, #tpu.memory_space<vmem>>, vector<1x1024x128xf32>
    %get3A_3 = vector.shape_cast %get3A_2 : vector<1x1024x128xf32> to vector<1024x128xf32>
    %get3A_4 = arith.constant 1 : index
    %get3A_5 = arith.constant 0 : index
    %get3A_6 = arith.constant 0 : index
    %get3A_7 = vector.load %arg1[%get3A_4, %get3A_5, %get3A_6] : memref<2x1024x128xf32, #tpu.memory_space<vmem>>, vector<1x1024x128xf32>
    %get3A_8 = vector.shape_cast %get3A_7 : vector<1x1024x128xf32> to vector<1024x128xf32>
    %add3A = arith.addf %get3A_3, %get3A_8 : vector<1024x128xf32>
    %get3A_9 = arith.constant 0 : index
    %get3A_10 = arith.constant 0 : index
    %get3A_11 = vector.load %arg3[%get3A_9, %get3A_10] : memref<32x1024xf32, #tpu.memory_space<vmem>>, vector<32x1024xf32>
    %reduce_sum3A = arith.constant dense<0.000000e+00> : vector<1024xf32>
    %reduce_sum3A_12 = vector.multi_reduction <add>, %get3A_11, %reduce_sum3A [0] : vector<32x1024xf32> to vector<1024xf32>
    %max3A = arith.constant 1.000000e+00 : f32
    %max3A_13 = vector.broadcast %max3A : f32 to vector<1024xf32>
    %max3A_14 = arith.maximumf %reduce_sum3A_12, %max3A_13 : vector<1024xf32>
    %rsqrt3A = math.rsqrt %max3A_14 : vector<1024xf32>
    %get3A_15 = arith.constant 0 : index
    %get3A_16 = arith.constant 0 : index
    %get3A_17 = vector.load %arg2[%get3A_15, %get3A_16] : memref<32x1024xf32, #tpu.memory_space<vmem>>, vector<32x1024xf32>
    %reduce_sum3A_18 = arith.constant dense<0.000000e+00> : vector<1024xf32>
    %reduce_sum3A_19 = vector.multi_reduction <add>, %get3A_17, %reduce_sum3A_18 [0] : vector<32x1024xf32> to vector<1024xf32>
    %max3A_20 = arith.constant 1.000000e+00 : f32
    %max3A_21 = vector.broadcast %max3A_20 : f32 to vector<1024xf32>
    %max3A_22 = arith.maximumf %reduce_sum3A_19, %max3A_21 : vector<1024xf32>
    %rsqrt3A_23 = math.rsqrt %max3A_22 : vector<1024xf32>
    %broadcast_in_dim3A = vector.shape_cast %rsqrt3A : vector<1024xf32> to vector<1024x1xf32>
    %mul3A = vector.broadcast %broadcast_in_dim3A : vector<1024x1xf32> to vector<1024x128xf32>
    %mul3A_24 = arith.mulf %add3A, %mul3A : vector<1024x128xf32>
    %get3A_25 = arith.constant 0 : index
    %get3A_26 = arith.constant 0 : index
    %get3A_27 = vector.load %arg4[%get3A_25, %get3A_26] : memref<128x128xf32, #tpu.memory_space<vmem>>, vector<128x128xf32>
    %dot_general3A = arith.constant dense<0.000000e+00> : vector<1024x128xf32>
    %dot_general3A_28 = tpu.matmul %mul3A_24, %get3A_27, %dot_general3A {dimension_numbers = #tpu.dot_dimension_numbers<[1], [0], [0], [1], [0, 0, 1, 1], [], []>, transpose_lhs_hint = false} : vector<1024x128xf32>, vector<128x128xf32>, vector<1024x128xf32> -> vector<1024x128xf32>
    %get3A_29 = arith.constant 0 : index
    %get3A_30 = arith.constant 0 : index
    %get3A_31 = vector.load %arg5[%get3A_29, %get3A_30] : memref<1x128xf32, #tpu.memory_space<vmem>>, vector<1x128xf32>
    %add3A_32 = vector.broadcast %get3A_31 : vector<1x128xf32> to vector<1024x128xf32>
    %add3A_33 = arith.addf %dot_general3A_28, %add3A_32 : vector<1024x128xf32>
    %max3A_34 = arith.constant 0.000000e+00 : f32
    %max3A_35 = vector.broadcast %max3A_34 : f32 to vector<1024x128xf32>
    %max3A_36 = arith.maximumf %add3A_33, %max3A_35 : vector<1024x128xf32>
    %broadcast_in_dim3A_37 = vector.shape_cast %rsqrt3A_23 : vector<1024xf32> to vector<1024x1xf32>
    %mul3A_38 = vector.broadcast %broadcast_in_dim3A_37 : vector<1024x1xf32> to vector<1024x128xf32>
    %mul3A_39 = arith.mulf %max3A_36, %mul3A_38 : vector<1024x128xf32>
    %swap3A = arith.constant 0 : index
    %swap3A_40 = arith.constant 0 : index
    %swap3A_41 = vector.load %arg6[%swap3A, %swap3A_40] : memref<1024x128xf32, #tpu.memory_space<vmem>>, vector<1024x128xf32>
    tpu.vector_store %arg6[%swap3A, %swap3A_40], %mul3A_39 {strides = array<i32>} : memref<1024x128xf32, #tpu.memory_space<vmem>>, vector<1024x128xf32>,
    return
  }
  func.func @transform_0(%arg0: i32) -> (i32, i32, i32) {
    %c0_i32 = arith.constant 0 : i32
    %c0_i32_0 = arith.constant 0 : i32
    %c0_i32_1 = arith.constant 0 : i32
    return %c0_i32, %arg0, %c0_i32_0 : i32, i32, i32
  }
  func.func @transform_1(%arg0: i32) -> (i32, i32) {
    %c0_i32 = arith.constant 0 : i32
    %c0_i32_0 = arith.constant 0 : i32
    return %c0_i32, %arg0 : i32, i32
  }
  func.func @transform_2(%arg0: i32) -> (i32, i32) {
    %c0_i32 = arith.constant 0 : i32
    %c0_i32_0 = arith.constant 0 : i32
    return %c0_i32, %arg0 : i32, i32
  }
  func.func @transform_3(%arg0: i32) -> (i32, i32) {
    %c0_i32 = arith.constant 0 : i32
    %c0_i32_0 = arith.constant 0 : i32
    %c0_i32_1 = arith.constant 0 : i32
    return %c0_i32, %c0_i32_0 : i32, i32
  }
  func.func @transform_4(%arg0: i32) -> (i32, i32) {
    %c0_i32 = arith.constant 0 : i32
    %c0_i32_0 = arith.constant 0 : i32
    %c0_i32_1 = arith.constant 0 : i32
    return %c0_i32, %c0_i32_0 : i32, i32
  }
  func.func @transform_5(%arg0: i32) -> (i32, i32) {
    %c0_i32 = arith.constant 0 : i32
    %c0_i32_0 = arith.constant 0 : i32
    return %arg0, %c0_i32 : i32, i32
  }
}

module attributes {stable_mosaic.version = 14 : i64} {
  func.func @_tc_readout_body(%arg0: i32, %arg1: memref<2x1024x128xf32, #tpu.memory_space<vmem>>, %arg2: memref<32x1024xf32, #tpu.memory_space<vmem>>, %arg3: memref<128x128xf32, #tpu.memory_space<vmem>>, %arg4: memref<1x128xf32, #tpu.memory_space<vmem>>, %arg5: memref<1x128xf32, #tpu.memory_space<vmem>>, %arg6: memref<1x1xf32, #tpu.memory_space<vmem>>, %arg7: memref<1x1xf32, #tpu.memory_space<vmem>>, %arg8: memref<1x128xf32, #tpu.memory_space<vmem>>) attributes {dimension_semantics = [#tpu.dimension_semantics<arbitrary>], iteration_bounds = array<i64: 10>, scalar_prefetch = 0 : i64, scratch_operands = 1 : i64, tpu.core_type = #tpu.core_type<tc>, window_params = [{transform_indices = @transform_0, window_bounds = array<i64: 2, 1024, 128>}, {transform_indices = @transform_1, window_bounds = array<i64: 32, 1024>}, {pipeline_mode = #tpu.pipeline_mode<synchronous>, transform_indices = @transform_2, window_bounds = array<i64: 128, 128>}, {pipeline_mode = #tpu.pipeline_mode<synchronous>, transform_indices = @transform_3, window_bounds = array<i64: 1, 128>}, {pipeline_mode = #tpu.pipeline_mode<synchronous>, transform_indices = @transform_4, window_bounds = array<i64: 1, 128>}, {pipeline_mode = #tpu.pipeline_mode<synchronous>, transform_indices = @transform_5, window_bounds = array<i64: 1, 1>}, {pipeline_mode = #tpu.pipeline_mode<synchronous>, transform_indices = @transform_6, window_bounds = array<i64: 1, 1>}]} {
    %get3A = arith.constant 0 : index
    %get3A_0 = arith.constant 0 : index
    %get3A_1 = arith.constant 0 : index
    %get3A_2 = vector.load %arg1[%get3A, %get3A_0, %get3A_1] : memref<2x1024x128xf32, #tpu.memory_space<vmem>>, vector<1x1024x128xf32>
    %get3A_3 = vector.shape_cast %get3A_2 : vector<1x1024x128xf32> to vector<1024x128xf32>
    %get3A_4 = arith.constant 1 : index
    %get3A_5 = arith.constant 0 : index
    %get3A_6 = arith.constant 0 : index
    %get3A_7 = vector.load %arg1[%get3A_4, %get3A_5, %get3A_6] : memref<2x1024x128xf32, #tpu.memory_space<vmem>>, vector<1x1024x128xf32>
    %get3A_8 = vector.shape_cast %get3A_7 : vector<1x1024x128xf32> to vector<1024x128xf32>
    %add3A = arith.addf %get3A_3, %get3A_8 : vector<1024x128xf32>
    %get3A_9 = arith.constant 0 : index
    %get3A_10 = arith.constant 0 : index
    %get3A_11 = vector.load %arg2[%get3A_9, %get3A_10] : memref<32x1024xf32, #tpu.memory_space<vmem>>, vector<32x1024xf32>
    %reduce_sum3A = arith.constant dense<0.000000e+00> : vector<1024xf32>
    %reduce_sum3A_12 = vector.multi_reduction <add>, %get3A_11, %reduce_sum3A [0] : vector<32x1024xf32> to vector<1024xf32>
    %max3A = arith.constant 1.000000e+00 : f32
    %max3A_13 = vector.broadcast %max3A : f32 to vector<1024xf32>
    %max3A_14 = arith.maximumf %reduce_sum3A_12, %max3A_13 : vector<1024xf32>
    %rsqrt3A = math.rsqrt %max3A_14 : vector<1024xf32>
    %broadcast_in_dim3A = vector.shape_cast %rsqrt3A : vector<1024xf32> to vector<1024x1xf32>
    %mul3A = vector.broadcast %broadcast_in_dim3A : vector<1024x1xf32> to vector<1024x128xf32>
    %mul3A_15 = arith.mulf %add3A, %mul3A : vector<1024x128xf32>
    %reduce_sum3A_16 = arith.constant dense<0.000000e+00> : vector<128xf32>
    %reduce_sum3A_17 = vector.multi_reduction <add>, %mul3A_15, %reduce_sum3A_16 [0] : vector<1024x128xf32> to vector<128xf32>
    %broadcast_in_dim3A_18 = vector.shape_cast %reduce_sum3A_17 : vector<128xf32> to vector<1x128xf32>
    %eq3A = arith.constant 0 : i32
    %eq3A_19 = arith.cmpi eq, %arg0, %eq3A : i32
    %convert_element_type3A = arith.extui %eq3A_19 : i1 to i32
    %cond3A = arith.constant 0 : i32
    %cond3A_20 = arith.cmpi ne, %convert_element_type3A, %cond3A : i32
    scf.if %cond3A_20 {
      %swap3A = arith.constant 0 : index
      %swap3A_30 = arith.constant 0 : index
      %swap3A_31 = vector.load %arg8[%swap3A, %swap3A_30] : memref<1x128xf32, #tpu.memory_space<vmem>>, vector<1x128xf32>
      tpu.vector_store %arg8[%swap3A, %swap3A_30], %broadcast_in_dim3A_18 {strides = array<i32>} : memref<1x128xf32, #tpu.memory_space<vmem>>, vector<1x128xf32>,
    } else {
    }
    %gt3A = arith.constant 0 : i32
    %gt3A_21 = arith.cmpi sgt, %arg0, %gt3A : i32
    %convert_element_type3A_22 = arith.extui %gt3A_21 : i1 to i32
    %cond3A_23 = arith.constant 0 : i32
    %cond3A_24 = arith.cmpi ne, %convert_element_type3A_22, %cond3A_23 : i32
    scf.if %cond3A_24 {
      %get3A_30 = arith.constant 0 : index
      %get3A_31 = arith.constant 0 : index
      %get3A_32 = vector.load %arg8[%get3A_30, %get3A_31] : memref<1x128xf32, #tpu.memory_space<vmem>>, vector<1x128xf32>
      %add3A_33 = arith.addf %get3A_32, %broadcast_in_dim3A_18 : vector<1x128xf32>
      %swap3A = arith.constant 0 : index
      %swap3A_34 = arith.constant 0 : index
      %swap3A_35 = vector.load %arg8[%swap3A, %swap3A_34] : memref<1x128xf32, #tpu.memory_space<vmem>>, vector<1x128xf32>
      tpu.vector_store %arg8[%swap3A, %swap3A_34], %add3A_33 {strides = array<i32>} : memref<1x128xf32, #tpu.memory_space<vmem>>, vector<1x128xf32>,
    } else {
    }
    %eq3A_25 = arith.constant 9 : i32
    %eq3A_26 = arith.cmpi eq, %arg0, %eq3A_25 : i32
    %convert_element_type3A_27 = arith.extui %eq3A_26 : i1 to i32
    %cond3A_28 = arith.constant 0 : i32
    %cond3A_29 = arith.cmpi ne, %convert_element_type3A_27, %cond3A_28 : i32
    scf.if %cond3A_29 {
      %get3A_30 = arith.constant 0 : index
      %get3A_31 = arith.constant 0 : index
      %get3A_32 = vector.load %arg8[%get3A_30, %get3A_31] : memref<1x128xf32, #tpu.memory_space<vmem>>, vector<1x128xf32>
      %mul3A_33 = arith.constant 9.99999974E-5 : f32
      %mul3A_34 = vector.broadcast %mul3A_33 : f32 to vector<1x128xf32>
      %mul3A_35 = arith.mulf %get3A_32, %mul3A_34 : vector<1x128xf32>
      %get3A_36 = arith.constant 0 : index
      %get3A_37 = arith.constant 0 : index
      %get3A_38 = vector.load %arg3[%get3A_36, %get3A_37] : memref<128x128xf32, #tpu.memory_space<vmem>>, vector<128x128xf32>
      %dot_general3A = arith.constant dense<0.000000e+00> : vector<1x128xf32>
      %dot_general3A_39 = tpu.matmul %mul3A_35, %get3A_38, %dot_general3A {dimension_numbers = #tpu.dot_dimension_numbers<[1], [0], [0], [1], [0, 0, 1, 1], [], []>, transpose_lhs_hint = false} : vector<1x128xf32>, vector<128x128xf32>, vector<1x128xf32> -> vector<1x128xf32>
      %get3A_40 = arith.constant 0 : index
      %get3A_41 = arith.constant 0 : index
      %get3A_42 = vector.load %arg4[%get3A_40, %get3A_41] : memref<1x128xf32, #tpu.memory_space<vmem>>, vector<1x128xf32>
      %add3A_43 = arith.addf %dot_general3A_39, %get3A_42 : vector<1x128xf32>
      %get3A_44 = arith.constant 0 : index
      %get3A_45 = arith.constant 0 : index
      %get3A_46 = vector.load %arg5[%get3A_44, %get3A_45] : memref<1x128xf32, #tpu.memory_space<vmem>>, vector<1x128xf32>
      %mul3A_47 = arith.mulf %add3A_43, %get3A_46 : vector<1x128xf32>
      %reduce_sum3A_48 = arith.constant dense<0.000000e+00> : vector<1xf32>
      %reduce_sum3A_49 = vector.multi_reduction <add>, %mul3A_47, %reduce_sum3A_48 [1] : vector<1x128xf32> to vector<1xf32>
      %broadcast_in_dim3A_50 = vector.shape_cast %reduce_sum3A_49 : vector<1xf32> to vector<1x1xf32>
      %get3A_51 = arith.constant 0 : index
      %get3A_52 = arith.constant 0 : index
      %get3A_53 = vector.load %arg6[%get3A_51, %get3A_52] : memref<1x1xf32, #tpu.memory_space<vmem>>, vector<1x1xf32>
      %add3A_54 = arith.addf %broadcast_in_dim3A_50, %get3A_53 : vector<1x1xf32>
      %logistic3A = arith.negf %add3A_54 : vector<1x1xf32>
      %logistic3A_55 = math.exp %logistic3A : vector<1x1xf32>
      %logistic3A_56 = arith.constant 1.000000e+00 : f32
      %logistic3A_57 = vector.broadcast %logistic3A_56 : f32 to vector<1x1xf32>
      %logistic3A_58 = arith.addf %logistic3A_57, %logistic3A_55 : vector<1x1xf32>
      %logistic3A_59 = arith.divf %logistic3A_57, %logistic3A_58 : vector<1x1xf32>
      %swap3A = arith.constant 0 : index
      %swap3A_60 = arith.constant 0 : index
      %swap3A_61 = vector.load %arg7[%swap3A, %swap3A_60] : memref<1x1xf32, #tpu.memory_space<vmem>>, vector<1x1xf32>
      tpu.vector_store %arg7[%swap3A, %swap3A_60], %logistic3A_59 {strides = array<i32>} : memref<1x1xf32, #tpu.memory_space<vmem>>, vector<1x1xf32>,
    } else {
    }
    return
  }
  func.func @transform_0(%arg0: i32) -> (i32, i32, i32) {
    %c0_i32 = arith.constant 0 : i32
    %c0_i32_0 = arith.constant 0 : i32
    %c0_i32_1 = arith.constant 0 : i32
    return %c0_i32, %arg0, %c0_i32_0 : i32, i32, i32
  }
  func.func @transform_1(%arg0: i32) -> (i32, i32) {
    %c0_i32 = arith.constant 0 : i32
    %c0_i32_0 = arith.constant 0 : i32
    return %c0_i32, %arg0 : i32, i32
  }
  func.func @transform_2(%arg0: i32) -> (i32, i32) {
    %c0_i32 = arith.constant 0 : i32
    %c0_i32_0 = arith.constant 0 : i32
    %c0_i32_1 = arith.constant 0 : i32
    return %c0_i32, %c0_i32_0 : i32, i32
  }
  func.func @transform_3(%arg0: i32) -> (i32, i32) {
    %c0_i32 = arith.constant 0 : i32
    %c0_i32_0 = arith.constant 0 : i32
    %c0_i32_1 = arith.constant 0 : i32
    return %c0_i32, %c0_i32_0 : i32, i32
  }
  func.func @transform_4(%arg0: i32) -> (i32, i32) {
    %c0_i32 = arith.constant 0 : i32
    %c0_i32_0 = arith.constant 0 : i32
    %c0_i32_1 = arith.constant 0 : i32
    return %c0_i32, %c0_i32_0 : i32, i32
  }
  func.func @transform_5(%arg0: i32) -> (i32, i32) {
    %c0_i32 = arith.constant 0 : i32
    %c0_i32_0 = arith.constant 0 : i32
    %c0_i32_1 = arith.constant 0 : i32
    return %c0_i32, %c0_i32_0 : i32, i32
  }
  func.func @transform_6(%arg0: i32) -> (i32, i32) {
    %c0_i32 = arith.constant 0 : i32
    %c0_i32_0 = arith.constant 0 : i32
    %c0_i32_1 = arith.constant 0 : i32
    return %c0_i32, %c0_i32_0 : i32, i32
  }
}

</mosaic_0001>

<sc_bundles>
// kernel: kernel.11.cloned.1.call-start
scs
__scs_entry_jumppad:
0x0: {  	(pc) =	sbr.rel $0x88, $3  }
0x1: {  	(tag) =	ssettag $0x0;
	lr =	simm.s32 $0x1  }
0x2: {  	[smem:$0x3F99] =	sst lr;
	_ =	strace $0xD0000000  }
0x3: {  	_ = 	snop  }
0x4: {  	_ = 	snop  }
0x5: {  	_ = 	snop  }
0x6: {  	_ = 	snop  }
0x7: {  	_ = 	snop  }
__scs_overlays_trampoline_lowered:
0x8: {  	[smem:$0x3FA8] =	sst s0  }
0x9: {  	[smem:$0x3FA9] =	sst s1  }
0xa: {  	[smem:$0x3FAA] =	sst s2  }
0xb: {  	[smem:$0x3FAB] =	sst s3  }
0xc: {  	[smem:$0x3FAC] =	sst s4  }
0xd: {  	[smem:$0x3FAD] =	sst s5  }
0xe: {  	[smem:$0x3FAE] =	sst s6  }
0xf: {  	[smem:$0x3FAF] =	sst s7  }
0x10: {  	[smem:$0x3FB0] =	sst s8  }
0x11: {  	[smem:$0x3FB1] =	sst s9;
	s0 =	simm.s32 @!p0 $0x0  }
0x12: {  	s1 =	sld [smem:$0x3F97];
	s0 =	simm.s32 @p0 $0x1  }
0x13: {  	[smem:$0x3FB2] =	sst s0;
	s0 =	simm.s32 @!p1 $0x0  }
0x14: {  	s2 =	sld [smem:$0x3F96];
	s0 =	simm.s32 @p1 $0x1  }
0x15: {  	[smem:$0x3FB3] =	sst s0;
	s0 =	simm.s32 @!p2 $0x0  }
0x16: {  	s3 =	sld [smem:$0x3FDB];
	s0 =	simm.s32 @p2 $0x1  }
0x17: {  	s4 =	simm.s32 $0x1BF5;
	[smem:$0x3FB5] =	sst s0  }
0x18: {  	s0 =	sld [smem:$0x3F98];
	_ =	swait.ge [sflag:s4], $0x0  }
0x19: {  	s7 =	sld [smem:$0x3F99]  }
0x1a: {  	s8 =	sadd.s32 $0xFFFFE003, lr  }
0x1b: {  	s9 =	sadd.s32 $0xFFFFFEF7, lr;
	s5 =	simm.s32 $0xFFFFFFFF;
	p2 =	slt.u32 s8, $0xFFFFF086  }
0x1c: {  	p1 =	slt.u32 s9, $0xF7A;
	s5 =	simm.s32 @!p2 $0x0  }
0x1d: {  	s5 =	simm.s32 @p1 $0x1;
	p0 =	seq.s32 s7, s2  }
0x1e: {  	s7 =	smul.u32 @!p0 $0xF7A, s2;
	p2 =	seq.s32 @!p0 s5, $0x0  }
0x1f: {  	s9 =	smul.u32 $0xF7A, s1;
	s8 =	simm.s32 @!p0 $0x1BF5;
	p2 =	por !p2, p0  }
0x20: {  	[sflag:s8] =	ssyncset.s32 @!p0 $0xFFFFF086;
	s6 =	sadd.s32 @!p0 s3, s7;
	s7 =	simm.s32 @!p0 $0x108  }
0x21: {  	s3 =	sadd.s32 s3, s9;
	s6 =	sadd.s32 @!p0 $0x88, s6;
	s7 =	simm.s32 @p2 $0x1082  }
0x22: {  	[simem:s7], [sflag:s8] =	dma.local @!p0 [hbm:s6], $0xF7A  }
0x23: {  	s9 =	sor.u32 $0xD0000000, s2;
	s6 =	simm.s32 $0x108;
	_ =	swait.ge @!p0 [sflag:s8], $0x0  }
0x24: {  	s3 =	sadd.s32 $0x88, s3;
	s6 =	simm.s32 @!p1 $0x1082;
	[sflag:s4] =	ssyncset.s32 $0xFFFFF086  }
0x25: {  	[simem:s6], [sflag:s4] =	dma.local [hbm:s3], $0xF7A  }
0x26: {  	[smem:$0x3F99] =	sst s1;
	(tag) =	ssettag s2;
	_ =	strace s9  }
0x27: {  	s1 =	sld [smem:$0x3FA9]  }
0x28: {  	s2 =	sld [smem:$0x3FAA]  }
0x29: {  	s4 =	sld [smem:$0x3FAC]  }
0x2a: {  	p0 =	seq.s32 s5, $0x0;
	s5 =	sld [smem:$0x3FAD]  }
0x2b: {  	s6 =	sld [smem:$0x3FAE]  }
0x2c: {  	s7 =	sld [smem:$0x3FAF]  }
0x2d: {  	s3 =	simm.s32 $0x108;
	s8 =	sld [smem:$0x3FB0]  }
0x2e: {  	s3 =	simm.s32 @!p0 $0x1082;
	s9 =	sld [smem:$0x3FB1]  }
0x2f: {  	lr =	sadd.s32 s0, s3;
	s0 =	sld [smem:$0x3FA8]  }
0x30: {  	s3 =	sld [smem:$0x3FAB]  }
0x31: {  	[smem:$0x3FB4] =	sst s10  }
0x32: {  	s10 =	sld [smem:$0x3FB2];
	_ =	sdelay $0x3  }
0x33: {  	p0 =	seq.s32 s10, $0x1;
	s10 =	sld [smem:$0x3FB4];
	_ =	sdelay $0x3  }
0x34: {  	[smem:$0x3FB4] =	sst s10  }
0x35: {  	s10 =	sld [smem:$0x3FB3];
	_ =	sdelay $0x3  }
0x36: {  	p1 =	seq.s32 s10, $0x1;
	s10 =	sld [smem:$0x3FB4];
	_ =	sdelay $0x3  }
0x37: {  	[smem:$0x3FB4] =	sst s10  }
0x38: {  	s10 =	sld [smem:$0x3FB5]  }
0x39: {  	_ = 	snop;
	(pc) =	sbr.ind lr, $3  }
0x3a: {  	_ = 	snop  }
0x3b: {  	_ = 	snop  }
0x3c: {  	p2 =	seq.s32 s10, $0x1;
	s10 =	sld [smem:$0x3FB4]  }
0x3d: {  	_ =	shalt  }
0x3e: {  	_ =	shalt  }
0x3f: {  	_ =	shalt  }
0x40: {  	_ =	shalt  }
0x41: {  	_ =	shalt  }
0x42: {  	_ =	shalt  }
0x43: {  	_ =	shalt  }
0x44: {  	_ =	shalt  }
0x45: {  	_ =	shalt  }
0x46: {  	_ =	shalt  }
0x47: {  	_ =	shalt  }
0x48: {  	_ =	shalt  }
0x49: {  	_ =	shalt  }
0x4a: {  	_ =	shalt  }
0x4b: {  	_ =	shalt  }
0x4c: {  	_ =	shalt  }
0x4d: {  	_ =	shalt  }
0x4e: {  	_ =	shalt  }
0x4f: {  	_ =	shalt  }
0x50: {  	_ =	shalt  }
0x51: {  	_ =	shalt  }
0x52: {  	_ =	shalt  }
0x53: {  	_ =	shalt  }
0x54: {  	_ =	shalt  }
0x55: {  	_ =	shalt  }
0x56: {  	_ =	shalt  }
0x57: {  	_ =	shalt  }
0x58: {  	_ =	shalt  }
0x59: {  	_ =	shalt  }
0x5a: {  	_ =	shalt  }
0x5b: {  	_ =	shalt  }
0x5c: {  	_ =	shalt  }
0x5d: {  	_ =	shalt  }
0x5e: {  	_ =	shalt  }
0x5f: {  	_ =	shalt  }
0x60: {  	_ =	shalt  }
0x61: {  	_ =	shalt  }
0x62: {  	_ =	shalt  }
0x63: {  	_ =	shalt  }
0x64: {  	_ =	shalt  }
0x65: {  	_ =	shalt  }
0x66: {  	_ =	shalt  }
0x67: {  	_ =	shalt  }
0x68: {  	_ =	shalt  }
0x69: {  	_ =	shalt  }
0x6a: {  	_ =	shalt  }
0x6b: {  	_ =	shalt  }
0x6c: {  	_ =	shalt  }
0x6d: {  	_ =	shalt  }
0x6e: {  	_ =	shalt  }
0x6f: {  	_ =	shalt  }
0x70: {  	_ =	shalt  }
0x71: {  	_ =	shalt  }
0x72: {  	_ =	shalt  }
0x73: {  	_ =	shalt  }
0x74: {  	_ =	shalt  }
0x75: {  	_ =	shalt  }
0x76: {  	_ =	shalt  }
0x77: {  	_ =	shalt  }
0x78: {  	_ =	shalt  }
0x79: {  	_ =	shalt  }
0x7a: {  	_ =	shalt  }
0x7b: {  	_ =	shalt  }
0x7c: {  	_ =	shalt  }
0x7d: {  	_ =	shalt  }
0x7e: {  	_ =	shalt  }
0x7f: {  	_ =	shalt  }
0x80: {  	_ =	shalt  }
0x81: {  	_ =	shalt  }
0x82: {  	_ =	shalt  }
0x83: {  	_ =	shalt  }
0x84: {  	_ =	shalt  }
0x85: {  	_ =	shalt  }
0x86: {  	_ =	shalt  }
0x87: {  	_ =	shalt  }
.Lfunc_end0:
.L_simem_size_0:
called_computation.1_lowered:
.L_overlay_start_0:
0x88: {  	s2 =	sld [smem:$0x3FD9]  }
0x89: {  	s3 =	sld [smem:$0x3FFE];
	_ =	sdelay $0x1  }
0x8a: {  	s1 =	srdreg.scid  }
0x8b: {  	s0 =	sand.u32 $0x1, s1  }
0x8c: {  	s16 =	sshll.u32 s0, $0xA;
	s2 =	sadd.s32 s3, s2  }
0x8d: {  	s2 =	sadd.s32 s2, s16  }
0x8e: {  	[smem:$0x3FC0] =	sst s2  }
0x8f: {  	_ = 	snop  }
0x90: {  	(tm) =	ssettm $0x1  }
0x91: {  	s17 =	sld [smem:$0x3FFB];
	_ =	sdelay $0x3  }
0x92: {  	_ =	strace s17  }
0x93: {  	s2 =	sld [smem:$0x3FFC];
	_ =	sdelay $0x3  }
0x94: {  	_ =	strace s2  }
0x95: {  	s2 =	sld [smem:$0x3FFD];
	_ =	sdelay $0x3  }
0x96: {  	_ =	strace s2  }
0x97: {  	_ =	strace $0x8FFFFFFF  }
0x98: {  	s18 =	sld [smem:$0x3FDB];
	_ =	sdelay $0x1  }
0x99: {  	s19 =	simm.s32 $_scs_section_size  }
0x9a: {  	s4 =	simm.s32 $_size__tile_overlayer_lowered;
	s5 =	simm.s32 $_tile_overlayer_lowered  }
0x9b: {  	s22 =	simm.s32 $0x1BFF;
	s21 =	sshll.u32 s5, $0x1;
	s2 =	sadd.s32 s19, s18  }
0x9c: {  	s6 =	simm.s32 $0x0;
	s20 =	sshll.u32 s4, $0x1;
	s4 =	sadd.s32 s21, s2  }
0x9d: {  	[timem:s6], [sflag:s22] =	dma.local [hbm:s4], s20  }
0x9e: {  	_ =	swait.ge [sflag:s22], s20  }
0x9f: {  	s3 =	ssub.s32 $0x0, s20;
	[sflag:s22] =	ssyncset.done $0x0  }
0xa0: {  	[sflag:s22] =	ssyncadd.s32 s3;
	_ =	sdelay $0x1  }
0xa1: {  	s23 =	simm.s32 $0x1B8B  }
0xa2: {  	_ =	swait.ge [sflag:s23], $0x1  }
0xa3: {  	[sflag:s23] =	ssyncset.done $0x0  }
0xa4: {  	s25 =	simm.s32 $0x1B8E;
	s24 =	sld [smem:$0x3FFE];
	[sflag:s23] =	ssyncadd.s32 $0xFFFFFFFF  }
0xa5: {  	s26 =	simm.s32 $execute0_lowered;
	[smem:$0x3FD2] =	sst s25  }
0xa6: {  	s4 =	sshll.u32 s26, $0x1;
	_ =	strace $0x80000049;
	[dreg:$0x1] =	wrdreg $0xFFFFFFFF  }
0xa7: {  	s28 =	simm.s32 $_size_execute0_lowered;
	s2 =	sadd.s32 s2, s4;
	[dreg:$0x0] =	wrdreg $0x0  }
0xa8: {  	s4 =	sshll.u32 s28, $0x1;
	[dreg:$0x2] =	wrdreg s2  }
0xa9: {  	[dreg:$0x3] =	wrdreg s4  }
0xaa: {  	[dreg:$0x4] =	wrdreg $0xC0  }
0xab: {  	_ =	task [dreg:s6], $0x5FFFF  }
0xac: {  	[dreg:$0x1] =	wrdreg $0xFFFFFFFF  }
0xad: {  	[dreg:$0x0] =	wrdreg $0x60  }
0xae: {  	[dreg:$0x2] =	wrdreg s24  }
0xaf: {  	[dreg:$0x3] =	wrdreg $0xB7800  }
0xb0: {  	[dreg:$0x4] =	wrdreg $0x9  }
0xb1: {  	_ =	task.clear_ibuf [dreg:s6], $0x5FFFF;
	_ =	strace $0x90000049  }
0xb2: {  	s29 =	simm.s32 $0x9;
	_ =	strace $0x8000004B  }
0xb3: {  	_ =	swait.ge [sflag:s29], $0x1  }
0xb4: {  	[sflag:s29] =	ssyncadd.s32 $0xFFFFFFFF  }
0xb5: {  	_ =	strace $0x9000004B  }
0xb6: {  	_ =	sfence  }
0xb7: {  	s30 =	sld [smem:$0x0];
	_ =	sdelay $0x2  }
0xb8: {  	s31 =	sshll.u32 s1, $0xD;
	s1 =	sshrl.u32 s1, $0x2  }
0xb9: {  	s3 =	sand.u32 $0x4000, s31;
	s1 =	sadd.s32 s1, s30  }
0xba: {  	s0 =	sor.u32 s3, s0;
	s1 =	sshll.u32 s1, $0x11  }
0xbb: {  	s0 =	sor.u32 s1, s0  }
0xbc: {  	s0 =	sadd.s32 $0x8F2B, s0  }
0xbd: {  	[sflag:s0] =	ssyncadd.remote.s32 $0x1  }
0xbe: {  	_ =	sfence.sel $0xFFFF  }
0xbf: {  	[dreg:$0x0] =	wrdreg $0xFFFFFFFF;
	(pc) =	sbr.abs _section_cstart, $3  }
0xc0: {  	[dreg:$0x1] =	wrdreg $0xFFFFFFFF  }
0xc1: {  	_ =	task.clear_ibuf [dreg:s6], $0x2FFFF;
	_ =	strace $0x9FFFFFFF  }
0xc2: {  	(tm) =	ssettm $0x7FFFFFFF  }
0xc3: {  	_ =	shalt  }
tec
execute0_lowered:
.L_overlay_start_1:
0x0: {  	(tag) =	ssettag $0x1  }
0x1: {  	s1 =	rddreg [dreg:$0x0]  }
0x2: {  	s0 =	srdreg.scid;
	s2 =	rddreg [dreg:$0x1]  }
0x3: {  	s10 =	stileid.u32;
	s3 =	simm.s32 $0x0;
	s28 =	simm.s32 $0x1  }
0x4: {  	s29 =	simm.s32 $0x2;
	s30 =	simm.s32 $0x28;
	s31 =	simm.s32 $0x7B80  }
0x5: {  	s0 =	sand.u32 $0x1, s0;
	[smem:$0x7FF] =	sst s3;
	s9 =	smul.u32 $0x50000, s10  }
0x6: {  	s14 =	smul.u32 $0x14000, s10;
	s4 =	sshll.u32 s0, $0x4;
	_ =	strace $0x8000004A  }
0x7: {  	s7 =	ssub.s32 $0x2, s0;
	s0 =	smul.u32 $0x140000, s0;
	s5 =	sor.u32 s10, s4  }
0x8: {  	s4 =	sadd.s32 $0x3A400, s1;
	s8 =	sshrl.u32 s7, $0x1;
	s24 =	sshrl.u32 s9, $0x2  }
0x9: {  	s25 =	sor.u32 $0x2800, s14;
	s26 =	sadd.s32 $0x5000, s14;
	s16 =	sadd.s32 $0x7800, s14  }
0xa: {  	s17 =	sadd.s32 $0xA000, s14;
	s18 =	sadd.s32 $0xC800, s14;
	s20 =	sadd.s32 $0xF000, s14  }
0xb: {  	s21 =	sadd.s32 $0x11800, s14;
	s6 =	smul.u32 $0x4E2, s5;
	s5 =	sshll.u32 s5, $0xB  }
0xc: {  	s15 =	ssub.s32 s7, s8;
	s7 =	sadd.s32 s24, s2;
	s8 =	sadd.s32 s25, s2  }
0xd: {  	s9 =	sadd.s32 s26, s2;
	s10 =	sadd.s32 s16, s2;
	s11 =	sadd.s32 s17, s2  }
0xe: {  	s12 =	sadd.s32 s18, s2;
	s13 =	sadd.s32 s20, s2;
	s19 =	sadd.s32 s14, s0  }
0xf: {  	s14 =	sadd.s32 s21, s2;
	s22 =	sadd.s32 s0, s17;
	s5 =	sadd.s32 s5, s1  }
0x10: {  	s19 =	sshrl.u32 s19, $0x3;
	s6 =	sadd.s32 s6, s1;
	s5 =	sadd.s32 $0x2A400, s5  }
0x11: {  	s1 =	sadd.s32 $0x62400, s1;
	s6 =	sadd.s32 $0xC600, s6;
	[dreg:$0x4] =	wrdreg s5  }
0x12: {  	s24 =	sshrl.u32 s22, $0x3;
	s19 =	sadd.s32 s1, s19;
	[dreg:$0x3] =	wrdreg s6  }
0x13: {  	s5 =	sadd.s32 s0, s25;
	s25 =	sadd.s32 s0, s18;
	[dreg:$0x5] =	wrdreg s19  }
0x14: {  	s5 =	sshrl.u32 s5, $0x3;
	s6 =	sadd.s32 s0, s26;
	s19 =	sadd.s32 s0, s16  }
0x15: {  	s26 =	sadd.s32 s0, s20;
	s0 =	sadd.s32 s0, s21;
	s5 =	sadd.s32 s1, s5  }
0x16: {  	s0 =	sshrl.u32 s0, $0x3;
	[dreg:$0x6] =	wrdreg s5;
	s5 =	sshrl.u32 s6, $0x3  }
0x17: {  	s6 =	sshrl.u32 s19, $0x3;
	s22 =	sadd.s32 s1, s0;
	s5 =	sadd.s32 s1, s5  }
0x18: {  	s0 =	simm.s32 $0x50;
	s23 =	sadd.s32 s1, s6;
	[dreg:$0x7] =	wrdreg s5  }
0x19: {  	s6 =	sshrl.u32 s26, $0x3;
	s26 =	simm.s32 $0x5;
	[dreg:$0x8] =	wrdreg s23  }
0x1a: {  	s5 =	sadd.s32 s1, s24;
	s21 =	sadd.s32 s1, s6;
	s23 =	smax.u32 s15, $0x1  }
0x1b: {  	s24 =	simm.s32 $0xA380;
	s6 =	simm.s32 $0x4;
	s15 =	simm.s32 $0x0  }
0x1c: {  	[dreg:$0x9] =	wrdreg s5;
	s5 =	sshrl.u32 s25, $0x3;
	s25 =	simm.s32 $0x6780  }
0x1d: {  	v0 =	vimm.f32 $0.0e+00;
	s20 =	sadd.s32 s1, s5;
	s1 =	simm.s32 $0x8F80;
	s5 =	simm.s32 $0x3  }
.LBB2_1:
0x1e: {  	s16 =	rddreg [dreg:$0x3]  }
0x1f: {  	[tilespmem:s3], [sflag:$0x1] =	stream.linear.gather [hbm4b:s16+s3], $0x2710, $0x38;
	[tilespmem:$0x1F780] =	vst v63  }
0x20: {  	s19 =	rddreg [dreg:$0x4];
	s17 =	simm.s32 $0x2780  }
0x21: {  	[tilespmem:s17], [sflag:$0x2] =	stream.linear.gather [hbm4b:s19+s3], $0x3E80, $0x38;
	[tilespmem:$0x1F780] =	vst v63  }
0x22: {  	s16 =	simm.s32 $0x0;
	s17 =	simm.s32 $0x200  }
.LBB2_2:
0x23: {  	p0 =	sne.s32 s17, $0x9E00;
	[tilespmem:s16+$0x67F0] =	vst v0  }
0x24: {  	[tilespmem:s16+$0x6780] =	vst v0  }
0x25: {  	[tilespmem:s16+$0x6790] =	vst v0  }
.Ltmp0:
0x26: {  	[tilespmem:s16+$0x67A0] =	vst v0;
	(pc) =	sbr.rel @p0 .LBB2_2-.Ltmp0, $4  }
0x27: {  	[tilespmem:s16+$0x67B0] =	vst v0  }
0x28: {  	[tilespmem:s16+$0x67C0] =	vst v0  }
0x29: {  	[tilespmem:s16+$0x67D0] =	vst v0  }
0x2a: {  	[tilespmem:s16+$0x67E0] =	vst v0;
	s16 =	sshra.s32 s17, $0x2;
	s17 =	sadd.s32 $0x200, s17  }
0x2b: {  	[tilespmem:s16+$0x67F0] =	vst v0  }
0x2c: {  	[tilespmem:s16+$0x6780] =	vst v0  }
0x2d: {  	[tilespmem:s16+$0x6790] =	vst v0  }
0x2e: {  	[tilespmem:s16+$0x67A0] =	vst v0  }
0x2f: {  	[tilespmem:s16+$0x67B0] =	vst v0  }
0x30: {  	[tilespmem:s16+$0x67C0] =	vst v0  }
0x31: {  	[tilespmem:s16+$0x67D0] =	vst v0  }
0x32: {  	[tilespmem:s16+$0x67E0] =	vst v0  }
0x33: {  	[spmem:s7] =	stream.linear.scatter [tilespmem:s25], [sflag:$0x5], $0x2800, $0x38;
	[tilespmem:$0x1F780] =	vst v63  }
0x34: {  	_ =	swait.ge [sflag:s26], $0x2800  }
0x35: {  	[sflag:s26] =	ssyncset.done $0x0  }
0x36: {  	[sflag:s26] =	ssyncadd.s32 $0xFFFFD800  }
0x37: {  	[spmem:s8] =	stream.linear.scatter [tilespmem:s25], [sflag:$0x5], $0x2800, $0x38;
	[tilespmem:$0x1F780] =	vst v63  }
0x38: {  	_ =	swait.ge [sflag:s26], $0x2800  }
0x39: {  	[sflag:s26] =	ssyncset.done $0x0  }
0x3a: {  	[sflag:s26] =	ssyncadd.s32 $0xFFFFD800  }
0x3b: {  	[spmem:s9] =	stream.linear.scatter [tilespmem:s25], [sflag:$0x5], $0x2800, $0x38;
	[tilespmem:$0x1F780] =	vst v63  }
0x3c: {  	_ =	swait.ge [sflag:s26], $0x2800  }
0x3d: {  	[sflag:s26] =	ssyncset.done $0x0  }
0x3e: {  	[sflag:s26] =	ssyncadd.s32 $0xFFFFD800  }
0x3f: {  	[spmem:s10] =	stream.linear.scatter [tilespmem:s25], [sflag:$0x5], $0x2800, $0x38;
	[tilespmem:$0x1F780] =	vst v63  }
0x40: {  	_ =	swait.ge [sflag:s26], $0x2800  }
0x41: {  	[sflag:s26] =	ssyncset.done $0x0  }
0x42: {  	[sflag:s26] =	ssyncadd.s32 $0xFFFFD800  }
0x43: {  	[spmem:s11] =	stream.linear.scatter [tilespmem:s25], [sflag:$0x5], $0x2800, $0x38;
	[tilespmem:$0x1F780] =	vst v63  }
0x44: {  	_ =	swait.ge [sflag:s26], $0x2800  }
0x45: {  	[sflag:s26] =	ssyncset.done $0x0  }
0x46: {  	[sflag:s26] =	ssyncadd.s32 $0xFFFFD800  }
0x47: {  	[spmem:s12] =	stream.linear.scatter [tilespmem:s25], [sflag:$0x5], $0x2800, $0x38;
	[tilespmem:$0x1F780] =	vst v63  }
0x48: {  	_ =	swait.ge [sflag:s26], $0x2800  }
0x49: {  	[sflag:s26] =	ssyncset.done $0x0  }
0x4a: {  	[sflag:s26] =	ssyncadd.s32 $0xFFFFD800  }
0x4b: {  	[spmem:s13] =	stream.linear.scatter [tilespmem:s25], [sflag:$0x5], $0x2800, $0x38;
	[tilespmem:$0x1F780] =	vst v63  }
0x4c: {  	_ =	swait.ge [sflag:s26], $0x2800  }
0x4d: {  	[sflag:s26] =	ssyncset.done $0x0  }
0x4e: {  	[sflag:s26] =	ssyncadd.s32 $0xFFFFD800  }
0x4f: {  	[spmem:s14] =	stream.linear.scatter [tilespmem:s25], [sflag:$0x5], $0x2800, $0x38;
	[tilespmem:$0x1F780] =	vst v63  }
0x50: {  	_ =	swait.ge [sflag:s26], $0x2800  }
0x51: {  	[sflag:s26] =	ssyncset.done $0x0  }
0x52: {  	[sflag:s26] =	ssyncadd.s32 $0xFFFFD800  }
0x53: {  	_ =	swait.ge [sflag:s28], $0x2710  }
0x54: {  	[sflag:s28] =	ssyncset.done $0x0  }
0x55: {  	[sflag:s28] =	ssyncadd.s32 $0xFFFFD8F0  }
0x56: {  	_ =	swait.ge [sflag:s29], $0x3E80  }
0x57: {  	[sflag:s29] =	ssyncset.done $0x0  }
0x58: {  	[sflag:s29] =	ssyncadd.s32 $0xFFFFC180  }
0x59: {  	s19 =	simm.s32 $0x0;
	[bflag:$0x0] =	sbarrier.arrive $0xFFFF  }
0x5a: {  	[tilespmem:s25], [sflag:$0x1] =	stream.indirect.gather [hbm4b:s4+s30], $0x80, s19, s30, $0xb8;
	[tilespmem:$0x1F780] =	vst v63  }
0x5b: {  	_ = 	snop  }
0x5c: {  	[tilespmem:s31], [sflag:$0x1] =	stream.indirect.gather [hbm4b:s4+s30], $0x80, s30, s30, $0xb8;
	[tilespmem:$0x1F780] =	vst v63  }
0x5d: {  	_ = 	snop  }
0x5e: {  	[tilespmem:s1], [sflag:$0x2] =	stream.indirect.gather [hbm4b:s4+s30], $0x80, s0, s30, $0xb8;
	[tilespmem:$0x1F780] =	vst v63  }
0x5f: {  	s17 =	simm.s32 $0x78  }
0x60: {  	[tilespmem:s24], [sflag:$0x2] =	stream.indirect.gather [hbm4b:s4+s30], $0x80, s17, s30, $0xb8;
	[tilespmem:$0x1F780] =	vst v63  }
0x61: {  	_ =	swait.ge [sflag:s28], $0x1400  }
0x62: {  	[sflag:s28] =	ssyncset.done $0x0  }
0x63: {  	[sflag:s28] =	ssyncadd.s32 $0xFFFFEC00  }
0x64: {  	_ =	swait.ge [sflag:s28], $0x1400  }
0x65: {  	[sflag:s28] =	ssyncset.done $0x0  }
0x66: {  	s18 =	simm.s32 $0x2780;
	[sflag:s28] =	ssyncadd.s32 $0xFFFFEC00  }
0x67: {  	[spmem:s2] =	stream.indirect.scatter.add.f32 [tilespmem:s25], [sflag:$0x3], $0x80, s18, s0, $0xb8;
	[tilespmem:$0x1F780] =	vst v63  }
0x68: {  	_ =	swait.ge [sflag:s29], $0x1400  }
0x69: {  	[sflag:s29] =	ssyncset.done $0x0  }
0x6a: {  	[sflag:s29] =	ssyncadd.s32 $0xFFFFEC00  }
0x6b: {  	_ =	swait.ge [sflag:s29], $0x1400  }
0x6c: {  	[sflag:s29] =	ssyncset.done $0x0  }
0x6d: {  	s19 =	simm.s32 $0x2800;
	[sflag:s29] =	ssyncadd.s32 $0xFFFFEC00  }
0x6e: {  	[spmem:s2] =	stream.indirect.scatter.add.f32 [tilespmem:s1], [sflag:$0x4], $0x80, s19, s0, $0xb8;
	[tilespmem:$0x1F780] =	vst v63  }
0x6f: {  	_ =	swait.ge [sflag:s5], $0x2800  }
0x70: {  	[sflag:s5] =	ssyncset.done $0x0  }
0x71: {  	s17 =	simm.s32 $0xA0;
	[sflag:s5] =	ssyncadd.s32 $0xFFFFD800  }
0x72: {  	[tilespmem:s25], [sflag:$0x1] =	stream.indirect.gather [hbm4b:s4+s30], $0x80, s17, s30, $0xb8;
	[tilespmem:$0x1F780] =	vst v63  }
0x73: {  	s18 =	simm.s32 $0xC8  }
0x74: {  	[tilespmem:s31], [sflag:$0x1] =	stream.indirect.gather [hbm4b:s4+s30], $0x80, s18, s30, $0xb8;
	[tilespmem:$0x1F780] =	vst v63  }
0x75: {  	_ =	swait.ge [sflag:s6], $0x2800  }
0x76: {  	s16 =	simm.s32 $0x280;
	s19 =	simm.s32 $0xF0;
	[sflag:s6] =	ssyncset.done $0x0  }
0x77: {  	s17 =	simm.s32 $0x2900;
	s18 =	simm.s32 $0x118;
	[sflag:s6] =	ssyncadd.s32 $0xFFFFD800  }
0x78: {  	[tilespmem:s1], [sflag:$0x2] =	stream.indirect.gather [hbm4b:s4+s30], $0x80, s19, s30, $0xb8;
	[tilespmem:$0x1F780] =	vst v63  }
.LBB2_4:
0x79: {  	[tilespmem:s24], [sflag:$0x2] =	stream.indirect.gather [hbm4b:s4+s30], $0x80, s18, s30, $0xb8;
	[tilespmem:$0x1F780] =	vst v63  }
0x7a: {  	s18 =	smov.u32 s16  }
0x7b: {  	p0 =	sne.s32 s16, $0x9600;
	s16 =	sadd.s32 $0x280, s16;
	_ =	swait.ge [sflag:s28], $0x1400  }
0x7c: {  	[sflag:s28] =	ssyncset.done $0x0  }
0x7d: {  	[sflag:s28] =	ssyncadd.s32 $0xFFFFEC00  }
0x7e: {  	_ =	swait.ge [sflag:s28], $0x1400  }
0x7f: {  	[sflag:s28] =	ssyncset.done $0x0  }
0x80: {  	s19 =	sadd.s32 $0xFFFFFF80, s17;
	[sflag:s28] =	ssyncadd.s32 $0xFFFFEC00  }
0x81: {  	[spmem:s2] =	stream.indirect.scatter.add.f32 [tilespmem:s25], [sflag:$0x3], $0x80, s19, s0, $0xb8;
	[tilespmem:$0x1F780] =	vst v63  }
0x82: {  	_ =	swait.ge [sflag:s29], $0x1400  }
0x83: {  	[sflag:s29] =	ssyncset.done $0x0  }
0x84: {  	[sflag:s29] =	ssyncadd.s32 $0xFFFFEC00  }
0x85: {  	_ =	swait.ge [sflag:s29], $0x1400  }
0x86: {  	[sflag:s29] =	ssyncset.done $0x0  }
0x87: {  	[sflag:s29] =	ssyncadd.s32 $0xFFFFEC00  }
0x88: {  	[spmem:s2] =	stream.indirect.scatter.add.f32 [tilespmem:s1], [sflag:$0x4], $0x80, s17, s0, $0xb8;
	[tilespmem:$0x1F780] =	vst v63  }
0x89: {  	_ =	swait.ge [sflag:s5], $0x2800  }
0x8a: {  	s18 =	sshra.s32 s18, $0x2;
	[sflag:s5] =	ssyncset.done $0x0  }
0x8b: {  	s19 =	sadd.s32 $0xA0, s18;
	[sflag:s5] =	ssyncadd.s32 $0xFFFFD800  }
0x8c: {  	[tilespmem:s25], [sflag:$0x1] =	stream.indirect.gather [hbm4b:s4+s30], $0x80, s19, s30, $0xb8;
	[tilespmem:$0x1F780] =	vst v63  }
0x8d: {  	s19 =	sadd.s32 $0xC8, s18  }
0x8e: {  	[tilespmem:s31], [sflag:$0x1] =	stream.indirect.gather [hbm4b:s4+s30], $0x80, s19, s30, $0xb8;
	[tilespmem:$0x1F780] =	vst v63  }
.Ltmp1:
0x8f: {  	_ =	swait.ge [sflag:s6], $0x2800;
	(pc) =	sbr.rel @p0 .LBB2_4-.Ltmp1, $4  }
0x90: {  	[sflag:s6] =	ssyncset.done $0x0  }
0x91: {  	s19 =	sadd.s32 $0xF0, s18;
	[sflag:s6] =	ssyncadd.s32 $0xFFFFD800  }
0x92: {  	[tilespmem:s1], [sflag:$0x2] =	stream.indirect.gather [hbm4b:s4+s30], $0x80, s19, s30, $0xb8;
	[tilespmem:$0x1F780] =	vst v63  }
0x93: {  	s17 =	sadd.s32 $0x100, s17;
	s18 =	sadd.s32 $0x118, s18  }
0x94: {  	[tilespmem:s24], [sflag:$0x2] =	stream.indirect.gather [hbm4b:s4+s30], $0x80, s18, s30, $0xb8;
	[tilespmem:$0x1F780] =	vst v63  }
0x95: {  	_ =	swait.ge [sflag:s28], $0x1400  }
0x96: {  	[sflag:s28] =	ssyncset.done $0x0  }
0x97: {  	[sflag:s28] =	ssyncadd.s32 $0xFFFFEC00  }
0x98: {  	_ =	swait.ge [sflag:s28], $0x1400  }
0x99: {  	[sflag:s28] =	ssyncset.done $0x0  }
0x9a: {  	s16 =	simm.s32 $0x6480;
	[sflag:s28] =	ssyncadd.s32 $0xFFFFEC00  }
0x9b: {  	[spmem:s2] =	stream.indirect.scatter.add.f32 [tilespmem:s25], [sflag:$0x3], $0x80, s16, s0, $0xb8;
	[tilespmem:$0x1F780] =	vst v63  }
0x9c: {  	_ =	swait.ge [sflag:s29], $0x1400  }
0x9d: {  	[sflag:s29] =	ssyncset.done $0x0  }
0x9e: {  	[sflag:s29] =	ssyncadd.s32 $0xFFFFEC00  }
0x9f: {  	_ =	swait.ge [sflag:s29], $0x1400  }
0xa0: {  	[sflag:s29] =	ssyncset.done $0x0  }
0xa1: {  	s17 =	simm.s32 $0x6500;
	[sflag:s29] =	ssyncadd.s32 $0xFFFFEC00  }
0xa2: {  	[spmem:s2] =	stream.indirect.scatter.add.f32 [tilespmem:s1], [sflag:$0x4], $0x80, s17, s0, $0xb8;
	[tilespmem:$0x1F780] =	vst v63  }
0xa3: {  	_ =	swait.ge [sflag:s5], $0x2800  }
0xa4: {  	[sflag:s5] =	ssyncset.done $0x0  }
0xa5: {  	s18 =	simm.s32 $0x26C0;
	[sflag:s5] =	ssyncadd.s32 $0xFFFFD800  }
0xa6: {  	[tilespmem:s25], [sflag:$0x1] =	stream.indirect.gather [hbm4b:s4+s30], $0x80, s18, s30, $0xb8;
	[tilespmem:$0x1F780] =	vst v63  }
0xa7: {  	s19 =	simm.s32 $0x26E8  }
0xa8: {  	[tilespmem:s31], [sflag:$0x1] =	stream.indirect.gather [hbm4b:s4+s30], $0x80, s19, s30, $0xb8;
	[tilespmem:$0x1F780] =	vst v63  }
0xa9: {  	_ =	swait.ge [sflag:s28], $0x1400  }
0xaa: {  	[sflag:s28] =	ssyncset.done $0x0  }
0xab: {  	[sflag:s28] =	ssyncadd.s32 $0xFFFFEC00  }
0xac: {  	_ =	swait.ge [sflag:s28], $0x1400  }
0xad: {  	[sflag:s28] =	ssyncset.done $0x0  }
0xae: {  	s17 =	simm.s32 $0x6580;
	[sflag:s28] =	ssyncadd.s32 $0xFFFFEC00  }
0xaf: {  	[spmem:s2] =	stream.indirect.scatter.add.f32 [tilespmem:s25], [sflag:$0x3], $0x80, s17, s0, $0xb8;
	[tilespmem:$0x1F780] =	vst v63  }
0xb0: {  	_ =	swait.ge [sflag:s5], $0x2800  }
0xb1: {  	[sflag:s5] =	ssyncset.done $0x0  }
0xb2: {  	[sflag:s5] =	ssyncadd.s32 $0xFFFFD800  }
0xb3: {  	_ =	swait.ge [sflag:s6], $0x2800  }
0xb4: {  	[sflag:s6] =	ssyncset.done $0x0  }
0xb5: {  	[sflag:s6] =	ssyncadd.s32 $0xFFFFD800  }
0xb6: {  	[bflag:$0x0] =	sbarrier.arrive $0xFFFF  }
0xb7: {  	[tilespmem:s25], [sflag:$0x5] =	stream.linear.gather [spmem:s7], $0x2800, $0x38;
	[tilespmem:$0x1F780] =	vst v63  }
0xb8: {  	_ =	swait.ge [sflag:s26], $0x2800  }
0xb9: {  	[sflag:s26] =	ssyncset.done $0x0  }
0xba: {  	s18 =	rddreg [dreg:$0x5];
	[sflag:s26] =	ssyncadd.s32 $0xFFFFD800  }
0xbb: {  	[hbm4b:s18+s3] =	stream.linear.scatter [tilespmem:s25], [sflag:$0x5], $0x2800, $0x38;
	[tilespmem:$0x1F780] =	vst v63  }
0xbc: {  	_ =	swait.ge [sflag:s26], $0x2800  }
0xbd: {  	[sflag:s26] =	ssyncset.done $0x0  }
0xbe: {  	[sflag:s26] =	ssyncadd.s32 $0xFFFFD800  }
0xbf: {  	[tilespmem:s25], [sflag:$0x5] =	stream.linear.gather [spmem:s8], $0x2800, $0x38;
	[tilespmem:$0x1F780] =	vst v63  }
0xc0: {  	_ =	swait.ge [sflag:s26], $0x2800  }
0xc1: {  	[sflag:s26] =	ssyncset.done $0x0  }
0xc2: {  	s19 =	rddreg [dreg:$0x6];
	[sflag:s26] =	ssyncadd.s32 $0xFFFFD800  }
0xc3: {  	[hbm4b:s19+s3] =	stream.linear.scatter [tilespmem:s25], [sflag:$0x5], $0x2800, $0x38;
	[tilespmem:$0x1F780] =	vst v63  }
0xc4: {  	_ =	swait.ge [sflag:s26], $0x2800  }
0xc5: {  	[sflag:s26] =	ssyncset.done $0x0  }
0xc6: {  	[sflag:s26] =	ssyncadd.s32 $0xFFFFD800  }
0xc7: {  	[tilespmem:s25], [sflag:$0x5] =	stream.linear.gather [spmem:s9], $0x2800, $0x38;
	[tilespmem:$0x1F780] =	vst v63  }
0xc8: {  	_ =	swait.ge [sflag:s26], $0x2800  }
0xc9: {  	[sflag:s26] =	ssyncset.done $0x0  }
0xca: {  	s17 =	rddreg [dreg:$0x7];
	[sflag:s26] =	ssyncadd.s32 $0xFFFFD800  }
0xcb: {  	[hbm4b:s17+s3] =	stream.linear.scatter [tilespmem:s25], [sflag:$0x5], $0x2800, $0x38;
	[tilespmem:$0x1F780] =	vst v63  }
0xcc: {  	_ =	swait.ge [sflag:s26], $0x2800  }
0xcd: {  	[sflag:s26] =	ssyncset.done $0x0  }
0xce: {  	[sflag:s26] =	ssyncadd.s32 $0xFFFFD800  }
0xcf: {  	[tilespmem:s25], [sflag:$0x5] =	stream.linear.gather [spmem:s10], $0x2800, $0x38;
	[tilespmem:$0x1F780] =	vst v63  }
0xd0: {  	_ =	swait.ge [sflag:s26], $0x2800  }
0xd1: {  	[sflag:s26] =	ssyncset.done $0x0  }
0xd2: {  	s18 =	rddreg [dreg:$0x8];
	[sflag:s26] =	ssyncadd.s32 $0xFFFFD800  }
0xd3: {  	[hbm4b:s18+s3] =	stream.linear.scatter [tilespmem:s25], [sflag:$0x5], $0x2800, $0x38;
	[tilespmem:$0x1F780] =	vst v63  }
0xd4: {  	_ =	swait.ge [sflag:s26], $0x2800  }
0xd5: {  	[sflag:s26] =	ssyncset.done $0x0  }
0xd6: {  	[sflag:s26] =	ssyncadd.s32 $0xFFFFD800  }
0xd7: {  	[tilespmem:s25], [sflag:$0x5] =	stream.linear.gather [spmem:s11], $0x2800, $0x38;
	[tilespmem:$0x1F780] =	vst v63  }
0xd8: {  	_ =	swait.ge [sflag:s26], $0x2800  }
0xd9: {  	[sflag:s26] =	ssyncset.done $0x0  }
0xda: {  	s19 =	rddreg [dreg:$0x9];
	[sflag:s26] =	ssyncadd.s32 $0xFFFFD800  }
0xdb: {  	[hbm4b:s19+s3] =	stream.linear.scatter [tilespmem:s25], [sflag:$0x5], $0x2800, $0x38;
	[tilespmem:$0x1F780] =	vst v63  }
0xdc: {  	_ =	swait.ge [sflag:s26], $0x2800  }
0xdd: {  	[sflag:s26] =	ssyncset.done $0x0  }
0xde: {  	[sflag:s26] =	ssyncadd.s32 $0xFFFFD800  }
0xdf: {  	[tilespmem:s25], [sflag:$0x5] =	stream.linear.gather [spmem:s12], $0x2800, $0x38;
	[tilespmem:$0x1F780] =	vst v63  }
0xe0: {  	_ =	swait.ge [sflag:s26], $0x2800  }
0xe1: {  	[sflag:s26] =	ssyncset.done $0x0  }
0xe2: {  	[sflag:s26] =	ssyncadd.s32 $0xFFFFD800  }
0xe3: {  	[hbm4b:s20+s3] =	stream.linear.scatter [tilespmem:s25], [sflag:$0x5], $0x2800, $0x38;
	[tilespmem:$0x1F780] =	vst v63  }
0xe4: {  	_ =	swait.ge [sflag:s26], $0x2800  }
0xe5: {  	[sflag:s26] =	ssyncset.done $0x0  }
0xe6: {  	[sflag:s26] =	ssyncadd.s32 $0xFFFFD800  }
0xe7: {  	[tilespmem:s25], [sflag:$0x5] =	stream.linear.gather [spmem:s13], $0x2800, $0x38;
	[tilespmem:$0x1F780] =	vst v63  }
0xe8: {  	_ =	swait.ge [sflag:s26], $0x2800  }
0xe9: {  	[sflag:s26] =	ssyncset.done $0x0  }
0xea: {  	[sflag:s26] =	ssyncadd.s32 $0xFFFFD800  }
0xeb: {  	[hbm4b:s21+s3] =	stream.linear.scatter [tilespmem:s25], [sflag:$0x5], $0x2800, $0x38;
	[tilespmem:$0x1F780] =	vst v63  }
0xec: {  	_ =	swait.ge [sflag:s26], $0x2800  }
0xed: {  	[sflag:s26] =	ssyncset.done $0x0  }
0xee: {  	[sflag:s26] =	ssyncadd.s32 $0xFFFFD800  }
0xef: {  	[tilespmem:s25], [sflag:$0x5] =	stream.linear.gather [spmem:s14], $0x2800, $0x38;
	[tilespmem:$0x1F780] =	vst v63  }
0xf0: {  	s15 =	sadd.s32 $0x1, s15;
	_ =	swait.ge [sflag:s26], $0x2800  }
0xf1: {  	p0 =	sne.s32 s15, s23;
	[sflag:s26] =	ssyncset.done $0x0  }
.Ltmp2:
0xf2: {  	[sflag:s26] =	ssyncadd.s32 $0xFFFFD800;
	(pc) =	sbr.rel @p0 .LBB2_1-.Ltmp2, $4  }
0xf3: {  	[hbm4b:s22+s3] =	stream.linear.scatter [tilespmem:s25], [sflag:$0x5], $0x2800, $0x38;
	[tilespmem:$0x1F780] =	vst v63  }
0xf4: {  	_ =	swait.ge [sflag:s26], $0x2800  }
0xf5: {  	[sflag:s26] =	ssyncset.done $0x0  }
0xf6: {  	[sflag:s26] =	ssyncadd.s32 $0xFFFFD800  }
0xf7: {  	_ =	sfence.sel $0x180000  }
0xf8: {  	[bflag:$0x0] =	sbarrier.arrive $0xFFFF  }
0xf9: {  	_ =	strace $0x9000004A  }
0xfa: {  	s0 =	stileid.u32;
	[bflag:$0x2] =	sbarrier.arrive $0xFFFF  }
0xfb: {  	p0 =	sne.s32 s0, $0x0;
	s0 =	rddreg [dreg:$0x2]  }
0xfc: {  	s0 =	sadd.s32 @!p0 $0x100000, s0  }
0xfd: {  	[sflag:s0] =	ssyncadd.tile.s32 @!p0 $0x1;
	_ =	shalt  }
.Lfunc_end2:
_tile_overlayer_lowered:
.L_overlay_start_2:
0xfe: {  	(tag) =	ssettag $0x2  }
0xff: {  	s0 =	rddreg [dreg:$0x0];
	s2 =	stileid.u32  }
0x100: {  	s1 =	rddreg [dreg:$0x1];
	p0 =	sne.s32 s2, $0x0  }
0x101: {  	s3 =	rddreg [dreg:$0x2];
	[bflag:$0x3] =	sbarrier.arrive $0xFFFF;
	s2 =	simm.s32 @!p0 $0x1C05  }
0x102: {  	[timem:s3], [sflag:s2] =	dma.local @!p0 [hbm:s0], s1  }
0x103: {  	s0 =	simm.s32 @!p0 $0x5  }
0x104: {  	_ =	swait.ge @!p0 [sflag:s0], s1  }
0x105: {  	s1 =	ssub.s32 @!p0 $0x0, s1;
	[sflag:s0] =	ssyncset.done @!p0 $0x0  }
0x106: {  	[sflag:s0] =	ssyncadd.s32 @!p0 s1  }
0x107: {  	[bflag:$0x3] =	sbarrier.arrive $0xFFFF  }
0x108: {  	_ =	shalt  }

// kernel: kernel.14.cloned.1.call-start
scs
__scs_entry_jumppad:
0x0: {  	(pc) =	sbr.rel $0x88, $3  }
0x1: {  	(tag) =	ssettag $0x0;
	lr =	simm.s32 $0x1  }
0x2: {  	[smem:$0x3F99] =	sst lr;
	_ =	strace $0xD0000000  }
0x3: {  	_ = 	snop  }
0x4: {  	_ = 	snop  }
0x5: {  	_ = 	snop  }
0x6: {  	_ = 	snop  }
0x7: {  	_ = 	snop  }
__scs_overlays_trampoline_lowered:
0x8: {  	[smem:$0x3FA8] =	sst s0  }
0x9: {  	[smem:$0x3FA9] =	sst s1  }
0xa: {  	[smem:$0x3FAA] =	sst s2  }
0xb: {  	[smem:$0x3FAB] =	sst s3  }
0xc: {  	[smem:$0x3FAC] =	sst s4  }
0xd: {  	[smem:$0x3FAD] =	sst s5  }
0xe: {  	[smem:$0x3FAE] =	sst s6  }
0xf: {  	[smem:$0x3FAF] =	sst s7  }
0x10: {  	[smem:$0x3FB0] =	sst s8  }
0x11: {  	[smem:$0x3FB1] =	sst s9;
	s0 =	simm.s32 @!p0 $0x0  }
0x12: {  	s1 =	sld [smem:$0x3F97];
	s0 =	simm.s32 @p0 $0x1  }
0x13: {  	[smem:$0x3FB2] =	sst s0;
	s0 =	simm.s32 @!p1 $0x0  }
0x14: {  	s2 =	sld [smem:$0x3F96];
	s0 =	simm.s32 @p1 $0x1  }
0x15: {  	[smem:$0x3FB3] =	sst s0;
	s0 =	simm.s32 @!p2 $0x0  }
0x16: {  	s3 =	sld [smem:$0x3FDB];
	s0 =	simm.s32 @p2 $0x1  }
0x17: {  	s4 =	simm.s32 $0x1BF5;
	[smem:$0x3FB5] =	sst s0  }
0x18: {  	s0 =	sld [smem:$0x3F98];
	_ =	swait.ge [sflag:s4], $0x0  }
0x19: {  	s7 =	sld [smem:$0x3F99]  }
0x1a: {  	s8 =	sadd.s32 $0xFFFFE003, lr  }
0x1b: {  	s9 =	sadd.s32 $0xFFFFFEF7, lr;
	s5 =	simm.s32 $0xFFFFFFFF;
	p2 =	slt.u32 s8, $0xFFFFF086  }
0x1c: {  	p1 =	slt.u32 s9, $0xF7A;
	s5 =	simm.s32 @!p2 $0x0  }
0x1d: {  	s5 =	simm.s32 @p1 $0x1;
	p0 =	seq.s32 s7, s2  }
0x1e: {  	s7 =	smul.u32 @!p0 $0xF7A, s2;
	p2 =	seq.s32 @!p0 s5, $0x0  }
0x1f: {  	s9 =	smul.u32 $0xF7A, s1;
	s8 =	simm.s32 @!p0 $0x1BF5;
	p2 =	por !p2, p0  }
0x20: {  	[sflag:s8] =	ssyncset.s32 @!p0 $0xFFFFF086;
	s6 =	sadd.s32 @!p0 s3, s7;
	s7 =	simm.s32 @!p0 $0x108  }
0x21: {  	s3 =	sadd.s32 s3, s9;
	s6 =	sadd.s32 @!p0 $0x88, s6;
	s7 =	simm.s32 @p2 $0x1082  }
0x22: {  	[simem:s7], [sflag:s8] =	dma.local @!p0 [hbm:s6], $0xF7A  }
0x23: {  	s9 =	sor.u32 $0xD0000000, s2;
	s6 =	simm.s32 $0x108;
	_ =	swait.ge @!p0 [sflag:s8], $0x0  }
0x24: {  	s3 =	sadd.s32 $0x88, s3;
	s6 =	simm.s32 @!p1 $0x1082;
	[sflag:s4] =	ssyncset.s32 $0xFFFFF086  }
0x25: {  	[simem:s6], [sflag:s4] =	dma.local [hbm:s3], $0xF7A  }
0x26: {  	[smem:$0x3F99] =	sst s1;
	(tag) =	ssettag s2;
	_ =	strace s9  }
0x27: {  	s1 =	sld [smem:$0x3FA9]  }
0x28: {  	s2 =	sld [smem:$0x3FAA]  }
0x29: {  	s4 =	sld [smem:$0x3FAC]  }
0x2a: {  	p0 =	seq.s32 s5, $0x0;
	s5 =	sld [smem:$0x3FAD]  }
0x2b: {  	s6 =	sld [smem:$0x3FAE]  }
0x2c: {  	s7 =	sld [smem:$0x3FAF]  }
0x2d: {  	s3 =	simm.s32 $0x108;
	s8 =	sld [smem:$0x3FB0]  }
0x2e: {  	s3 =	simm.s32 @!p0 $0x1082;
	s9 =	sld [smem:$0x3FB1]  }
0x2f: {  	lr =	sadd.s32 s0, s3;
	s0 =	sld [smem:$0x3FA8]  }
0x30: {  	s3 =	sld [smem:$0x3FAB]  }
0x31: {  	[smem:$0x3FB4] =	sst s10  }
0x32: {  	s10 =	sld [smem:$0x3FB2];
	_ =	sdelay $0x3  }
0x33: {  	p0 =	seq.s32 s10, $0x1;
	s10 =	sld [smem:$0x3FB4];
	_ =	sdelay $0x3  }
0x34: {  	[smem:$0x3FB4] =	sst s10  }
0x35: {  	s10 =	sld [smem:$0x3FB3];
	_ =	sdelay $0x3  }
0x36: {  	p1 =	seq.s32 s10, $0x1;
	s10 =	sld [smem:$0x3FB4];
	_ =	sdelay $0x3  }
0x37: {  	[smem:$0x3FB4] =	sst s10  }
0x38: {  	s10 =	sld [smem:$0x3FB5]  }
0x39: {  	_ = 	snop;
	(pc) =	sbr.ind lr, $3  }
0x3a: {  	_ = 	snop  }
0x3b: {  	_ = 	snop  }
0x3c: {  	p2 =	seq.s32 s10, $0x1;
	s10 =	sld [smem:$0x3FB4]  }
0x3d: {  	_ =	shalt  }
0x3e: {  	_ =	shalt  }
0x3f: {  	_ =	shalt  }
0x40: {  	_ =	shalt  }
0x41: {  	_ =	shalt  }
0x42: {  	_ =	shalt  }
0x43: {  	_ =	shalt  }
0x44: {  	_ =	shalt  }
0x45: {  	_ =	shalt  }
0x46: {  	_ =	shalt  }
0x47: {  	_ =	shalt  }
0x48: {  	_ =	shalt  }
0x49: {  	_ =	shalt  }
0x4a: {  	_ =	shalt  }
0x4b: {  	_ =	shalt  }
0x4c: {  	_ =	shalt  }
0x4d: {  	_ =	shalt  }
0x4e: {  	_ =	shalt  }
0x4f: {  	_ =	shalt  }
0x50: {  	_ =	shalt  }
0x51: {  	_ =	shalt  }
0x52: {  	_ =	shalt  }
0x53: {  	_ =	shalt  }
0x54: {  	_ =	shalt  }
0x55: {  	_ =	shalt  }
0x56: {  	_ =	shalt  }
0x57: {  	_ =	shalt  }
0x58: {  	_ =	shalt  }
0x59: {  	_ =	shalt  }
0x5a: {  	_ =	shalt  }
0x5b: {  	_ =	shalt  }
0x5c: {  	_ =	shalt  }
0x5d: {  	_ =	shalt  }
0x5e: {  	_ =	shalt  }
0x5f: {  	_ =	shalt  }
0x60: {  	_ =	shalt  }
0x61: {  	_ =	shalt  }
0x62: {  	_ =	shalt  }
0x63: {  	_ =	shalt  }
0x64: {  	_ =	shalt  }
0x65: {  	_ =	shalt  }
0x66: {  	_ =	shalt  }
0x67: {  	_ =	shalt  }
0x68: {  	_ =	shalt  }
0x69: {  	_ =	shalt  }
0x6a: {  	_ =	shalt  }
0x6b: {  	_ =	shalt  }
0x6c: {  	_ =	shalt  }
0x6d: {  	_ =	shalt  }
0x6e: {  	_ =	shalt  }
0x6f: {  	_ =	shalt  }
0x70: {  	_ =	shalt  }
0x71: {  	_ =	shalt  }
0x72: {  	_ =	shalt  }
0x73: {  	_ =	shalt  }
0x74: {  	_ =	shalt  }
0x75: {  	_ =	shalt  }
0x76: {  	_ =	shalt  }
0x77: {  	_ =	shalt  }
0x78: {  	_ =	shalt  }
0x79: {  	_ =	shalt  }
0x7a: {  	_ =	shalt  }
0x7b: {  	_ =	shalt  }
0x7c: {  	_ =	shalt  }
0x7d: {  	_ =	shalt  }
0x7e: {  	_ =	shalt  }
0x7f: {  	_ =	shalt  }
0x80: {  	_ =	shalt  }
0x81: {  	_ =	shalt  }
0x82: {  	_ =	shalt  }
0x83: {  	_ =	shalt  }
0x84: {  	_ =	shalt  }
0x85: {  	_ =	shalt  }
0x86: {  	_ =	shalt  }
0x87: {  	_ =	shalt  }
.Lfunc_end0:
.L_simem_size_0:
called_computation.2_lowered:
.L_overlay_start_0:
0x88: {  	s2 =	sld [smem:$0x3FD9]  }
0x89: {  	s3 =	sld [smem:$0x3FFE];
	_ =	sdelay $0x1  }
0x8a: {  	s1 =	srdreg.scid  }
0x8b: {  	s0 =	sand.u32 $0x1, s1  }
0x8c: {  	s16 =	sshll.u32 s0, $0xA;
	s2 =	sadd.s32 s3, s2  }
0x8d: {  	s2 =	sadd.s32 s2, s16  }
0x8e: {  	[smem:$0x3FC0] =	sst s2  }
0x8f: {  	_ = 	snop  }
0x90: {  	(tm) =	ssettm $0x1  }
0x91: {  	s17 =	sld [smem:$0x3FFB];
	_ =	sdelay $0x3  }
0x92: {  	_ =	strace s17  }
0x93: {  	s2 =	sld [smem:$0x3FFC];
	_ =	sdelay $0x3  }
0x94: {  	_ =	strace s2  }
0x95: {  	s2 =	sld [smem:$0x3FFD];
	_ =	sdelay $0x3  }
0x96: {  	_ =	strace s2  }
0x97: {  	_ =	strace $0x8FFFFFFF  }
0x98: {  	s18 =	sld [smem:$0x3FDB];
	_ =	sdelay $0x1  }
0x99: {  	s19 =	simm.s32 $_scs_section_size  }
0x9a: {  	s4 =	simm.s32 $_size__tile_overlayer_lowered;
	s5 =	simm.s32 $_tile_overlayer_lowered  }
0x9b: {  	s22 =	simm.s32 $0x1BFF;
	s21 =	sshll.u32 s5, $0x1;
	s2 =	sadd.s32 s19, s18  }
0x9c: {  	s6 =	simm.s32 $0x0;
	s20 =	sshll.u32 s4, $0x1;
	s4 =	sadd.s32 s21, s2  }
0x9d: {  	[timem:s6], [sflag:s22] =	dma.local [hbm:s4], s20  }
0x9e: {  	_ =	swait.ge [sflag:s22], s20  }
0x9f: {  	s3 =	ssub.s32 $0x0, s20;
	[sflag:s22] =	ssyncset.done $0x0  }
0xa0: {  	[sflag:s22] =	ssyncadd.s32 s3;
	_ =	sdelay $0x1  }
0xa1: {  	s23 =	simm.s32 $0x1B8B  }
0xa2: {  	_ =	swait.ge [sflag:s23], $0x1  }
0xa3: {  	[sflag:s23] =	ssyncset.done $0x0  }
0xa4: {  	s25 =	simm.s32 $0x1B8E;
	s24 =	sld [smem:$0x3FFE];
	[sflag:s23] =	ssyncadd.s32 $0xFFFFFFFF  }
0xa5: {  	s26 =	simm.s32 $execute0_lowered;
	[smem:$0x3FD2] =	sst s25  }
0xa6: {  	s4 =	sshll.u32 s26, $0x1;
	_ =	strace $0x8000004C;
	[dreg:$0x1] =	wrdreg $0xFFFFFFFF  }
0xa7: {  	s28 =	simm.s32 $_size_execute0_lowered;
	s2 =	sadd.s32 s2, s4;
	[dreg:$0x0] =	wrdreg $0x0  }
0xa8: {  	s4 =	sshll.u32 s28, $0x1;
	[dreg:$0x2] =	wrdreg s2  }
0xa9: {  	[dreg:$0x3] =	wrdreg s4  }
0xaa: {  	[dreg:$0x4] =	wrdreg $0xC0  }
0xab: {  	_ =	task [dreg:s6], $0x5FFFF  }
0xac: {  	[dreg:$0x1] =	wrdreg $0xFFFFFFFF  }
0xad: {  	[dreg:$0x0] =	wrdreg $0x60  }
0xae: {  	[dreg:$0x2] =	wrdreg s24  }
0xaf: {  	[dreg:$0x3] =	wrdreg $0xB7800  }
0xb0: {  	[dreg:$0x4] =	wrdreg $0x9  }
0xb1: {  	_ =	task.clear_ibuf [dreg:s6], $0x5FFFF;
	_ =	strace $0x9000004C  }
0xb2: {  	s29 =	simm.s32 $0x9;
	_ =	strace $0x8000004E  }
0xb3: {  	_ =	swait.ge [sflag:s29], $0x1  }
0xb4: {  	[sflag:s29] =	ssyncadd.s32 $0xFFFFFFFF  }
0xb5: {  	_ =	strace $0x9000004E  }
0xb6: {  	_ =	sfence  }
0xb7: {  	s30 =	sld [smem:$0x0];
	_ =	sdelay $0x2  }
0xb8: {  	s31 =	sshll.u32 s1, $0xD;
	s1 =	sshrl.u32 s1, $0x2  }
0xb9: {  	s3 =	sand.u32 $0x4000, s31;
	s1 =	sadd.s32 s1, s30  }
0xba: {  	s0 =	sor.u32 s3, s0;
	s1 =	sshll.u32 s1, $0x11  }
0xbb: {  	s0 =	sor.u32 s1, s0  }
0xbc: {  	s0 =	sadd.s32 $0x8F2B, s0  }
0xbd: {  	[sflag:s0] =	ssyncadd.remote.s32 $0x1  }
0xbe: {  	_ =	sfence.sel $0xFFFF  }
0xbf: {  	[dreg:$0x0] =	wrdreg $0xFFFFFFFF;
	(pc) =	sbr.abs _section_cstart, $3  }
0xc0: {  	[dreg:$0x1] =	wrdreg $0xFFFFFFFF  }
0xc1: {  	_ =	task.clear_ibuf [dreg:s6], $0x2FFFF;
	_ =	strace $0x9FFFFFFF  }
0xc2: {  	(tm) =	ssettm $0x7FFFFFFF  }
0xc3: {  	_ =	shalt  }
tec
execute0_lowered:
.L_overlay_start_1:
0x0: {  	(tag) =	ssettag $0x1  }
0x1: {  	s1 =	rddreg [dreg:$0x0]  }
0x2: {  	s0 =	srdreg.scid;
	s2 =	rddreg [dreg:$0x1]  }
0x3: {  	s10 =	stileid.u32;
	s3 =	simm.s32 $0x0;
	s28 =	simm.s32 $0x1  }
0x4: {  	s29 =	simm.s32 $0x2;
	s30 =	simm.s32 $0x28;
	s31 =	simm.s32 $0x7B80  }
0x5: {  	s0 =	sand.u32 $0x1, s0;
	[smem:$0x7FF] =	sst s3;
	s9 =	smul.u32 $0x50000, s10  }
0x6: {  	s14 =	smul.u32 $0x14000, s10;
	s4 =	sshll.u32 s0, $0x4;
	_ =	strace $0x8000004D  }
0x7: {  	s7 =	ssub.s32 $0x2, s0;
	s0 =	smul.u32 $0x140000, s0;
	s5 =	sor.u32 s10, s4  }
0x8: {  	s4 =	sadd.s32 $0x3A400, s1;
	s8 =	sshrl.u32 s7, $0x1;
	s24 =	sshrl.u32 s9, $0x2  }
0x9: {  	s25 =	sor.u32 $0x2800, s14;
	s26 =	sadd.s32 $0x5000, s14;
	s16 =	sadd.s32 $0x7800, s14  }
0xa: {  	s17 =	sadd.s32 $0xA000, s14;
	s18 =	sadd.s32 $0xC800, s14;
	s20 =	sadd.s32 $0xF000, s14  }
0xb: {  	s21 =	sadd.s32 $0x11800, s14;
	s6 =	smul.u32 $0x4E2, s5;
	s5 =	sshll.u32 s5, $0xB  }
0xc: {  	s15 =	ssub.s32 s7, s8;
	s7 =	sadd.s32 s24, s2;
	s8 =	sadd.s32 s25, s2  }
0xd: {  	s9 =	sadd.s32 s26, s2;
	s10 =	sadd.s32 s16, s2;
	s11 =	sadd.s32 s17, s2  }
0xe: {  	s12 =	sadd.s32 s18, s2;
	s13 =	sadd.s32 s20, s2;
	s19 =	sadd.s32 s14, s0  }
0xf: {  	s14 =	sadd.s32 s21, s2;
	s22 =	sadd.s32 s0, s17;
	s5 =	sadd.s32 s5, s1  }
0x10: {  	s19 =	sshrl.u32 s19, $0x3;
	s6 =	sadd.s32 s6, s1;
	s5 =	sadd.s32 $0x2A400, s5  }
0x11: {  	s1 =	sadd.s32 $0x62400, s1;
	s6 =	sadd.s32 $0xC600, s6;
	[dreg:$0x4] =	wrdreg s5  }
0x12: {  	s24 =	sshrl.u32 s22, $0x3;
	s19 =	sadd.s32 s1, s19;
	[dreg:$0x3] =	wrdreg s6  }
0x13: {  	s5 =	sadd.s32 s0, s25;
	s25 =	sadd.s32 s0, s18;
	[dreg:$0x5] =	wrdreg s19  }
0x14: {  	s5 =	sshrl.u32 s5, $0x3;
	s6 =	sadd.s32 s0, s26;
	s19 =	sadd.s32 s0, s16  }
0x15: {  	s26 =	sadd.s32 s0, s20;
	s0 =	sadd.s32 s0, s21;
	s5 =	sadd.s32 s1, s5  }
0x16: {  	s0 =	sshrl.u32 s0, $0x3;
	[dreg:$0x6] =	wrdreg s5;
	s5 =	sshrl.u32 s6, $0x3  }
0x17: {  	s6 =	sshrl.u32 s19, $0x3;
	s22 =	sadd.s32 s1, s0;
	s5 =	sadd.s32 s1, s5  }
0x18: {  	s0 =	simm.s32 $0x50;
	s23 =	sadd.s32 s1, s6;
	[dreg:$0x7] =	wrdreg s5  }
0x19: {  	s6 =	sshrl.u32 s26, $0x3;
	s26 =	simm.s32 $0x5;
	[dreg:$0x8] =	wrdreg s23  }
0x1a: {  	s5 =	sadd.s32 s1, s24;
	s21 =	sadd.s32 s1, s6;
	s23 =	smax.u32 s15, $0x1  }
0x1b: {  	s24 =	simm.s32 $0xA380;
	s6 =	simm.s32 $0x4;
	s15 =	simm.s32 $0x0  }
0x1c: {  	[dreg:$0x9] =	wrdreg s5;
	s5 =	sshrl.u32 s25, $0x3;
	s25 =	simm.s32 $0x6780  }
0x1d: {  	v0 =	vimm.f32 $0.0e+00;
	s20 =	sadd.s32 s1, s5;
	s1 =	simm.s32 $0x8F80;
	s5 =	simm.s32 $0x3  }
.LBB2_1:
0x1e: {  	s16 =	rddreg [dreg:$0x3]  }
0x1f: {  	[tilespmem:s3], [sflag:$0x1] =	stream.linear.gather [hbm4b:s16+s3], $0x2710, $0x38;
	[tilespmem:$0x1F780] =	vst v63  }
0x20: {  	s19 =	rddreg [dreg:$0x4];
	s17 =	simm.s32 $0x2780  }
0x21: {  	[tilespmem:s17], [sflag:$0x2] =	stream.linear.gather [hbm4b:s19+s3], $0x3E80, $0x38;
	[tilespmem:$0x1F780] =	vst v63  }
0x22: {  	s16 =	simm.s32 $0x0;
	s17 =	simm.s32 $0x200  }
.LBB2_2:
0x23: {  	p0 =	sne.s32 s17, $0x9E00;
	[tilespmem:s16+$0x67F0] =	vst v0  }
0x24: {  	[tilespmem:s16+$0x6780] =	vst v0  }
0x25: {  	[tilespmem:s16+$0x6790] =	vst v0  }
.Ltmp0:
0x26: {  	[tilespmem:s16+$0x67A0] =	vst v0;
	(pc) =	sbr.rel @p0 .LBB2_2-.Ltmp0, $4  }
0x27: {  	[tilespmem:s16+$0x67B0] =	vst v0  }
0x28: {  	[tilespmem:s16+$0x67C0] =	vst v0  }
0x29: {  	[tilespmem:s16+$0x67D0] =	vst v0  }
0x2a: {  	[tilespmem:s16+$0x67E0] =	vst v0;
	s16 =	sshra.s32 s17, $0x2;
	s17 =	sadd.s32 $0x200, s17  }
0x2b: {  	[tilespmem:s16+$0x67F0] =	vst v0  }
0x2c: {  	[tilespmem:s16+$0x6780] =	vst v0  }
0x2d: {  	[tilespmem:s16+$0x6790] =	vst v0  }
0x2e: {  	[tilespmem:s16+$0x67A0] =	vst v0  }
0x2f: {  	[tilespmem:s16+$0x67B0] =	vst v0  }
0x30: {  	[tilespmem:s16+$0x67C0] =	vst v0  }
0x31: {  	[tilespmem:s16+$0x67D0] =	vst v0  }
0x32: {  	[tilespmem:s16+$0x67E0] =	vst v0  }
0x33: {  	[spmem:s7] =	stream.linear.scatter [tilespmem:s25], [sflag:$0x5], $0x2800, $0x38;
	[tilespmem:$0x1F780] =	vst v63  }
0x34: {  	_ =	swait.ge [sflag:s26], $0x2800  }
0x35: {  	[sflag:s26] =	ssyncset.done $0x0  }
0x36: {  	[sflag:s26] =	ssyncadd.s32 $0xFFFFD800  }
0x37: {  	[spmem:s8] =	stream.linear.scatter [tilespmem:s25], [sflag:$0x5], $0x2800, $0x38;
	[tilespmem:$0x1F780] =	vst v63  }
0x38: {  	_ =	swait.ge [sflag:s26], $0x2800  }
0x39: {  	[sflag:s26] =	ssyncset.done $0x0  }
0x3a: {  	[sflag:s26] =	ssyncadd.s32 $0xFFFFD800  }
0x3b: {  	[spmem:s9] =	stream.linear.scatter [tilespmem:s25], [sflag:$0x5], $0x2800, $0x38;
	[tilespmem:$0x1F780] =	vst v63  }
0x3c: {  	_ =	swait.ge [sflag:s26], $0x2800  }
0x3d: {  	[sflag:s26] =	ssyncset.done $0x0  }
0x3e: {  	[sflag:s26] =	ssyncadd.s32 $0xFFFFD800  }
0x3f: {  	[spmem:s10] =	stream.linear.scatter [tilespmem:s25], [sflag:$0x5], $0x2800, $0x38;
	[tilespmem:$0x1F780] =	vst v63  }
0x40: {  	_ =	swait.ge [sflag:s26], $0x2800  }
0x41: {  	[sflag:s26] =	ssyncset.done $0x0  }
0x42: {  	[sflag:s26] =	ssyncadd.s32 $0xFFFFD800  }
0x43: {  	[spmem:s11] =	stream.linear.scatter [tilespmem:s25], [sflag:$0x5], $0x2800, $0x38;
	[tilespmem:$0x1F780] =	vst v63  }
0x44: {  	_ =	swait.ge [sflag:s26], $0x2800  }
0x45: {  	[sflag:s26] =	ssyncset.done $0x0  }
0x46: {  	[sflag:s26] =	ssyncadd.s32 $0xFFFFD800  }
0x47: {  	[spmem:s12] =	stream.linear.scatter [tilespmem:s25], [sflag:$0x5], $0x2800, $0x38;
	[tilespmem:$0x1F780] =	vst v63  }
0x48: {  	_ =	swait.ge [sflag:s26], $0x2800  }
0x49: {  	[sflag:s26] =	ssyncset.done $0x0  }
0x4a: {  	[sflag:s26] =	ssyncadd.s32 $0xFFFFD800  }
0x4b: {  	[spmem:s13] =	stream.linear.scatter [tilespmem:s25], [sflag:$0x5], $0x2800, $0x38;
	[tilespmem:$0x1F780] =	vst v63  }
0x4c: {  	_ =	swait.ge [sflag:s26], $0x2800  }
0x4d: {  	[sflag:s26] =	ssyncset.done $0x0  }
0x4e: {  	[sflag:s26] =	ssyncadd.s32 $0xFFFFD800  }
0x4f: {  	[spmem:s14] =	stream.linear.scatter [tilespmem:s25], [sflag:$0x5], $0x2800, $0x38;
	[tilespmem:$0x1F780] =	vst v63  }
0x50: {  	_ =	swait.ge [sflag:s26], $0x2800  }
0x51: {  	[sflag:s26] =	ssyncset.done $0x0  }
0x52: {  	[sflag:s26] =	ssyncadd.s32 $0xFFFFD800  }
0x53: {  	_ =	swait.ge [sflag:s28], $0x2710  }
0x54: {  	[sflag:s28] =	ssyncset.done $0x0  }
0x55: {  	[sflag:s28] =	ssyncadd.s32 $0xFFFFD8F0  }
0x56: {  	_ =	swait.ge [sflag:s29], $0x3E80  }
0x57: {  	[sflag:s29] =	ssyncset.done $0x0  }
0x58: {  	[sflag:s29] =	ssyncadd.s32 $0xFFFFC180  }
0x59: {  	s19 =	simm.s32 $0x0;
	[bflag:$0x0] =	sbarrier.arrive $0xFFFF  }
0x5a: {  	[tilespmem:s25], [sflag:$0x1] =	stream.indirect.gather [hbm4b:s4+s30], $0x80, s19, s30, $0xb8;
	[tilespmem:$0x1F780] =	vst v63  }
0x5b: {  	_ = 	snop  }
0x5c: {  	[tilespmem:s31], [sflag:$0x1] =	stream.indirect.gather [hbm4b:s4+s30], $0x80, s30, s30, $0xb8;
	[tilespmem:$0x1F780] =	vst v63  }
0x5d: {  	_ = 	snop  }
0x5e: {  	[tilespmem:s1], [sflag:$0x2] =	stream.indirect.gather [hbm4b:s4+s30], $0x80, s0, s30, $0xb8;
	[tilespmem:$0x1F780] =	vst v63  }
0x5f: {  	s17 =	simm.s32 $0x78  }
0x60: {  	[tilespmem:s24], [sflag:$0x2] =	stream.indirect.gather [hbm4b:s4+s30], $0x80, s17, s30, $0xb8;
	[tilespmem:$0x1F780] =	vst v63  }
0x61: {  	_ =	swait.ge [sflag:s28], $0x1400  }
0x62: {  	[sflag:s28] =	ssyncset.done $0x0  }
0x63: {  	[sflag:s28] =	ssyncadd.s32 $0xFFFFEC00  }
0x64: {  	_ =	swait.ge [sflag:s28], $0x1400  }
0x65: {  	[sflag:s28] =	ssyncset.done $0x0  }
0x66: {  	s18 =	simm.s32 $0x2780;
	[sflag:s28] =	ssyncadd.s32 $0xFFFFEC00  }
0x67: {  	[spmem:s2] =	stream.indirect.scatter.add.f32 [tilespmem:s25], [sflag:$0x3], $0x80, s18, s0, $0xb8;
	[tilespmem:$0x1F780] =	vst v63  }
0x68: {  	_ =	swait.ge [sflag:s29], $0x1400  }
0x69: {  	[sflag:s29] =	ssyncset.done $0x0  }
0x6a: {  	[sflag:s29] =	ssyncadd.s32 $0xFFFFEC00  }
0x6b: {  	_ =	swait.ge [sflag:s29], $0x1400  }
0x6c: {  	[sflag:s29] =	ssyncset.done $0x0  }
0x6d: {  	s19 =	simm.s32 $0x2800;
	[sflag:s29] =	ssyncadd.s32 $0xFFFFEC00  }
0x6e: {  	[spmem:s2] =	stream.indirect.scatter.add.f32 [tilespmem:s1], [sflag:$0x4], $0x80, s19, s0, $0xb8;
	[tilespmem:$0x1F780] =	vst v63  }
0x6f: {  	_ =	swait.ge [sflag:s5], $0x2800  }
0x70: {  	[sflag:s5] =	ssyncset.done $0x0  }
0x71: {  	s17 =	simm.s32 $0xA0;
	[sflag:s5] =	ssyncadd.s32 $0xFFFFD800  }
0x72: {  	[tilespmem:s25], [sflag:$0x1] =	stream.indirect.gather [hbm4b:s4+s30], $0x80, s17, s30, $0xb8;
	[tilespmem:$0x1F780] =	vst v63  }
0x73: {  	s18 =	simm.s32 $0xC8  }
0x74: {  	[tilespmem:s31], [sflag:$0x1] =	stream.indirect.gather [hbm4b:s4+s30], $0x80, s18, s30, $0xb8;
	[tilespmem:$0x1F780] =	vst v63  }
0x75: {  	_ =	swait.ge [sflag:s6], $0x2800  }
0x76: {  	s16 =	simm.s32 $0x280;
	s19 =	simm.s32 $0xF0;
	[sflag:s6] =	ssyncset.done $0x0  }
0x77: {  	s17 =	simm.s32 $0x2900;
	s18 =	simm.s32 $0x118;
	[sflag:s6] =	ssyncadd.s32 $0xFFFFD800  }
0x78: {  	[tilespmem:s1], [sflag:$0x2] =	stream.indirect.gather [hbm4b:s4+s30], $0x80, s19, s30, $0xb8;
	[tilespmem:$0x1F780] =	vst v63  }
.LBB2_4:
0x79: {  	[tilespmem:s24], [sflag:$0x2] =	stream.indirect.gather [hbm4b:s4+s30], $0x80, s18, s30, $0xb8;
	[tilespmem:$0x1F780] =	vst v63  }
0x7a: {  	s18 =	smov.u32 s16  }
0x7b: {  	p0 =	sne.s32 s16, $0x9600;
	s16 =	sadd.s32 $0x280, s16;
	_ =	swait.ge [sflag:s28], $0x1400  }
0x7c: {  	[sflag:s28] =	ssyncset.done $0x0  }
0x7d: {  	[sflag:s28] =	ssyncadd.s32 $0xFFFFEC00  }
0x7e: {  	_ =	swait.ge [sflag:s28], $0x1400  }
0x7f: {  	[sflag:s28] =	ssyncset.done $0x0  }
0x80: {  	s19 =	sadd.s32 $0xFFFFFF80, s17;
	[sflag:s28] =	ssyncadd.s32 $0xFFFFEC00  }
0x81: {  	[spmem:s2] =	stream.indirect.scatter.add.f32 [tilespmem:s25], [sflag:$0x3], $0x80, s19, s0, $0xb8;
	[tilespmem:$0x1F780] =	vst v63  }
0x82: {  	_ =	swait.ge [sflag:s29], $0x1400  }
0x83: {  	[sflag:s29] =	ssyncset.done $0x0  }
0x84: {  	[sflag:s29] =	ssyncadd.s32 $0xFFFFEC00  }
0x85: {  	_ =	swait.ge [sflag:s29], $0x1400  }
0x86: {  	[sflag:s29] =	ssyncset.done $0x0  }
0x87: {  	[sflag:s29] =	ssyncadd.s32 $0xFFFFEC00  }
0x88: {  	[spmem:s2] =	stream.indirect.scatter.add.f32 [tilespmem:s1], [sflag:$0x4], $0x80, s17, s0, $0xb8;
	[tilespmem:$0x1F780] =	vst v63  }
0x89: {  	_ =	swait.ge [sflag:s5], $0x2800  }
0x8a: {  	s18 =	sshra.s32 s18, $0x2;
	[sflag:s5] =	ssyncset.done $0x0  }
0x8b: {  	s19 =	sadd.s32 $0xA0, s18;
	[sflag:s5] =	ssyncadd.s32 $0xFFFFD800  }
0x8c: {  	[tilespmem:s25], [sflag:$0x1] =	stream.indirect.gather [hbm4b:s4+s30], $0x80, s19, s30, $0xb8;
	[tilespmem:$0x1F780] =	vst v63  }
0x8d: {  	s19 =	sadd.s32 $0xC8, s18  }
0x8e: {  	[tilespmem:s31], [sflag:$0x1] =	stream.indirect.gather [hbm4b:s4+s30], $0x80, s19, s30, $0xb8;
	[tilespmem:$0x1F780] =	vst v63  }
.Ltmp1:
0x8f: {  	_ =	swait.ge [sflag:s6], $0x2800;
	(pc) =	sbr.rel @p0 .LBB2_4-.Ltmp1, $4  }
0x90: {  	[sflag:s6] =	ssyncset.done $0x0  }
0x91: {  	s19 =	sadd.s32 $0xF0, s18;
	[sflag:s6] =	ssyncadd.s32 $0xFFFFD800  }
0x92: {  	[tilespmem:s1], [sflag:$0x2] =	stream.indirect.gather [hbm4b:s4+s30], $0x80, s19, s30, $0xb8;
	[tilespmem:$0x1F780] =	vst v63  }
0x93: {  	s17 =	sadd.s32 $0x100, s17;
	s18 =	sadd.s32 $0x118, s18  }
0x94: {  	[tilespmem:s24], [sflag:$0x2] =	stream.indirect.gather [hbm4b:s4+s30], $0x80, s18, s30, $0xb8;
	[tilespmem:$0x1F780] =	vst v63  }
0x95: {  	_ =	swait.ge [sflag:s28], $0x1400  }
0x96: {  	[sflag:s28] =	ssyncset.done $0x0  }
0x97: {  	[sflag:s28] =	ssyncadd.s32 $0xFFFFEC00  }
0x98: {  	_ =	swait.ge [sflag:s28], $0x1400  }
0x99: {  	[sflag:s28] =	ssyncset.done $0x0  }
0x9a: {  	s16 =	simm.s32 $0x6480;
	[sflag:s28] =	ssyncadd.s32 $0xFFFFEC00  }
0x9b: {  	[spmem:s2] =	stream.indirect.scatter.add.f32 [tilespmem:s25], [sflag:$0x3], $0x80, s16, s0, $0xb8;
	[tilespmem:$0x1F780] =	vst v63  }
0x9c: {  	_ =	swait.ge [sflag:s29], $0x1400  }
0x9d: {  	[sflag:s29] =	ssyncset.done $0x0  }
0x9e: {  	[sflag:s29] =	ssyncadd.s32 $0xFFFFEC00  }
0x9f: {  	_ =	swait.ge [sflag:s29], $0x1400  }
0xa0: {  	[sflag:s29] =	ssyncset.done $0x0  }
0xa1: {  	s17 =	simm.s32 $0x6500;
	[sflag:s29] =	ssyncadd.s32 $0xFFFFEC00  }
0xa2: {  	[spmem:s2] =	stream.indirect.scatter.add.f32 [tilespmem:s1], [sflag:$0x4], $0x80, s17, s0, $0xb8;
	[tilespmem:$0x1F780] =	vst v63  }
0xa3: {  	_ =	swait.ge [sflag:s5], $0x2800  }
0xa4: {  	[sflag:s5] =	ssyncset.done $0x0  }
0xa5: {  	s18 =	simm.s32 $0x26C0;
	[sflag:s5] =	ssyncadd.s32 $0xFFFFD800  }
0xa6: {  	[tilespmem:s25], [sflag:$0x1] =	stream.indirect.gather [hbm4b:s4+s30], $0x80, s18, s30, $0xb8;
	[tilespmem:$0x1F780] =	vst v63  }
0xa7: {  	s19 =	simm.s32 $0x26E8  }
0xa8: {  	[tilespmem:s31], [sflag:$0x1] =	stream.indirect.gather [hbm4b:s4+s30], $0x80, s19, s30, $0xb8;
	[tilespmem:$0x1F780] =	vst v63  }
0xa9: {  	_ =	swait.ge [sflag:s28], $0x1400  }
0xaa: {  	[sflag:s28] =	ssyncset.done $0x0  }
0xab: {  	[sflag:s28] =	ssyncadd.s32 $0xFFFFEC00  }
0xac: {  	_ =	swait.ge [sflag:s28], $0x1400  }
0xad: {  	[sflag:s28] =	ssyncset.done $0x0  }
0xae: {  	s17 =	simm.s32 $0x6580;
	[sflag:s28] =	ssyncadd.s32 $0xFFFFEC00  }
0xaf: {  	[spmem:s2] =	stream.indirect.scatter.add.f32 [tilespmem:s25], [sflag:$0x3], $0x80, s17, s0, $0xb8;
	[tilespmem:$0x1F780] =	vst v63  }
0xb0: {  	_ =	swait.ge [sflag:s5], $0x2800  }
0xb1: {  	[sflag:s5] =	ssyncset.done $0x0  }
0xb2: {  	[sflag:s5] =	ssyncadd.s32 $0xFFFFD800  }
0xb3: {  	_ =	swait.ge [sflag:s6], $0x2800  }
0xb4: {  	[sflag:s6] =	ssyncset.done $0x0  }
0xb5: {  	[sflag:s6] =	ssyncadd.s32 $0xFFFFD800  }
0xb6: {  	[bflag:$0x0] =	sbarrier.arrive $0xFFFF  }
0xb7: {  	[tilespmem:s25], [sflag:$0x5] =	stream.linear.gather [spmem:s7], $0x2800, $0x38;
	[tilespmem:$0x1F780] =	vst v63  }
0xb8: {  	_ =	swait.ge [sflag:s26], $0x2800  }
0xb9: {  	[sflag:s26] =	ssyncset.done $0x0  }
0xba: {  	s18 =	rddreg [dreg:$0x5];
	[sflag:s26] =	ssyncadd.s32 $0xFFFFD800  }
0xbb: {  	[hbm4b:s18+s3] =	stream.linear.scatter [tilespmem:s25], [sflag:$0x5], $0x2800, $0x38;
	[tilespmem:$0x1F780] =	vst v63  }
0xbc: {  	_ =	swait.ge [sflag:s26], $0x2800  }
0xbd: {  	[sflag:s26] =	ssyncset.done $0x0  }
0xbe: {  	[sflag:s26] =	ssyncadd.s32 $0xFFFFD800  }
0xbf: {  	[tilespmem:s25], [sflag:$0x5] =	stream.linear.gather [spmem:s8], $0x2800, $0x38;
	[tilespmem:$0x1F780] =	vst v63  }
0xc0: {  	_ =	swait.ge [sflag:s26], $0x2800  }
0xc1: {  	[sflag:s26] =	ssyncset.done $0x0  }
0xc2: {  	s19 =	rddreg [dreg:$0x6];
	[sflag:s26] =	ssyncadd.s32 $0xFFFFD800  }
0xc3: {  	[hbm4b:s19+s3] =	stream.linear.scatter [tilespmem:s25], [sflag:$0x5], $0x2800, $0x38;
	[tilespmem:$0x1F780] =	vst v63  }
0xc4: {  	_ =	swait.ge [sflag:s26], $0x2800  }
0xc5: {  	[sflag:s26] =	ssyncset.done $0x0  }
0xc6: {  	[sflag:s26] =	ssyncadd.s32 $0xFFFFD800  }
0xc7: {  	[tilespmem:s25], [sflag:$0x5] =	stream.linear.gather [spmem:s9], $0x2800, $0x38;
	[tilespmem:$0x1F780] =	vst v63  }
0xc8: {  	_ =	swait.ge [sflag:s26], $0x2800  }
0xc9: {  	[sflag:s26] =	ssyncset.done $0x0  }
0xca: {  	s17 =	rddreg [dreg:$0x7];
	[sflag:s26] =	ssyncadd.s32 $0xFFFFD800  }
0xcb: {  	[hbm4b:s17+s3] =	stream.linear.scatter [tilespmem:s25], [sflag:$0x5], $0x2800, $0x38;
	[tilespmem:$0x1F780] =	vst v63  }
0xcc: {  	_ =	swait.ge [sflag:s26], $0x2800  }
0xcd: {  	[sflag:s26] =	ssyncset.done $0x0  }
0xce: {  	[sflag:s26] =	ssyncadd.s32 $0xFFFFD800  }
0xcf: {  	[tilespmem:s25], [sflag:$0x5] =	stream.linear.gather [spmem:s10], $0x2800, $0x38;
	[tilespmem:$0x1F780] =	vst v63  }
0xd0: {  	_ =	swait.ge [sflag:s26], $0x2800  }
0xd1: {  	[sflag:s26] =	ssyncset.done $0x0  }
0xd2: {  	s18 =	rddreg [dreg:$0x8];
	[sflag:s26] =	ssyncadd.s32 $0xFFFFD800  }
0xd3: {  	[hbm4b:s18+s3] =	stream.linear.scatter [tilespmem:s25], [sflag:$0x5], $0x2800, $0x38;
	[tilespmem:$0x1F780] =	vst v63  }
0xd4: {  	_ =	swait.ge [sflag:s26], $0x2800  }
0xd5: {  	[sflag:s26] =	ssyncset.done $0x0  }
0xd6: {  	[sflag:s26] =	ssyncadd.s32 $0xFFFFD800  }
0xd7: {  	[tilespmem:s25], [sflag:$0x5] =	stream.linear.gather [spmem:s11], $0x2800, $0x38;
	[tilespmem:$0x1F780] =	vst v63  }
0xd8: {  	_ =	swait.ge [sflag:s26], $0x2800  }
0xd9: {  	[sflag:s26] =	ssyncset.done $0x0  }
0xda: {  	s19 =	rddreg [dreg:$0x9];
	[sflag:s26] =	ssyncadd.s32 $0xFFFFD800  }
0xdb: {  	[hbm4b:s19+s3] =	stream.linear.scatter [tilespmem:s25], [sflag:$0x5], $0x2800, $0x38;
	[tilespmem:$0x1F780] =	vst v63  }
0xdc: {  	_ =	swait.ge [sflag:s26], $0x2800  }
0xdd: {  	[sflag:s26] =	ssyncset.done $0x0  }
0xde: {  	[sflag:s26] =	ssyncadd.s32 $0xFFFFD800  }
0xdf: {  	[tilespmem:s25], [sflag:$0x5] =	stream.linear.gather [spmem:s12], $0x2800, $0x38;
	[tilespmem:$0x1F780] =	vst v63  }
0xe0: {  	_ =	swait.ge [sflag:s26], $0x2800  }
0xe1: {  	[sflag:s26] =	ssyncset.done $0x0  }
0xe2: {  	[sflag:s26] =	ssyncadd.s32 $0xFFFFD800  }
0xe3: {  	[hbm4b:s20+s3] =	stream.linear.scatter [tilespmem:s25], [sflag:$0x5], $0x2800, $0x38;
	[tilespmem:$0x1F780] =	vst v63  }
0xe4: {  	_ =	swait.ge [sflag:s26], $0x2800  }
0xe5: {  	[sflag:s26] =	ssyncset.done $0x0  }
0xe6: {  	[sflag:s26] =	ssyncadd.s32 $0xFFFFD800  }
0xe7: {  	[tilespmem:s25], [sflag:$0x5] =	stream.linear.gather [spmem:s13], $0x2800, $0x38;
	[tilespmem:$0x1F780] =	vst v63  }
0xe8: {  	_ =	swait.ge [sflag:s26], $0x2800  }
0xe9: {  	[sflag:s26] =	ssyncset.done $0x0  }
0xea: {  	[sflag:s26] =	ssyncadd.s32 $0xFFFFD800  }
0xeb: {  	[hbm4b:s21+s3] =	stream.linear.scatter [tilespmem:s25], [sflag:$0x5], $0x2800, $0x38;
	[tilespmem:$0x1F780] =	vst v63  }
0xec: {  	_ =	swait.ge [sflag:s26], $0x2800  }
0xed: {  	[sflag:s26] =	ssyncset.done $0x0  }
0xee: {  	[sflag:s26] =	ssyncadd.s32 $0xFFFFD800  }
0xef: {  	[tilespmem:s25], [sflag:$0x5] =	stream.linear.gather [spmem:s14], $0x2800, $0x38;
	[tilespmem:$0x1F780] =	vst v63  }
0xf0: {  	s15 =	sadd.s32 $0x1, s15;
	_ =	swait.ge [sflag:s26], $0x2800  }
0xf1: {  	p0 =	sne.s32 s15, s23;
	[sflag:s26] =	ssyncset.done $0x0  }
.Ltmp2:
0xf2: {  	[sflag:s26] =	ssyncadd.s32 $0xFFFFD800;
	(pc) =	sbr.rel @p0 .LBB2_1-.Ltmp2, $4  }
0xf3: {  	[hbm4b:s22+s3] =	stream.linear.scatter [tilespmem:s25], [sflag:$0x5], $0x2800, $0x38;
	[tilespmem:$0x1F780] =	vst v63  }
0xf4: {  	_ =	swait.ge [sflag:s26], $0x2800  }
0xf5: {  	[sflag:s26] =	ssyncset.done $0x0  }
0xf6: {  	[sflag:s26] =	ssyncadd.s32 $0xFFFFD800  }
0xf7: {  	_ =	sfence.sel $0x180000  }
0xf8: {  	[bflag:$0x0] =	sbarrier.arrive $0xFFFF  }
0xf9: {  	_ =	strace $0x9000004D  }
0xfa: {  	s0 =	stileid.u32;
	[bflag:$0x2] =	sbarrier.arrive $0xFFFF  }
0xfb: {  	p0 =	sne.s32 s0, $0x0;
	s0 =	rddreg [dreg:$0x2]  }
0xfc: {  	s0 =	sadd.s32 @!p0 $0x100000, s0  }
0xfd: {  	[sflag:s0] =	ssyncadd.tile.s32 @!p0 $0x1;
	_ =	shalt  }
.Lfunc_end2:
_tile_overlayer_lowered:
.L_overlay_start_2:
0xfe: {  	(tag) =	ssettag $0x2  }
0xff: {  	s0 =	rddreg [dreg:$0x0];
	s2 =	stileid.u32  }
0x100: {  	s1 =	rddreg [dreg:$0x1];
	p0 =	sne.s32 s2, $0x0  }
0x101: {  	s3 =	rddreg [dreg:$0x2];
	[bflag:$0x3] =	sbarrier.arrive $0xFFFF;
	s2 =	simm.s32 @!p0 $0x1C05  }
0x102: {  	[timem:s3], [sflag:s2] =	dma.local @!p0 [hbm:s0], s1  }
0x103: {  	s0 =	simm.s32 @!p0 $0x5  }
0x104: {  	_ =	swait.ge @!p0 [sflag:s0], s1  }
0x105: {  	s1 =	ssub.s32 @!p0 $0x0, s1;
	[sflag:s0] =	ssyncset.done @!p0 $0x0  }
0x106: {  	[sflag:s0] =	ssyncadd.s32 @!p0 s1  }
0x107: {  	[bflag:$0x3] =	sbarrier.arrive $0xFFFF  }
0x108: {  	_ =	shalt  }

// kernel: kernel.8.cloned.1.call-start
scs
__scs_entry_jumppad:
0x0: {  	(pc) =	sbr.rel $0x88, $3  }
0x1: {  	(tag) =	ssettag $0x0;
	lr =	simm.s32 $0x1  }
0x2: {  	[smem:$0x3F99] =	sst lr;
	_ =	strace $0xD0000000  }
0x3: {  	_ = 	snop  }
0x4: {  	_ = 	snop  }
0x5: {  	_ = 	snop  }
0x6: {  	_ = 	snop  }
0x7: {  	_ = 	snop  }
__scs_overlays_trampoline_lowered:
0x8: {  	[smem:$0x3FA8] =	sst s0  }
0x9: {  	[smem:$0x3FA9] =	sst s1  }
0xa: {  	[smem:$0x3FAA] =	sst s2  }
0xb: {  	[smem:$0x3FAB] =	sst s3  }
0xc: {  	[smem:$0x3FAC] =	sst s4  }
0xd: {  	[smem:$0x3FAD] =	sst s5  }
0xe: {  	[smem:$0x3FAE] =	sst s6  }
0xf: {  	[smem:$0x3FAF] =	sst s7  }
0x10: {  	[smem:$0x3FB0] =	sst s8  }
0x11: {  	[smem:$0x3FB1] =	sst s9;
	s0 =	simm.s32 @!p0 $0x0  }
0x12: {  	s1 =	sld [smem:$0x3F97];
	s0 =	simm.s32 @p0 $0x1  }
0x13: {  	[smem:$0x3FB2] =	sst s0;
	s0 =	simm.s32 @!p1 $0x0  }
0x14: {  	s2 =	sld [smem:$0x3F96];
	s0 =	simm.s32 @p1 $0x1  }
0x15: {  	[smem:$0x3FB3] =	sst s0;
	s0 =	simm.s32 @!p2 $0x0  }
0x16: {  	s3 =	sld [smem:$0x3FDB];
	s0 =	simm.s32 @p2 $0x1  }
0x17: {  	s4 =	simm.s32 $0x1BF5;
	[smem:$0x3FB5] =	sst s0  }
0x18: {  	s0 =	sld [smem:$0x3F98];
	_ =	swait.ge [sflag:s4], $0x0  }
0x19: {  	s7 =	sld [smem:$0x3F99]  }
0x1a: {  	s8 =	sadd.s32 $0xFFFFE003, lr  }
0x1b: {  	s9 =	sadd.s32 $0xFFFFFEF7, lr;
	s5 =	simm.s32 $0xFFFFFFFF;
	p2 =	slt.u32 s8, $0xFFFFF086  }
0x1c: {  	p1 =	slt.u32 s9, $0xF7A;
	s5 =	simm.s32 @!p2 $0x0  }
0x1d: {  	s5 =	simm.s32 @p1 $0x1;
	p0 =	seq.s32 s7, s2  }
0x1e: {  	s7 =	smul.u32 @!p0 $0xF7A, s2;
	p2 =	seq.s32 @!p0 s5, $0x0  }
0x1f: {  	s9 =	smul.u32 $0xF7A, s1;
	s8 =	simm.s32 @!p0 $0x1BF5;
	p2 =	por !p2, p0  }
0x20: {  	[sflag:s8] =	ssyncset.s32 @!p0 $0xFFFFF086;
	s6 =	sadd.s32 @!p0 s3, s7;
	s7 =	simm.s32 @!p0 $0x108  }
0x21: {  	s3 =	sadd.s32 s3, s9;
	s6 =	sadd.s32 @!p0 $0x88, s6;
	s7 =	simm.s32 @p2 $0x1082  }
0x22: {  	[simem:s7], [sflag:s8] =	dma.local @!p0 [hbm:s6], $0xF7A  }
0x23: {  	s9 =	sor.u32 $0xD0000000, s2;
	s6 =	simm.s32 $0x108;
	_ =	swait.ge @!p0 [sflag:s8], $0x0  }
0x24: {  	s3 =	sadd.s32 $0x88, s3;
	s6 =	simm.s32 @!p1 $0x1082;
	[sflag:s4] =	ssyncset.s32 $0xFFFFF086  }
0x25: {  	[simem:s6], [sflag:s4] =	dma.local [hbm:s3], $0xF7A  }
0x26: {  	[smem:$0x3F99] =	sst s1;
	(tag) =	ssettag s2;
	_ =	strace s9  }
0x27: {  	s1 =	sld [smem:$0x3FA9]  }
0x28: {  	s2 =	sld [smem:$0x3FAA]  }
0x29: {  	s4 =	sld [smem:$0x3FAC]  }
0x2a: {  	p0 =	seq.s32 s5, $0x0;
	s5 =	sld [smem:$0x3FAD]  }
0x2b: {  	s6 =	sld [smem:$0x3FAE]  }
0x2c: {  	s7 =	sld [smem:$0x3FAF]  }
0x2d: {  	s3 =	simm.s32 $0x108;
	s8 =	sld [smem:$0x3FB0]  }
0x2e: {  	s3 =	simm.s32 @!p0 $0x1082;
	s9 =	sld [smem:$0x3FB1]  }
0x2f: {  	lr =	sadd.s32 s0, s3;
	s0 =	sld [smem:$0x3FA8]  }
0x30: {  	s3 =	sld [smem:$0x3FAB]  }
0x31: {  	[smem:$0x3FB4] =	sst s10  }
0x32: {  	s10 =	sld [smem:$0x3FB2];
	_ =	sdelay $0x3  }
0x33: {  	p0 =	seq.s32 s10, $0x1;
	s10 =	sld [smem:$0x3FB4];
	_ =	sdelay $0x3  }
0x34: {  	[smem:$0x3FB4] =	sst s10  }
0x35: {  	s10 =	sld [smem:$0x3FB3];
	_ =	sdelay $0x3  }
0x36: {  	p1 =	seq.s32 s10, $0x1;
	s10 =	sld [smem:$0x3FB4];
	_ =	sdelay $0x3  }
0x37: {  	[smem:$0x3FB4] =	sst s10  }
0x38: {  	s10 =	sld [smem:$0x3FB5]  }
0x39: {  	_ = 	snop;
	(pc) =	sbr.ind lr, $3  }
0x3a: {  	_ = 	snop  }
0x3b: {  	_ = 	snop  }
0x3c: {  	p2 =	seq.s32 s10, $0x1;
	s10 =	sld [smem:$0x3FB4]  }
0x3d: {  	_ =	shalt  }
0x3e: {  	_ =	shalt  }
0x3f: {  	_ =	shalt  }
0x40: {  	_ =	shalt  }
0x41: {  	_ =	shalt  }
0x42: {  	_ =	shalt  }
0x43: {  	_ =	shalt  }
0x44: {  	_ =	shalt  }
0x45: {  	_ =	shalt  }
0x46: {  	_ =	shalt  }
0x47: {  	_ =	shalt  }
0x48: {  	_ =	shalt  }
0x49: {  	_ =	shalt  }
0x4a: {  	_ =	shalt  }
0x4b: {  	_ =	shalt  }
0x4c: {  	_ =	shalt  }
0x4d: {  	_ =	shalt  }
0x4e: {  	_ =	shalt  }
0x4f: {  	_ =	shalt  }
0x50: {  	_ =	shalt  }
0x51: {  	_ =	shalt  }
0x52: {  	_ =	shalt  }
0x53: {  	_ =	shalt  }
0x54: {  	_ =	shalt  }
0x55: {  	_ =	shalt  }
0x56: {  	_ =	shalt  }
0x57: {  	_ =	shalt  }
0x58: {  	_ =	shalt  }
0x59: {  	_ =	shalt  }
0x5a: {  	_ =	shalt  }
0x5b: {  	_ =	shalt  }
0x5c: {  	_ =	shalt  }
0x5d: {  	_ =	shalt  }
0x5e: {  	_ =	shalt  }
0x5f: {  	_ =	shalt  }
0x60: {  	_ =	shalt  }
0x61: {  	_ =	shalt  }
0x62: {  	_ =	shalt  }
0x63: {  	_ =	shalt  }
0x64: {  	_ =	shalt  }
0x65: {  	_ =	shalt  }
0x66: {  	_ =	shalt  }
0x67: {  	_ =	shalt  }
0x68: {  	_ =	shalt  }
0x69: {  	_ =	shalt  }
0x6a: {  	_ =	shalt  }
0x6b: {  	_ =	shalt  }
0x6c: {  	_ =	shalt  }
0x6d: {  	_ =	shalt  }
0x6e: {  	_ =	shalt  }
0x6f: {  	_ =	shalt  }
0x70: {  	_ =	shalt  }
0x71: {  	_ =	shalt  }
0x72: {  	_ =	shalt  }
0x73: {  	_ =	shalt  }
0x74: {  	_ =	shalt  }
0x75: {  	_ =	shalt  }
0x76: {  	_ =	shalt  }
0x77: {  	_ =	shalt  }
0x78: {  	_ =	shalt  }
0x79: {  	_ =	shalt  }
0x7a: {  	_ =	shalt  }
0x7b: {  	_ =	shalt  }
0x7c: {  	_ =	shalt  }
0x7d: {  	_ =	shalt  }
0x7e: {  	_ =	shalt  }
0x7f: {  	_ =	shalt  }
0x80: {  	_ =	shalt  }
0x81: {  	_ =	shalt  }
0x82: {  	_ =	shalt  }
0x83: {  	_ =	shalt  }
0x84: {  	_ =	shalt  }
0x85: {  	_ =	shalt  }
0x86: {  	_ =	shalt  }
0x87: {  	_ =	shalt  }
.Lfunc_end0:
.L_simem_size_0:
called_computation_lowered:
.L_overlay_start_0:
0x88: {  	s2 =	sld [smem:$0x3FD9]  }
0x89: {  	s3 =	sld [smem:$0x3FFE];
	_ =	sdelay $0x1  }
0x8a: {  	s1 =	srdreg.scid  }
0x8b: {  	s0 =	sand.u32 $0x1, s1  }
0x8c: {  	s16 =	sshll.u32 s0, $0xA;
	s2 =	sadd.s32 s3, s2  }
0x8d: {  	s2 =	sadd.s32 s2, s16  }
0x8e: {  	[smem:$0x3FC0] =	sst s2  }
0x8f: {  	_ = 	snop  }
0x90: {  	(tm) =	ssettm $0x1  }
0x91: {  	s17 =	sld [smem:$0x3FFB];
	_ =	sdelay $0x3  }
0x92: {  	_ =	strace s17  }
0x93: {  	s2 =	sld [smem:$0x3FFC];
	_ =	sdelay $0x3  }
0x94: {  	_ =	strace s2  }
0x95: {  	s2 =	sld [smem:$0x3FFD];
	_ =	sdelay $0x3  }
0x96: {  	_ =	strace s2  }
0x97: {  	_ =	strace $0x8FFFFFFF  }
0x98: {  	s18 =	sld [smem:$0x3FDB];
	_ =	sdelay $0x1  }
0x99: {  	s19 =	simm.s32 $_scs_section_size  }
0x9a: {  	s4 =	simm.s32 $_size__tile_overlayer_lowered;
	s5 =	simm.s32 $_tile_overlayer_lowered  }
0x9b: {  	s22 =	simm.s32 $0x1BFF;
	s21 =	sshll.u32 s5, $0x1;
	s2 =	sadd.s32 s19, s18  }
0x9c: {  	s6 =	simm.s32 $0x0;
	s20 =	sshll.u32 s4, $0x1;
	s4 =	sadd.s32 s21, s2  }
0x9d: {  	[timem:s6], [sflag:s22] =	dma.local [hbm:s4], s20  }
0x9e: {  	_ =	swait.ge [sflag:s22], s20  }
0x9f: {  	s3 =	ssub.s32 $0x0, s20;
	[sflag:s22] =	ssyncset.done $0x0  }
0xa0: {  	[sflag:s22] =	ssyncadd.s32 s3;
	_ =	sdelay $0x1  }
0xa1: {  	s23 =	simm.s32 $0x1B8B  }
0xa2: {  	_ =	swait.ge [sflag:s23], $0x1  }
0xa3: {  	[sflag:s23] =	ssyncset.done $0x0  }
0xa4: {  	s25 =	simm.s32 $0x1B8E;
	s24 =	sld [smem:$0x3FFE];
	[sflag:s23] =	ssyncadd.s32 $0xFFFFFFFF  }
0xa5: {  	s26 =	simm.s32 $execute0_lowered;
	[smem:$0x3FD2] =	sst s25  }
0xa6: {  	s4 =	sshll.u32 s26, $0x1;
	_ =	strace $0x80000046;
	[dreg:$0x1] =	wrdreg $0xFFFFFFFF  }
0xa7: {  	s28 =	simm.s32 $_size_execute0_lowered;
	s2 =	sadd.s32 s2, s4;
	[dreg:$0x0] =	wrdreg $0x0  }
0xa8: {  	s4 =	sshll.u32 s28, $0x1;
	[dreg:$0x2] =	wrdreg s2  }
0xa9: {  	[dreg:$0x3] =	wrdreg s4  }
0xaa: {  	[dreg:$0x4] =	wrdreg $0xC0  }
0xab: {  	_ =	task [dreg:s6], $0x5FFFF  }
0xac: {  	[dreg:$0x1] =	wrdreg $0xFFFFFFFF  }
0xad: {  	[dreg:$0x0] =	wrdreg $0x60  }
0xae: {  	[dreg:$0x2] =	wrdreg s24  }
0xaf: {  	[dreg:$0x3] =	wrdreg $0x9  }
0xb0: {  	_ =	task.clear_ibuf [dreg:s6], $0x4FFFF;
	_ =	strace $0x90000046  }
0xb1: {  	s29 =	simm.s32 $0x9;
	_ =	strace $0x80000048  }
0xb2: {  	_ =	swait.ge [sflag:s29], $0x1  }
0xb3: {  	[sflag:s29] =	ssyncadd.s32 $0xFFFFFFFF  }
0xb4: {  	_ =	strace $0x90000048  }
0xb5: {  	_ =	sfence  }
0xb6: {  	s30 =	sld [smem:$0x0];
	_ =	sdelay $0x2  }
0xb7: {  	s31 =	sshll.u32 s1, $0xD;
	s1 =	sshrl.u32 s1, $0x2  }
0xb8: {  	s3 =	sand.u32 $0x4000, s31;
	s1 =	sadd.s32 s1, s30  }
0xb9: {  	s0 =	sor.u32 s3, s0;
	s1 =	sshll.u32 s1, $0x11  }
0xba: {  	s0 =	sor.u32 s1, s0  }
0xbb: {  	s0 =	sadd.s32 $0x8F2B, s0  }
0xbc: {  	[sflag:s0] =	ssyncadd.remote.s32 $0x1  }
0xbd: {  	_ =	sfence.sel $0xFFFF  }
0xbe: {  	[dreg:$0x0] =	wrdreg $0xFFFFFFFF;
	(pc) =	sbr.abs _section_cstart, $3  }
0xbf: {  	[dreg:$0x1] =	wrdreg $0xFFFFFFFF  }
0xc0: {  	_ =	task.clear_ibuf [dreg:s6], $0x2FFFF;
	_ =	strace $0x9FFFFFFF  }
0xc1: {  	(tm) =	ssettm $0x7FFFFFFF  }
tec
execute0_lowered:
.L_overlay_start_1:
0x0: {  	(tag) =	ssettag $0x1  }
0x1: {  	s0 =	srdreg.scid;
	s5 =	rddreg [dreg:$0x0];
	s2 =	simm.s32 $0x0  }
0x2: {  	s8 =	simm.s32 $0x2780;
	s9 =	simm.s32 $0x1;
	s10 =	simm.s32 $0x2  }
0x3: {  	s11 =	simm.s32 $0x4F00;
	s12 =	simm.s32 $0x7700;
	s3 =	sand.u32 $0x1, s0  }
0x4: {  	s13 =	simm.s32 $0x80;
	s0 =	stileid.u32;
	s1 =	sshll.u32 s3, $0x4  }
0x5: {  	s14 =	simm.s32 $0x400;
	s15 =	simm.s32 $0x3;
	s4 =	sor.u32 s0, s1  }
0x6: {  	s16 =	simm.s32 $0x0;
	[smem:$0x7FF] =	sst s2;
	s1 =	sshrl.u32 s4, $0x3  }
0x7: {  	s7 =	sshll.u32 s0, $0x7;
	s3 =	ssub.s32 $0x2, s3;
	s6 =	smul.u32 $0x14000, s1  }
0x8: {  	s7 =	sand.u32 $0x380, s7;
	s30 =	sshrl.u32 s3, $0x1;
	s4 =	smul.u32 $0x4E2, s4  }
0x9: {  	s31 =	ssub.s32 s3, s30;
	s1 =	rddreg [dreg:$0x1];
	s6 =	sor.u32 s7, s6  }
0xa: {  	_ =	strace $0x80000047;
	s4 =	sadd.s32 s4, s5;
	s6 =	sshrl.u32 s6, $0x3  }
0xb: {  	s3 =	sadd.s32 $0xC600, s4;
	s4 =	sadd.s32 $0x2800, s4;
	s6 =	sadd.s32 s6, s5  }
0xc: {  	v0 =	vimm.f32 $0.0e+00;
	v1 =	vimm.f32 $1.000000000e+00;
	s7 =	smax.u32 s31, $0x1;
	s5 =	sadd.s32 $0x16400, s6;
	s6 =	sadd.s32 $0x20400, s6  }
.LBB2_1:
0xd: {  	[tilespmem:s2], [sflag:$0x1] =	stream.linear.gather [hbm4b:s3+s2], $0x2710, $0x38;
	[tilespmem:$0x9F00] =	vst v63  }
0xe: {  	s17 =	simm.s32 $0x40;
	s18 =	simm.s32 $0x0  }
0xf: {  	[tilespmem:s8], [sflag:$0x2] =	stream.linear.gather [hbm4b:s4+s2], $0x2710, $0x38;
	[tilespmem:$0x9F00] =	vst v63  }
.LBB2_2:
0x10: {  	p0 =	sne.s32 s17, $0x9FC0;
	[tilespmem:s18+$0x4F00] =	vst v0;
	s19 =	smov.u32 s17;
	s17 =	sadd.s32 $0x40, s17  }
.Ltmp0:
0x11: {  	[tilespmem:s18+$0x7700] =	vst v0;
	(pc) =	sbr.rel @p0 .LBB2_2-.Ltmp0, $2  }
0x12: {  	_ =	sdelay $0x2  }
0x13: {  	s18 =	sshra.s32 s19, $0x2  }
0x14: {  	[tilespmem:s18+$0x4F00] =	vst v0  }
0x15: {  	[tilespmem:s18+$0x7700] =	vst v0  }
0x16: {  	_ =	swait.ge [sflag:s9], $0x2710  }
0x17: {  	[sflag:s9] =	ssyncset.done $0x0  }
0x18: {  	[sflag:s9] =	ssyncadd.s32 $0xFFFFD8F0  }
0x19: {  	_ =	swait.ge [sflag:s10], $0x2710  }
0x1a: {  	[sflag:s10] =	ssyncset.done $0x0  }
0x1b: {  	s18 =	simm.s32 $0x0;
	s17 =	simm.s32 $0x40;
	[sflag:s10] =	ssyncadd.s32 $0xFFFFD8F0  }
.LBB2_4:
0x1c: {  	p0 =	sne.s32 s17, $0x9C00;
	v2 =	vld [tilespmem:s18+$0x0];
	_ =	sdelay $0x7  }
0x1d: {  	[tilespmem:v2+s11+$0x0] =	vst.idx.add.f32.msk $0xffff, v1  }
0x1e: {  	v2 =	vld [tilespmem:s18+$0x2780];
	_ =	sdelay $0x3  }
.Ltmp1:
0x1f: {  	(pc) =	sbr.rel @p0 .LBB2_4-.Ltmp1, $2  }
0x20: {  	_ =	sdelay $0x2  }
0x21: {  	s18 =	sshra.s32 s17, $0x2;
	s17 =	sadd.s32 $0x40, s17;
	[tilespmem:v2+s12+$0x0] =	vst.idx.add.f32.msk $0xffff, v1  }
0x22: {  	v2 =	vld [tilespmem:s18+$0x0];
	_ =	sdelay $0x7  }
0x23: {  	[tilespmem:v2+s11+$0x0] =	vst.idx.add.f32.msk $0xffff, v1  }
0x24: {  	v2 =	vld [tilespmem:s18+$0x2780];
	_ =	sdelay $0x7  }
0x25: {  	[tilespmem:v2+s12+$0x0] =	vst.idx.add.f32.msk $0xffff, v1  }
0x26: {  	[hbm4b:s5+s13] =	stream.strided.scatter [tilespmem:s11], [sflag:$0x3], $0x2800, s14, s13, $0x38;
	[tilespmem:$0x9F00] =	vst v63  }
0x27: {  	s16 =	sadd.s32 $0x1, s16;
	_ =	swait.ge [sflag:s15], $0x2800  }
0x28: {  	p0 =	sne.s32 s16, s7;
	[sflag:s15] =	ssyncset.done $0x0  }
.Ltmp2:
0x29: {  	[sflag:s15] =	ssyncadd.s32 $0xFFFFD800;
	(pc) =	sbr.rel @p0 .LBB2_1-.Ltmp2, $4  }
0x2a: {  	[hbm4b:s6+s13] =	stream.strided.scatter [tilespmem:s12], [sflag:$0x3], $0x2800, s14, s13, $0x38;
	[tilespmem:$0x9F00] =	vst v63  }
0x2b: {  	_ =	swait.ge [sflag:s15], $0x2800  }
0x2c: {  	[sflag:s15] =	ssyncset.done $0x0  }
0x2d: {  	[sflag:s15] =	ssyncadd.s32 $0xFFFFD800  }
0x2e: {  	_ =	sfence.sel $0x180000  }
0x2f: {  	[bflag:$0x0] =	sbarrier.arrive $0xFFFF  }
0x30: {  	p0 =	sne.s32 s0, $0x0;
	_ =	strace $0x90000047  }
0x31: {  	s0 =	sadd.s32 @!p0 $0x100000, s1;
	[bflag:$0x2] =	sbarrier.arrive $0xFFFF  }
0x32: {  	[sflag:s0] =	ssyncadd.tile.s32 @!p0 $0x1;
	_ =	shalt  }
.Lfunc_end2:
_tile_overlayer_lowered:
.L_overlay_start_2:
0x33: {  	(tag) =	ssettag $0x2  }
0x34: {  	s0 =	rddreg [dreg:$0x0];
	s2 =	stileid.u32  }
0x35: {  	s1 =	rddreg [dreg:$0x1];
	p0 =	sne.s32 s2, $0x0  }
0x36: {  	s3 =	rddreg [dreg:$0x2];
	[bflag:$0x3] =	sbarrier.arrive $0xFFFF;
	s2 =	simm.s32 @!p0 $0x1C03  }
0x37: {  	[timem:s3], [sflag:s2] =	dma.local @!p0 [hbm:s0], s1  }
0x38: {  	s0 =	simm.s32 @!p0 $0x3  }
0x39: {  	_ =	swait.ge @!p0 [sflag:s0], s1  }
0x3a: {  	s1 =	ssub.s32 @!p0 $0x0, s1;
	[sflag:s0] =	ssyncset.done @!p0 $0x0  }
0x3b: {  	[sflag:s0] =	ssyncadd.s32 @!p0 s1  }
0x3c: {  	[bflag:$0x3] =	sbarrier.arrive $0xFFFF  }
0x3d: {  	_ =	shalt  }

</sc_bundles>
